<compile_context>
chip_gen: v7x
topology: tpu7x:2x2x1
jax: 0.10.2.dev20260603
libtpu: 0.0.44.dev20260713+nightly
codegen_flags: <defaults>
</compile_context>

<pallas_src>
import functools

import jax
import jax.numpy as jnp
from jax.experimental import pallas as pl
from jax.experimental.pallas import tpu as pltpu
from jax.experimental.pallas import tpu_sc as plsc

N = 4096
F = 768
K = 8
C = 8
KC = K * C
LOG2PI = 1.8378770664093453
R = 2048
G = N // R

_SC_NC = 1
_SC_NS = 16
_SC_NW = _SC_NC * _SC_NS
_SC_CHUNK = N // _SC_NW
_SC_L = 16


def _tc_body(x_ref, cent_ref, mu_ref, lv_ref, lw_ref,
             pack_ref, p_ref, m2_ref, bias_ref, z_ref, cb_ref):
    pid = pl.program_id(0)

    @pl.when(pid == 0)
    def _prep():
        lv = lv_ref[...]
        mu = mu_ref[...]
        p = jnp.exp(-lv)
        m2 = mu * p
        p_ref[...] = (-0.5 * p).astype(jnp.bfloat16)
        m2_ref[0:KC, :] = m2.astype(jnp.bfloat16)
        m2_ref[KC:KC + K, :] = cent_ref[...].astype(jnp.bfloat16)
        bias_ref[...] = (-0.5 * (jnp.sum(mu * m2 + lv, axis=1, keepdims=True)
                                 + F * LOG2PI) + lw_ref[...])
        zs = []
        for k in range(K):
            g = lw_ref[k * C:(k + 1) * C, :]
            m = jnp.max(g, axis=0, keepdims=True)
            zs.append(m + jnp.log(jnp.sum(jnp.exp(g - m), axis=0,
                                          keepdims=True)))
        z_ref[...] = jnp.concatenate(zs, axis=0)
        c = cent_ref[...]
        cb_ref[...] = -0.5 * jnp.sum(c * c, axis=1, keepdims=True)

    x = x_ref[...]
    x_bf = x.astype(jnp.bfloat16)
    xsq_bf = (x * x).astype(jnp.bfloat16)

    dot_bf = functools.partial(
        jax.lax.dot_general,
        dimension_numbers=(((1,), (1,)), ((), ())),
        preferred_element_type=jnp.float32,
    )
    s1t = dot_bf(p_ref[...], xsq_bf)
    s2t = dot_bf(m2_ref[...], x_bf)
    comp = s1t + s2t[0:KC, :] + bias_ref[...]

    pack_ref[K:2 * K, :] = s2t[KC:KC + K, :] + cb_ref[...]

    lses = []
    for k in range(K):
        g = comp[k * C:(k + 1) * C, :]
        m = jnp.max(g, axis=0, keepdims=True)
        lses.append(m + jnp.log(jnp.sum(jnp.exp(g - m), axis=0,
                                        keepdims=True)))
    pack_ref[0:K, :] = jnp.concatenate(lses, axis=0) - z_ref[...]


def _sc_route_body(pack_hbm, out_hbm, pack_v, out_v):
    wid = jax.lax.axis_index("s") * _SC_NC + jax.lax.axis_index("c")
    base = wid * _SC_CHUNK
    cols = pl.ds(base, _SC_CHUNK)
    pltpu.sync_copy(pack_hbm.at[:, cols], pack_v)
    for i in range(_SC_CHUNK // _SC_L):
        s = pl.ds(_SC_L * i, _SC_L)
        best = pack_v[K, s]
        pick = pack_v[0, s]
        for k in range(1, K):
            v = pack_v[K + k, s]
            m = v > best
            pick = jnp.where(m, pack_v[k, s], pick)
            best = jnp.where(m, v, best)
        out_v[s] = pick
    pltpu.sync_copy(out_v, out_hbm.at[cols])


def kernel(x, centroids, means, logvars, logweights):
    mu = means.reshape(KC, F)
    lv = logvars.reshape(KC, F)
    lw = logweights.reshape(KC, 1)
    pack = pl.pallas_call(
        _tc_body,
        grid=(G,),
        in_specs=[
            pl.BlockSpec((R, F), lambda i: (i, 0)),
            pl.BlockSpec((K, F), lambda i: (0, 0)),
            pl.BlockSpec((KC, F), lambda i: (0, 0)),
            pl.BlockSpec((KC, F), lambda i: (0, 0)),
            pl.BlockSpec((KC, 1), lambda i: (0, 0)),
        ],
        out_specs=pl.BlockSpec((2 * K, R), lambda i: (0, i)),
        out_shape=jax.ShapeDtypeStruct((2 * K, N), jnp.float32),
        scratch_shapes=[
            pltpu.VMEM((KC, F), jnp.bfloat16),
            pltpu.VMEM((KC + K, F), jnp.bfloat16),
            pltpu.VMEM((KC, 1), jnp.float32),
            pltpu.VMEM((K, 1), jnp.float32),
            pltpu.VMEM((K, 1), jnp.float32),
        ],
    )(x, centroids, mu, lv, lw)

    mesh = plsc.VectorSubcoreMesh(core_axis_name="c", subcore_axis_name="s",
                                  num_cores=_SC_NC)
    out = pl.kernel(
        _sc_route_body,
        out_type=jax.ShapeDtypeStruct((N,), jnp.float32),
        mesh=mesh,
        scratch_types=[
            pltpu.VMEM((2 * K, _SC_CHUNK), jnp.float32),
            pltpu.VMEM((_SC_CHUNK,), jnp.float32),
        ],
    )(pack)
    return out

# --- scband reference (transcript-rebuilt; emitter-appended) ---
"""Pipeline reference for scband-mixture-6519760355972 (READ-ONLY COPY).

The authoritative reference and input builder live on the scoring server;
editing this copy changes nothing except your own understanding.
"""

import jax, jax.numpy as jnp
import numpy as np

N = 4096            # number of samples (batch*seq from LANG_PROMPT)
F = 768             # num_features (d_model)
K = 8               # n_components (experts / Einet mixture components)
C = 8               # inner sum-components per Einet (stand-in leaf mixture)
LOG2PI = float(np.log(2.0 * np.pi))


def setup_inputs(seed: int = 0) -> dict:
    key = jax.random.key(seed)
    k1, k2, k3, k4, k5 = jax.random.split(key, 5)
    x = jax.random.normal(k1, (N, F), dtype=jnp.float32)
    # buffers / learned parameters of the Mixture + per-component Einet stand-ins
    centroids = jax.random.normal(k2, (K, F), dtype=jnp.float32)          # kmeans centroids buffer
    means = jax.random.normal(k3, (K, C, F), dtype=jnp.float32)           # per-expert Gaussian leaf means
    logvars = 0.1 * jax.random.normal(k4, (K, C, F), dtype=jnp.float32)   # per-expert Gaussian leaf log-variances
    logweights = jax.random.normal(k5, (K, C), dtype=jnp.float32)         # per-expert root sum-node weights
    return {"x": x, "centroids": centroids, "means": means, "logvars": logvars, "logweights": logweights}


def reference(x, centroids, means, logvars, logweights):
    # --- _predict_cluster: KMeans.max_sim with euclidean metric == argmin squared distance ---
    xf = x.reshape(x.shape[0], -1).astype(jnp.float32)
    d2 = jnp.sum((xf[:, None, :] - centroids[None, :, :]) ** 2, axis=-1)   # [N, K]
    cluster_idx = jnp.argmin(d2, axis=1)                                    # [N] hard routing

    # --- route each sample to its assigned Einet (gather expert params per sample) ---
    mu = means[cluster_idx]          # [N, C, F]
    lv = logvars[cluster_idx]        # [N, C, F]
    lw = logweights[cluster_idx]     # [N, C]

    # --- Einet forward (root sum node over C Gaussian leaf product nodes): log-likelihood ---
    diff = xf[:, None, :] - mu
    logpdf = -0.5 * (diff * diff * jnp.exp(-lv) + lv + LOG2PI)              # [N, C, F]
    comp_ll = jnp.sum(logpdf, axis=-1) + jax.nn.log_softmax(lw, axis=-1)    # [N, C]
    lls_sorted = jax.nn.logsumexp(comp_ll, axis=-1)                         # [N]

    # Gathering by cluster_idx and computing per-sample already yields results in the
    # original data order, matching the permutation-restore logic of the torch forward.
    return lls_sorted

if __name__ == "__main__":
    import jax
    _d = setup_inputs()
    print(jax.jit(kernel)(*tuple(_d.values())))

</pallas_src>

<mosaic_0001>
#map = affine_map<(d0, d1) -> (0, 0)>
#map1 = affine_map<(d0, d1) -> (0)>
module attributes {stable_mosaic.version = 14 : i64} {
  func.func @_sc_route_body(%arg0: i32, %arg1: i32, %arg2: memref<16x4096xf32, #tpu.memory_space<hbm>>, %arg3: memref<4096xf32, #tpu.memory_space<hbm>>, %arg4: memref<16x256xf32, #tpu.memory_space<vmem>>, %arg5: memref<256xf32, #tpu.memory_space<vmem>>) attributes {dimension_semantics = [#tpu.dimension_semantics<core_parallel>, #tpu.dimension_semantics<subcore_parallel>], iteration_bounds = array<i64: 1, 16>, scalar_prefetch = 0 : i64, scratch_operands = 2 : i64, tpu.core_type = #tpu.core_type<sc_vector_subcore>, window_params = [{transform_indices = #map}, {transform_indices = #map1}]} {
    %mul3A = arith.constant 1 : i32
    %mul3A_0 = arith.muli %arg1, %mul3A : i32
    %add3A = arith.addi %mul3A_0, %arg0 : i32
    %mul3A_1 = arith.constant 256 : i32
    %mul3A_2 = arith.muli %add3A, %mul3A_1 : i32
    "tpu.region"() ({
      %run_scoped3A = tpu.sem_alloc : memref<!tpu.dma_semaphore, #tpu.memory_space<semaphore_mem>>
      %dma_start3A = arith.constant 0 : i32
      %dma_start3A_1679 = tpu.memref_slice %arg2[%dma_start3A, %mul3A_2] : memref<16x4096xf32, #tpu.memory_space<hbm>> -> memref<16x256xf32, #tpu.memory_space<hbm>>
      %dma_start3A_1680 = arith.constant 0 : i32
      %dma_start3A_1681 = tpu.memref_slice %arg2[%dma_start3A_1680, %mul3A_2] : memref<16x4096xf32, #tpu.memory_space<hbm>> -> memref<16x256xf32, #tpu.memory_space<hbm>>
      tpu.enqueue_dma source(%dma_start3A_1681 : memref<16x256xf32, #tpu.memory_space<hbm>>) target(%arg4 : memref<16x256xf32, #tpu.memory_space<vmem>>) target_semaphore(%run_scoped3A : memref<!tpu.dma_semaphore, #tpu.memory_space<semaphore_mem>>)
      %dma_wait3A = arith.constant 0 : i32
      %dma_wait3A_1682 = tpu.memref_slice %arg2[%dma_wait3A, %mul3A_2] : memref<16x4096xf32, #tpu.memory_space<hbm>> -> memref<16x256xf32, #tpu.memory_space<hbm>>
      %dma_wait3A_1683 = arith.constant 0 : i32
      %dma_wait3A_1684 = tpu.memref_slice %arg2[%dma_wait3A_1683, %mul3A_2] : memref<16x4096xf32, #tpu.memory_space<hbm>> -> memref<16x256xf32, #tpu.memory_space<hbm>>
      tpu.wait_dma2 semaphore(%run_scoped3A : memref<!tpu.dma_semaphore, #tpu.memory_space<semaphore_mem>>) src(%dma_wait3A_1684 : memref<16x256xf32, #tpu.memory_space<hbm>>) dst(%arg4 : memref<16x256xf32, #tpu.memory_space<vmem>>)
      tpu.yield
    }) : () -> ()
    %get3A = arith.constant 8 : i32
    %get3A_3 = arith.index_cast %get3A : i32 to index
    %get3A_4 = arith.constant 0 : index
    %get3A_5 = tpu.vector_load %arg4[%get3A_3, %get3A_4] {strides = array<i32>} : memref<16x256xf32, #tpu.memory_space<vmem>>, vector<1x16xf32>,
    %get3A_6 = vector.shape_cast %get3A_5 : vector<1x16xf32> to vector<16xf32>
    %get3A_7 = arith.constant 0 : i32
    %get3A_8 = arith.index_cast %get3A_7 : i32 to index
    %get3A_9 = arith.constant 0 : index
    %get3A_10 = tpu.vector_load %arg4[%get3A_8, %get3A_9] {strides = array<i32>} : memref<16x256xf32, #tpu.memory_space<vmem>>, vector<1x16xf32>,
    %get3A_11 = vector.shape_cast %get3A_10 : vector<1x16xf32> to vector<16xf32>
    %get3A_12 = arith.constant 9 : i32
    %get3A_13 = arith.index_cast %get3A_12 : i32 to index
    %get3A_14 = arith.constant 0 : index
    %get3A_15 = tpu.vector_load %arg4[%get3A_13, %get3A_14] {strides = array<i32>} : memref<16x256xf32, #tpu.memory_space<vmem>>, vector<1x16xf32>,
    %get3A_16 = vector.shape_cast %get3A_15 : vector<1x16xf32> to vector<16xf32>
    %gt3A = arith.cmpf ogt, %get3A_16, %get3A_6 : vector<16xf32>
    %get3A_17 = arith.constant 1 : i32
    %get3A_18 = arith.index_cast %get3A_17 : i32 to index
    %get3A_19 = arith.constant 0 : index
    %get3A_20 = tpu.vector_load %arg4[%get3A_18, %get3A_19] {strides = array<i32>} : memref<16x256xf32, #tpu.memory_space<vmem>>, vector<1x16xf32>,
    %get3A_21 = vector.shape_cast %get3A_20 : vector<1x16xf32> to vector<16xf32>
    %select_n3A = arith.select %gt3A, %get3A_21, %get3A_11 : vector<16xi1>, vector<16xf32>
    %select_n3A_22 = arith.select %gt3A, %get3A_16, %get3A_6 : vector<16xi1>, vector<16xf32>
    %get3A_23 = arith.constant 10 : i32
    %get3A_24 = arith.index_cast %get3A_23 : i32 to index
    %get3A_25 = arith.constant 0 : index
    %get3A_26 = tpu.vector_load %arg4[%get3A_24, %get3A_25] {strides = array<i32>} : memref<16x256xf32, #tpu.memory_space<vmem>>, vector<1x16xf32>,
    %get3A_27 = vector.shape_cast %get3A_26 : vector<1x16xf32> to vector<16xf32>
    %gt3A_28 = arith.cmpf ogt, %get3A_27, %select_n3A_22 : vector<16xf32>
    %get3A_29 = arith.constant 2 : i32
    %get3A_30 = arith.index_cast %get3A_29 : i32 to index
    %get3A_31 = arith.constant 0 : index
    %get3A_32 = tpu.vector_load %arg4[%get3A_30, %get3A_31] {strides = array<i32>} : memref<16x256xf32, #tpu.memory_space<vmem>>, vector<1x16xf32>,
    %get3A_33 = vector.shape_cast %get3A_32 : vector<1x16xf32> to vector<16xf32>
    %select_n3A_34 = arith.select %gt3A_28, %get3A_33, %select_n3A : vector<16xi1>, vector<16xf32>
    %select_n3A_35 = arith.select %gt3A_28, %get3A_27, %select_n3A_22 : vector<16xi1>, vector<16xf32>
    %get3A_36 = arith.constant 11 : i32
    %get3A_37 = arith.index_cast %get3A_36 : i32 to index
    %get3A_38 = arith.constant 0 : index
    %get3A_39 = tpu.vector_load %arg4[%get3A_37, %get3A_38] {strides = array<i32>} : memref<16x256xf32, #tpu.memory_space<vmem>>, vector<1x16xf32>,
    %get3A_40 = vector.shape_cast %get3A_39 : vector<1x16xf32> to vector<16xf32>
    %gt3A_41 = arith.cmpf ogt, %get3A_40, %select_n3A_35 : vector<16xf32>
    %get3A_42 = arith.constant 3 : i32
    %get3A_43 = arith.index_cast %get3A_42 : i32 to index
    %get3A_44 = arith.constant 0 : index
    %get3A_45 = tpu.vector_load %arg4[%get3A_43, %get3A_44] {strides = array<i32>} : memref<16x256xf32, #tpu.memory_space<vmem>>, vector<1x16xf32>,
    %get3A_46 = vector.shape_cast %get3A_45 : vector<1x16xf32> to vector<16xf32>
    %select_n3A_47 = arith.select %gt3A_41, %get3A_46, %select_n3A_34 : vector<16xi1>, vector<16xf32>
    %select_n3A_48 = arith.select %gt3A_41, %get3A_40, %select_n3A_35 : vector<16xi1>, vector<16xf32>
    %get3A_49 = arith.constant 12 : i32
    %get3A_50 = arith.index_cast %get3A_49 : i32 to index
    %get3A_51 = arith.constant 0 : index
    %get3A_52 = tpu.vector_load %arg4[%get3A_50, %get3A_51] {strides = array<i32>} : memref<16x256xf32, #tpu.memory_space<vmem>>, vector<1x16xf32>,
    %get3A_53 = vector.shape_cast %get3A_52 : vector<1x16xf32> to vector<16xf32>
    %gt3A_54 = arith.cmpf ogt, %get3A_53, %select_n3A_48 : vector<16xf32>
    %get3A_55 = arith.constant 4 : i32
    %get3A_56 = arith.index_cast %get3A_55 : i32 to index
    %get3A_57 = arith.constant 0 : index
    %get3A_58 = tpu.vector_load %arg4[%get3A_56, %get3A_57] {strides = array<i32>} : memref<16x256xf32, #tpu.memory_space<vmem>>, vector<1x16xf32>,
    %get3A_59 = vector.shape_cast %get3A_58 : vector<1x16xf32> to vector<16xf32>
    %select_n3A_60 = arith.select %gt3A_54, %get3A_59, %select_n3A_47 : vector<16xi1>, vector<16xf32>
    %select_n3A_61 = arith.select %gt3A_54, %get3A_53, %select_n3A_48 : vector<16xi1>, vector<16xf32>
    %get3A_62 = arith.constant 13 : i32
    %get3A_63 = arith.index_cast %get3A_62 : i32 to index
    %get3A_64 = arith.constant 0 : index
    %get3A_65 = tpu.vector_load %arg4[%get3A_63, %get3A_64] {strides = array<i32>} : memref<16x256xf32, #tpu.memory_space<vmem>>, vector<1x16xf32>,
    %get3A_66 = vector.shape_cast %get3A_65 : vector<1x16xf32> to vector<16xf32>
    %gt3A_67 = arith.cmpf ogt, %get3A_66, %select_n3A_61 : vector<16xf32>
    %get3A_68 = arith.constant 5 : i32
    %get3A_69 = arith.index_cast %get3A_68 : i32 to index
    %get3A_70 = arith.constant 0 : index
    %get3A_71 = tpu.vector_load %arg4[%get3A_69, %get3A_70] {strides = array<i32>} : memref<16x256xf32, #tpu.memory_space<vmem>>, vector<1x16xf32>,
    %get3A_72 = vector.shape_cast %get3A_71 : vector<1x16xf32> to vector<16xf32>
    %select_n3A_73 = arith.select %gt3A_67, %get3A_72, %select_n3A_60 : vector<16xi1>, vector<16xf32>
    %select_n3A_74 = arith.select %gt3A_67, %get3A_66, %select_n3A_61 : vector<16xi1>, vector<16xf32>
    %get3A_75 = arith.constant 14 : i32
    %get3A_76 = arith.index_cast %get3A_75 : i32 to index
    %get3A_77 = arith.constant 0 : index
    %get3A_78 = tpu.vector_load %arg4[%get3A_76, %get3A_77] {strides = array<i32>} : memref<16x256xf32, #tpu.memory_space<vmem>>, vector<1x16xf32>,
    %get3A_79 = vector.shape_cast %get3A_78 : vector<1x16xf32> to vector<16xf32>
    %gt3A_80 = arith.cmpf ogt, %get3A_79, %select_n3A_74 : vector<16xf32>
    %get3A_81 = arith.constant 6 : i32
    %get3A_82 = arith.index_cast %get3A_81 : i32 to index
    %get3A_83 = arith.constant 0 : index
    %get3A_84 = tpu.vector_load %arg4[%get3A_82, %get3A_83] {strides = array<i32>} : memref<16x256xf32, #tpu.memory_space<vmem>>, vector<1x16xf32>,
    %get3A_85 = vector.shape_cast %get3A_84 : vector<1x16xf32> to vector<16xf32>
    %select_n3A_86 = arith.select %gt3A_80, %get3A_85, %select_n3A_73 : vector<16xi1>, vector<16xf32>
    %select_n3A_87 = arith.select %gt3A_80, %get3A_79, %select_n3A_74 : vector<16xi1>, vector<16xf32>
    %get3A_88 = arith.constant 15 : i32
    %get3A_89 = arith.index_cast %get3A_88 : i32 to index
    %get3A_90 = arith.constant 0 : index
    %get3A_91 = tpu.vector_load %arg4[%get3A_89, %get3A_90] {strides = array<i32>} : memref<16x256xf32, #tpu.memory_space<vmem>>, vector<1x16xf32>,
    %get3A_92 = vector.shape_cast %get3A_91 : vector<1x16xf32> to vector<16xf32>
    %gt3A_93 = arith.cmpf ogt, %get3A_92, %select_n3A_87 : vector<16xf32>
    %get3A_94 = arith.constant 7 : i32
    %get3A_95 = arith.index_cast %get3A_94 : i32 to index
    %get3A_96 = arith.constant 0 : index
    %get3A_97 = tpu.vector_load %arg4[%get3A_95, %get3A_96] {strides = array<i32>} : memref<16x256xf32, #tpu.memory_space<vmem>>, vector<1x16xf32>,
    %get3A_98 = vector.shape_cast %get3A_97 : vector<1x16xf32> to vector<16xf32>
    %select_n3A_99 = arith.select %gt3A_93, %get3A_98, %select_n3A_86 : vector<16xi1>, vector<16xf32>
    %select_n3A_100 = arith.select %gt3A_93, %get3A_92, %select_n3A_87 : vector<16xi1>, vector<16xf32>
    %swap3A = arith.constant 0 : index
    %swap3A_101 = tpu.vector_load %arg5[%swap3A] {strides = array<i32>} : memref<256xf32, #tpu.memory_space<vmem>>, vector<16xf32>,
    %swap3A_102 = vector.shape_cast %swap3A_101 : vector<16xf32> to vector<16xf32>
    %swap3A_103 = vector.shape_cast %select_n3A_99 : vector<16xf32> to vector<16xf32>
    tpu.vector_store %arg5[%swap3A], %swap3A_103 {strides = array<i32>} : memref<256xf32, #tpu.memory_space<vmem>>, vector<16xf32>,
    %get3A_104 = arith.constant 8 : i32
    %get3A_105 = arith.index_cast %get3A_104 : i32 to index
    %get3A_106 = arith.constant 16 : index
    %get3A_107 = tpu.vector_load %arg4[%get3A_105, %get3A_106] {strides = array<i32>} : memref<16x256xf32, #tpu.memory_space<vmem>>, vector<1x16xf32>,
    %get3A_108 = vector.shape_cast %get3A_107 : vector<1x16xf32> to vector<16xf32>
    %get3A_109 = arith.constant 0 : i32
    %get3A_110 = arith.index_cast %get3A_109 : i32 to index
    %get3A_111 = arith.constant 16 : index
    %get3A_112 = tpu.vector_load %arg4[%get3A_110, %get3A_111] {strides = array<i32>} : memref<16x256xf32, #tpu.memory_space<vmem>>, vector<1x16xf32>,
    %get3A_113 = vector.shape_cast %get3A_112 : vector<1x16xf32> to vector<16xf32>
    %get3A_114 = arith.constant 9 : i32
    %get3A_115 = arith.index_cast %get3A_114 : i32 to index
    %get3A_116 = arith.constant 16 : index
    %get3A_117 = tpu.vector_load %arg4[%get3A_115, %get3A_116] {strides = array<i32>} : memref<16x256xf32, #tpu.memory_space<vmem>>, vector<1x16xf32>,
    %get3A_118 = vector.shape_cast %get3A_117 : vector<1x16xf32> to vector<16xf32>
    %gt3A_119 = arith.cmpf ogt, %get3A_118, %get3A_108 : vector<16xf32>
    %get3A_120 = arith.constant 1 : i32
    %get3A_121 = arith.index_cast %get3A_120 : i32 to index
    %get3A_122 = arith.constant 16 : index
    %get3A_123 = tpu.vector_load %arg4[%get3A_121, %get3A_122] {strides = array<i32>} : memref<16x256xf32, #tpu.memory_space<vmem>>, vector<1x16xf32>,
    %get3A_124 = vector.shape_cast %get3A_123 : vector<1x16xf32> to vector<16xf32>
    %select_n3A_125 = arith.select %gt3A_119, %get3A_124, %get3A_113 : vector<16xi1>, vector<16xf32>
    %select_n3A_126 = arith.select %gt3A_119, %get3A_118, %get3A_108 : vector<16xi1>, vector<16xf32>
    %get3A_127 = arith.constant 10 : i32
    %get3A_128 = arith.index_cast %get3A_127 : i32 to index
    %get3A_129 = arith.constant 16 : index
    %get3A_130 = tpu.vector_load %arg4[%get3A_128, %get3A_129] {strides = array<i32>} : memref<16x256xf32, #tpu.memory_space<vmem>>, vector<1x16xf32>,
    %get3A_131 = vector.shape_cast %get3A_130 : vector<1x16xf32> to vector<16xf32>
    %gt3A_132 = arith.cmpf ogt, %get3A_131, %select_n3A_126 : vector<16xf32>
    %get3A_133 = arith.constant 2 : i32
    %get3A_134 = arith.index_cast %get3A_133 : i32 to index
    %get3A_135 = arith.constant 16 : index
    %get3A_136 = tpu.vector_load %arg4[%get3A_134, %get3A_135] {strides = array<i32>} : memref<16x256xf32, #tpu.memory_space<vmem>>, vector<1x16xf32>,
    %get3A_137 = vector.shape_cast %get3A_136 : vector<1x16xf32> to vector<16xf32>
    %select_n3A_138 = arith.select %gt3A_132, %get3A_137, %select_n3A_125 : vector<16xi1>, vector<16xf32>
    %select_n3A_139 = arith.select %gt3A_132, %get3A_131, %select_n3A_126 : vector<16xi1>, vector<16xf32>
    %get3A_140 = arith.constant 11 : i32
    %get3A_141 = arith.index_cast %get3A_140 : i32 to index
    %get3A_142 = arith.constant 16 : index
    %get3A_143 = tpu.vector_load %arg4[%get3A_141, %get3A_142] {strides = array<i32>} : memref<16x256xf32, #tpu.memory_space<vmem>>, vector<1x16xf32>,
    %get3A_144 = vector.shape_cast %get3A_143 : vector<1x16xf32> to vector<16xf32>
    %gt3A_145 = arith.cmpf ogt, %get3A_144, %select_n3A_139 : vector<16xf32>
    %get3A_146 = arith.constant 3 : i32
    %get3A_147 = arith.index_cast %get3A_146 : i32 to index
    %get3A_148 = arith.constant 16 : index
    %get3A_149 = tpu.vector_load %arg4[%get3A_147, %get3A_148] {strides = array<i32>} : memref<16x256xf32, #tpu.memory_space<vmem>>, vector<1x16xf32>,
    %get3A_150 = vector.shape_cast %get3A_149 : vector<1x16xf32> to vector<16xf32>
    %select_n3A_151 = arith.select %gt3A_145, %get3A_150, %select_n3A_138 : vector<16xi1>, vector<16xf32>
    %select_n3A_152 = arith.select %gt3A_145, %get3A_144, %select_n3A_139 : vector<16xi1>, vector<16xf32>
    %get3A_153 = arith.constant 12 : i32
    %get3A_154 = arith.index_cast %get3A_153 : i32 to index
    %get3A_155 = arith.constant 16 : index
    %get3A_156 = tpu.vector_load %arg4[%get3A_154, %get3A_155] {strides = array<i32>} : memref<16x256xf32, #tpu.memory_space<vmem>>, vector<1x16xf32>,
    %get3A_157 = vector.shape_cast %get3A_156 : vector<1x16xf32> to vector<16xf32>
    %gt3A_158 = arith.cmpf ogt, %get3A_157, %select_n3A_152 : vector<16xf32>
    %get3A_159 = arith.constant 4 : i32
    %get3A_160 = arith.index_cast %get3A_159 : i32 to index
    %get3A_161 = arith.constant 16 : index
    %get3A_162 = tpu.vector_load %arg4[%get3A_160, %get3A_161] {strides = array<i32>} : memref<16x256xf32, #tpu.memory_space<vmem>>, vector<1x16xf32>,
    %get3A_163 = vector.shape_cast %get3A_162 : vector<1x16xf32> to vector<16xf32>
    %select_n3A_164 = arith.select %gt3A_158, %get3A_163, %select_n3A_151 : vector<16xi1>, vector<16xf32>
    %select_n3A_165 = arith.select %gt3A_158, %get3A_157, %select_n3A_152 : vector<16xi1>, vector<16xf32>
    %get3A_166 = arith.constant 13 : i32
    %get3A_167 = arith.index_cast %get3A_166 : i32 to index
    %get3A_168 = arith.constant 16 : index
    %get3A_169 = tpu.vector_load %arg4[%get3A_167, %get3A_168] {strides = array<i32>} : memref<16x256xf32, #tpu.memory_space<vmem>>, vector<1x16xf32>,
    %get3A_170 = vector.shape_cast %get3A_169 : vector<1x16xf32> to vector<16xf32>
    %gt3A_171 = arith.cmpf ogt, %get3A_170, %select_n3A_165 : vector<16xf32>
    %get3A_172 = arith.constant 5 : i32
    %get3A_173 = arith.index_cast %get3A_172 : i32 to index
    %get3A_174 = arith.constant 16 : index
    %get3A_175 = tpu.vector_load %arg4[%get3A_173, %get3A_174] {strides = array<i32>} : memref<16x256xf32, #tpu.memory_space<vmem>>, vector<1x16xf32>,
    %get3A_176 = vector.shape_cast %get3A_175 : vector<1x16xf32> to vector<16xf32>
    %select_n3A_177 = arith.select %gt3A_171, %get3A_176, %select_n3A_164 : vector<16xi1>, vector<16xf32>
    %select_n3A_178 = arith.select %gt3A_171, %get3A_170, %select_n3A_165 : vector<16xi1>, vector<16xf32>
    %get3A_179 = arith.constant 14 : i32
    %get3A_180 = arith.index_cast %get3A_179 : i32 to index
    %get3A_181 = arith.constant 16 : index
    %get3A_182 = tpu.vector_load %arg4[%get3A_180, %get3A_181] {strides = array<i32>} : memref<16x256xf32, #tpu.memory_space<vmem>>, vector<1x16xf32>,
    %get3A_183 = vector.shape_cast %get3A_182 : vector<1x16xf32> to vector<16xf32>
    %gt3A_184 = arith.cmpf ogt, %get3A_183, %select_n3A_178 : vector<16xf32>
    %get3A_185 = arith.constant 6 : i32
    %get3A_186 = arith.index_cast %get3A_185 : i32 to index
    %get3A_187 = arith.constant 16 : index
    %get3A_188 = tpu.vector_load %arg4[%get3A_186, %get3A_187] {strides = array<i32>} : memref<16x256xf32, #tpu.memory_space<vmem>>, vector<1x16xf32>,
    %get3A_189 = vector.shape_cast %get3A_188 : vector<1x16xf32> to vector<16xf32>
    %select_n3A_190 = arith.select %gt3A_184, %get3A_189, %select_n3A_177 : vector<16xi1>, vector<16xf32>
    %select_n3A_191 = arith.select %gt3A_184, %get3A_183, %select_n3A_178 : vector<16xi1>, vector<16xf32>
    %get3A_192 = arith.constant 15 : i32
    %get3A_193 = arith.index_cast %get3A_192 : i32 to index
    %get3A_194 = arith.constant 16 : index
    %get3A_195 = tpu.vector_load %arg4[%get3A_193, %get3A_194] {strides = array<i32>} : memref<16x256xf32, #tpu.memory_space<vmem>>, vector<1x16xf32>,
    %get3A_196 = vector.shape_cast %get3A_195 : vector<1x16xf32> to vector<16xf32>
    %gt3A_197 = arith.cmpf ogt, %get3A_196, %select_n3A_191 : vector<16xf32>
    %get3A_198 = arith.constant 7 : i32
    %get3A_199 = arith.index_cast %get3A_198 : i32 to index
    %get3A_200 = arith.constant 16 : index
    %get3A_201 = tpu.vector_load %arg4[%get3A_199, %get3A_200] {strides = array<i32>} : memref<16x256xf32, #tpu.memory_space<vmem>>, vector<1x16xf32>,
    %get3A_202 = vector.shape_cast %get3A_201 : vector<1x16xf32> to vector<16xf32>
    %select_n3A_203 = arith.select %gt3A_197, %get3A_202, %select_n3A_190 : vector<16xi1>, vector<16xf32>
    %select_n3A_204 = arith.select %gt3A_197, %get3A_196, %select_n3A_191 : vector<16xi1>, vector<16xf32>
    %swap3A_205 = arith.constant 16 : index
    %swap3A_206 = tpu.vector_load %arg5[%swap3A_205] {strides = array<i32>} : memref<256xf32, #tpu.memory_space<vmem>>, vector<16xf32>,
    %swap3A_207 = vector.shape_cast %swap3A_206 : vector<16xf32> to vector<16xf32>
    %swap3A_208 = vector.shape_cast %select_n3A_203 : vector<16xf32> to vector<16xf32>
    tpu.vector_store %arg5[%swap3A_205], %swap3A_208 {strides = array<i32>} : memref<256xf32, #tpu.memory_space<vmem>>, vector<16xf32>,
    %get3A_209 = arith.constant 8 : i32
    %get3A_210 = arith.index_cast %get3A_209 : i32 to index
    %get3A_211 = arith.constant 32 : index
    %get3A_212 = tpu.vector_load %arg4[%get3A_210, %get3A_211] {strides = array<i32>} : memref<16x256xf32, #tpu.memory_space<vmem>>, vector<1x16xf32>,
    %get3A_213 = vector.shape_cast %get3A_212 : vector<1x16xf32> to vector<16xf32>
    %get3A_214 = arith.constant 0 : i32
    %get3A_215 = arith.index_cast %get3A_214 : i32 to index
    %get3A_216 = arith.constant 32 : index
    %get3A_217 = tpu.vector_load %arg4[%get3A_215, %get3A_216] {strides = array<i32>} : memref<16x256xf32, #tpu.memory_space<vmem>>, vector<1x16xf32>,
    %get3A_218 = vector.shape_cast %get3A_217 : vector<1x16xf32> to vector<16xf32>
    %get3A_219 = arith.constant 9 : i32
    %get3A_220 = arith.index_cast %get3A_219 : i32 to index
    %get3A_221 = arith.constant 32 : index
    %get3A_222 = tpu.vector_load %arg4[%get3A_220, %get3A_221] {strides = array<i32>} : memref<16x256xf32, #tpu.memory_space<vmem>>, vector<1x16xf32>,
    %get3A_223 = vector.shape_cast %get3A_222 : vector<1x16xf32> to vector<16xf32>
    %gt3A_224 = arith.cmpf ogt, %get3A_223, %get3A_213 : vector<16xf32>
    %get3A_225 = arith.constant 1 : i32
    %get3A_226 = arith.index_cast %get3A_225 : i32 to index
    %get3A_227 = arith.constant 32 : index
    %get3A_228 = tpu.vector_load %arg4[%get3A_226, %get3A_227] {strides = array<i32>} : memref<16x256xf32, #tpu.memory_space<vmem>>, vector<1x16xf32>,
    %get3A_229 = vector.shape_cast %get3A_228 : vector<1x16xf32> to vector<16xf32>
    %select_n3A_230 = arith.select %gt3A_224, %get3A_229, %get3A_218 : vector<16xi1>, vector<16xf32>
    %select_n3A_231 = arith.select %gt3A_224, %get3A_223, %get3A_213 : vector<16xi1>, vector<16xf32>
    %get3A_232 = arith.constant 10 : i32
    %get3A_233 = arith.index_cast %get3A_232 : i32 to index
    %get3A_234 = arith.constant 32 : index
    %get3A_235 = tpu.vector_load %arg4[%get3A_233, %get3A_234] {strides = array<i32>} : memref<16x256xf32, #tpu.memory_space<vmem>>, vector<1x16xf32>,
    %get3A_236 = vector.shape_cast %get3A_235 : vector<1x16xf32> to vector<16xf32>
    %gt3A_237 = arith.cmpf ogt, %get3A_236, %select_n3A_231 : vector<16xf32>
    %get3A_238 = arith.constant 2 : i32
    %get3A_239 = arith.index_cast %get3A_238 : i32 to index
    %get3A_240 = arith.constant 32 : index
    %get3A_241 = tpu.vector_load %arg4[%get3A_239, %get3A_240] {strides = array<i32>} : memref<16x256xf32, #tpu.memory_space<vmem>>, vector<1x16xf32>,
    %get3A_242 = vector.shape_cast %get3A_241 : vector<1x16xf32> to vector<16xf32>
    %select_n3A_243 = arith.select %gt3A_237, %get3A_242, %select_n3A_230 : vector<16xi1>, vector<16xf32>
    %select_n3A_244 = arith.select %gt3A_237, %get3A_236, %select_n3A_231 : vector<16xi1>, vector<16xf32>
    %get3A_245 = arith.constant 11 : i32
    %get3A_246 = arith.index_cast %get3A_245 : i32 to index
    %get3A_247 = arith.constant 32 : index
    %get3A_248 = tpu.vector_load %arg4[%get3A_246, %get3A_247] {strides = array<i32>} : memref<16x256xf32, #tpu.memory_space<vmem>>, vector<1x16xf32>,
    %get3A_249 = vector.shape_cast %get3A_248 : vector<1x16xf32> to vector<16xf32>
    %gt3A_250 = arith.cmpf ogt, %get3A_249, %select_n3A_244 : vector<16xf32>
    %get3A_251 = arith.constant 3 : i32
    %get3A_252 = arith.index_cast %get3A_251 : i32 to index
    %get3A_253 = arith.constant 32 : index
    %get3A_254 = tpu.vector_load %arg4[%get3A_252, %get3A_253] {strides = array<i32>} : memref<16x256xf32, #tpu.memory_space<vmem>>, vector<1x16xf32>,
    %get3A_255 = vector.shape_cast %get3A_254 : vector<1x16xf32> to vector<16xf32>
    %select_n3A_256 = arith.select %gt3A_250, %get3A_255, %select_n3A_243 : vector<16xi1>, vector<16xf32>
    %select_n3A_257 = arith.select %gt3A_250, %get3A_249, %select_n3A_244 : vector<16xi1>, vector<16xf32>
    %get3A_258 = arith.constant 12 : i32
    %get3A_259 = arith.index_cast %get3A_258 : i32 to index
    %get3A_260 = arith.constant 32 : index
    %get3A_261 = tpu.vector_load %arg4[%get3A_259, %get3A_260] {strides = array<i32>} : memref<16x256xf32, #tpu.memory_space<vmem>>, vector<1x16xf32>,
    %get3A_262 = vector.shape_cast %get3A_261 : vector<1x16xf32> to vector<16xf32>
    %gt3A_263 = arith.cmpf ogt, %get3A_262, %select_n3A_257 : vector<16xf32>
    %get3A_264 = arith.constant 4 : i32
    %get3A_265 = arith.index_cast %get3A_264 : i32 to index
    %get3A_266 = arith.constant 32 : index
    %get3A_267 = tpu.vector_load %arg4[%get3A_265, %get3A_266] {strides = array<i32>} : memref<16x256xf32, #tpu.memory_space<vmem>>, vector<1x16xf32>,
    %get3A_268 = vector.shape_cast %get3A_267 : vector<1x16xf32> to vector<16xf32>
    %select_n3A_269 = arith.select %gt3A_263, %get3A_268, %select_n3A_256 : vector<16xi1>, vector<16xf32>
    %select_n3A_270 = arith.select %gt3A_263, %get3A_262, %select_n3A_257 : vector<16xi1>, vector<16xf32>
    %get3A_271 = arith.constant 13 : i32
    %get3A_272 = arith.index_cast %get3A_271 : i32 to index
    %get3A_273 = arith.constant 32 : index
    %get3A_274 = tpu.vector_load %arg4[%get3A_272, %get3A_273] {strides = array<i32>} : memref<16x256xf32, #tpu.memory_space<vmem>>, vector<1x16xf32>,
    %get3A_275 = vector.shape_cast %get3A_274 : vector<1x16xf32> to vector<16xf32>
    %gt3A_276 = arith.cmpf ogt, %get3A_275, %select_n3A_270 : vector<16xf32>
    %get3A_277 = arith.constant 5 : i32
    %get3A_278 = arith.index_cast %get3A_277 : i32 to index
    %get3A_279 = arith.constant 32 : index
    %get3A_280 = tpu.vector_load %arg4[%get3A_278, %get3A_279] {strides = array<i32>} : memref<16x256xf32, #tpu.memory_space<vmem>>, vector<1x16xf32>,
    %get3A_281 = vector.shape_cast %get3A_280 : vector<1x16xf32> to vector<16xf32>
    %select_n3A_282 = arith.select %gt3A_276, %get3A_281, %select_n3A_269 : vector<16xi1>, vector<16xf32>
    %select_n3A_283 = arith.select %gt3A_276, %get3A_275, %select_n3A_270 : vector<16xi1>, vector<16xf32>
    %get3A_284 = arith.constant 14 : i32
    %get3A_285 = arith.index_cast %get3A_284 : i32 to index
    %get3A_286 = arith.constant 32 : index
    %get3A_287 = tpu.vector_load %arg4[%get3A_285, %get3A_286] {strides = array<i32>} : memref<16x256xf32, #tpu.memory_space<vmem>>, vector<1x16xf32>,
    %get3A_288 = vector.shape_cast %get3A_287 : vector<1x16xf32> to vector<16xf32>
    %gt3A_289 = arith.cmpf ogt, %get3A_288, %select_n3A_283 : vector<16xf32>
    %get3A_290 = arith.constant 6 : i32
    %get3A_291 = arith.index_cast %get3A_290 : i32 to index
    %get3A_292 = arith.constant 32 : index
    %get3A_293 = tpu.vector_load %arg4[%get3A_291, %get3A_292] {strides = array<i32>} : memref<16x256xf32, #tpu.memory_space<vmem>>, vector<1x16xf32>,
    %get3A_294 = vector.shape_cast %get3A_293 : vector<1x16xf32> to vector<16xf32>
    %select_n3A_295 = arith.select %gt3A_289, %get3A_294, %select_n3A_282 : vector<16xi1>, vector<16xf32>
    %select_n3A_296 = arith.select %gt3A_289, %get3A_288, %select_n3A_283 : vector<16xi1>, vector<16xf32>
    %get3A_297 = arith.constant 15 : i32
    %get3A_298 = arith.index_cast %get3A_297 : i32 to index
    %get3A_299 = arith.constant 32 : index
    %get3A_300 = tpu.vector_load %arg4[%get3A_298, %get3A_299] {strides = array<i32>} : memref<16x256xf32, #tpu.memory_space<vmem>>, vector<1x16xf32>,
    %get3A_301 = vector.shape_cast %get3A_300 : vector<1x16xf32> to vector<16xf32>
    %gt3A_302 = arith.cmpf ogt, %get3A_301, %select_n3A_296 : vector<16xf32>
    %get3A_303 = arith.constant 7 : i32
    %get3A_304 = arith.index_cast %get3A_303 : i32 to index
    %get3A_305 = arith.constant 32 : index
    %get3A_306 = tpu.vector_load %arg4[%get3A_304, %get3A_305] {strides = array<i32>} : memref<16x256xf32, #tpu.memory_space<vmem>>, vector<1x16xf32>,
    %get3A_307 = vector.shape_cast %get3A_306 : vector<1x16xf32> to vector<16xf32>
    %select_n3A_308 = arith.select %gt3A_302, %get3A_307, %select_n3A_295 : vector<16xi1>, vector<16xf32>
    %select_n3A_309 = arith.select %gt3A_302, %get3A_301, %select_n3A_296 : vector<16xi1>, vector<16xf32>
    %swap3A_310 = arith.constant 32 : index
    %swap3A_311 = tpu.vector_load %arg5[%swap3A_310] {strides = array<i32>} : memref<256xf32, #tpu.memory_space<vmem>>, vector<16xf32>,
    %swap3A_312 = vector.shape_cast %swap3A_311 : vector<16xf32> to vector<16xf32>
    %swap3A_313 = vector.shape_cast %select_n3A_308 : vector<16xf32> to vector<16xf32>
    tpu.vector_store %arg5[%swap3A_310], %swap3A_313 {strides = array<i32>} : memref<256xf32, #tpu.memory_space<vmem>>, vector<16xf32>,
    %get3A_314 = arith.constant 8 : i32
    %get3A_315 = arith.index_cast %get3A_314 : i32 to index
    %get3A_316 = arith.constant 48 : index
    %get3A_317 = tpu.vector_load %arg4[%get3A_315, %get3A_316] {strides = array<i32>} : memref<16x256xf32, #tpu.memory_space<vmem>>, vector<1x16xf32>,
    %get3A_318 = vector.shape_cast %get3A_317 : vector<1x16xf32> to vector<16xf32>
    %get3A_319 = arith.constant 0 : i32
    %get3A_320 = arith.index_cast %get3A_319 : i32 to index
    %get3A_321 = arith.constant 48 : index
    %get3A_322 = tpu.vector_load %arg4[%get3A_320, %get3A_321] {strides = array<i32>} : memref<16x256xf32, #tpu.memory_space<vmem>>, vector<1x16xf32>,
    %get3A_323 = vector.shape_cast %get3A_322 : vector<1x16xf32> to vector<16xf32>
    %get3A_324 = arith.constant 9 : i32
    %get3A_325 = arith.index_cast %get3A_324 : i32 to index
    %get3A_326 = arith.constant 48 : index
    %get3A_327 = tpu.vector_load %arg4[%get3A_325, %get3A_326] {strides = array<i32>} : memref<16x256xf32, #tpu.memory_space<vmem>>, vector<1x16xf32>,
    %get3A_328 = vector.shape_cast %get3A_327 : vector<1x16xf32> to vector<16xf32>
    %gt3A_329 = arith.cmpf ogt, %get3A_328, %get3A_318 : vector<16xf32>
    %get3A_330 = arith.constant 1 : i32
    %get3A_331 = arith.index_cast %get3A_330 : i32 to index
    %get3A_332 = arith.constant 48 : index
    %get3A_333 = tpu.vector_load %arg4[%get3A_331, %get3A_332] {strides = array<i32>} : memref<16x256xf32, #tpu.memory_space<vmem>>, vector<1x16xf32>,
    %get3A_334 = vector.shape_cast %get3A_333 : vector<1x16xf32> to vector<16xf32>
    %select_n3A_335 = arith.select %gt3A_329, %get3A_334, %get3A_323 : vector<16xi1>, vector<16xf32>
    %select_n3A_336 = arith.select %gt3A_329, %get3A_328, %get3A_318 : vector<16xi1>, vector<16xf32>
    %get3A_337 = arith.constant 10 : i32
    %get3A_338 = arith.index_cast %get3A_337 : i32 to index
    %get3A_339 = arith.constant 48 : index
    %get3A_340 = tpu.vector_load %arg4[%get3A_338, %get3A_339] {strides = array<i32>} : memref<16x256xf32, #tpu.memory_space<vmem>>, vector<1x16xf32>,
    %get3A_341 = vector.shape_cast %get3A_340 : vector<1x16xf32> to vector<16xf32>
    %gt3A_342 = arith.cmpf ogt, %get3A_341, %select_n3A_336 : vector<16xf32>
    %get3A_343 = arith.constant 2 : i32
    %get3A_344 = arith.index_cast %get3A_343 : i32 to index
    %get3A_345 = arith.constant 48 : index
    %get3A_346 = tpu.vector_load %arg4[%get3A_344, %get3A_345] {strides = array<i32>} : memref<16x256xf32, #tpu.memory_space<vmem>>, vector<1x16xf32>,
    %get3A_347 = vector.shape_cast %get3A_346 : vector<1x16xf32> to vector<16xf32>
    %select_n3A_348 = arith.select %gt3A_342, %get3A_347, %select_n3A_335 : vector<16xi1>, vector<16xf32>
    %select_n3A_349 = arith.select %gt3A_342, %get3A_341, %select_n3A_336 : vector<16xi1>, vector<16xf32>
    %get3A_350 = arith.constant 11 : i32
    %get3A_351 = arith.index_cast %get3A_350 : i32 to index
    %get3A_352 = arith.constant 48 : index
    %get3A_353 = tpu.vector_load %arg4[%get3A_351, %get3A_352] {strides = array<i32>} : memref<16x256xf32, #tpu.memory_space<vmem>>, vector<1x16xf32>,
    %get3A_354 = vector.shape_cast %get3A_353 : vector<1x16xf32> to vector<16xf32>
    %gt3A_355 = arith.cmpf ogt, %get3A_354, %select_n3A_349 : vector<16xf32>
    %get3A_356 = arith.constant 3 : i32
    %get3A_357 = arith.index_cast %get3A_356 : i32 to index
    %get3A_358 = arith.constant 48 : index
    %get3A_359 = tpu.vector_load %arg4[%get3A_357, %get3A_358] {strides = array<i32>} : memref<16x256xf32, #tpu.memory_space<vmem>>, vector<1x16xf32>,
    %get3A_360 = vector.shape_cast %get3A_359 : vector<1x16xf32> to vector<16xf32>
    %select_n3A_361 = arith.select %gt3A_355, %get3A_360, %select_n3A_348 : vector<16xi1>, vector<16xf32>
    %select_n3A_362 = arith.select %gt3A_355, %get3A_354, %select_n3A_349 : vector<16xi1>, vector<16xf32>
    %get3A_363 = arith.constant 12 : i32
    %get3A_364 = arith.index_cast %get3A_363 : i32 to index
    %get3A_365 = arith.constant 48 : index
    %get3A_366 = tpu.vector_load %arg4[%get3A_364, %get3A_365] {strides = array<i32>} : memref<16x256xf32, #tpu.memory_space<vmem>>, vector<1x16xf32>,
    %get3A_367 = vector.shape_cast %get3A_366 : vector<1x16xf32> to vector<16xf32>
    %gt3A_368 = arith.cmpf ogt, %get3A_367, %select_n3A_362 : vector<16xf32>
    %get3A_369 = arith.constant 4 : i32
    %get3A_370 = arith.index_cast %get3A_369 : i32 to index
    %get3A_371 = arith.constant 48 : index
    %get3A_372 = tpu.vector_load %arg4[%get3A_370, %get3A_371] {strides = array<i32>} : memref<16x256xf32, #tpu.memory_space<vmem>>, vector<1x16xf32>,
    %get3A_373 = vector.shape_cast %get3A_372 : vector<1x16xf32> to vector<16xf32>
    %select_n3A_374 = arith.select %gt3A_368, %get3A_373, %select_n3A_361 : vector<16xi1>, vector<16xf32>
    %select_n3A_375 = arith.select %gt3A_368, %get3A_367, %select_n3A_362 : vector<16xi1>, vector<16xf32>
    %get3A_376 = arith.constant 13 : i32
    %get3A_377 = arith.index_cast %get3A_376 : i32 to index
    %get3A_378 = arith.constant 48 : index
    %get3A_379 = tpu.vector_load %arg4[%get3A_377, %get3A_378] {strides = array<i32>} : memref<16x256xf32, #tpu.memory_space<vmem>>, vector<1x16xf32>,
    %get3A_380 = vector.shape_cast %get3A_379 : vector<1x16xf32> to vector<16xf32>
    %gt3A_381 = arith.cmpf ogt, %get3A_380, %select_n3A_375 : vector<16xf32>
    %get3A_382 = arith.constant 5 : i32
    %get3A_383 = arith.index_cast %get3A_382 : i32 to index
    %get3A_384 = arith.constant 48 : index
    %get3A_385 = tpu.vector_load %arg4[%get3A_383, %get3A_384] {strides = array<i32>} : memref<16x256xf32, #tpu.memory_space<vmem>>, vector<1x16xf32>,
    %get3A_386 = vector.shape_cast %get3A_385 : vector<1x16xf32> to vector<16xf32>
    %select_n3A_387 = arith.select %gt3A_381, %get3A_386, %select_n3A_374 : vector<16xi1>, vector<16xf32>
    %select_n3A_388 = arith.select %gt3A_381, %get3A_380, %select_n3A_375 : vector<16xi1>, vector<16xf32>
    %get3A_389 = arith.constant 14 : i32
    %get3A_390 = arith.index_cast %get3A_389 : i32 to index
    %get3A_391 = arith.constant 48 : index
    %get3A_392 = tpu.vector_load %arg4[%get3A_390, %get3A_391] {strides = array<i32>} : memref<16x256xf32, #tpu.memory_space<vmem>>, vector<1x16xf32>,
    %get3A_393 = vector.shape_cast %get3A_392 : vector<1x16xf32> to vector<16xf32>
    %gt3A_394 = arith.cmpf ogt, %get3A_393, %select_n3A_388 : vector<16xf32>
    %get3A_395 = arith.constant 6 : i32
    %get3A_396 = arith.index_cast %get3A_395 : i32 to index
    %get3A_397 = arith.constant 48 : index
    %get3A_398 = tpu.vector_load %arg4[%get3A_396, %get3A_397] {strides = array<i32>} : memref<16x256xf32, #tpu.memory_space<vmem>>, vector<1x16xf32>,
    %get3A_399 = vector.shape_cast %get3A_398 : vector<1x16xf32> to vector<16xf32>
    %select_n3A_400 = arith.select %gt3A_394, %get3A_399, %select_n3A_387 : vector<16xi1>, vector<16xf32>
    %select_n3A_401 = arith.select %gt3A_394, %get3A_393, %select_n3A_388 : vector<16xi1>, vector<16xf32>
    %get3A_402 = arith.constant 15 : i32
    %get3A_403 = arith.index_cast %get3A_402 : i32 to index
    %get3A_404 = arith.constant 48 : index
    %get3A_405 = tpu.vector_load %arg4[%get3A_403, %get3A_404] {strides = array<i32>} : memref<16x256xf32, #tpu.memory_space<vmem>>, vector<1x16xf32>,
    %get3A_406 = vector.shape_cast %get3A_405 : vector<1x16xf32> to vector<16xf32>
    %gt3A_407 = arith.cmpf ogt, %get3A_406, %select_n3A_401 : vector<16xf32>
    %get3A_408 = arith.constant 7 : i32
    %get3A_409 = arith.index_cast %get3A_408 : i32 to index
    %get3A_410 = arith.constant 48 : index
    %get3A_411 = tpu.vector_load %arg4[%get3A_409, %get3A_410] {strides = array<i32>} : memref<16x256xf32, #tpu.memory_space<vmem>>, vector<1x16xf32>,
    %get3A_412 = vector.shape_cast %get3A_411 : vector<1x16xf32> to vector<16xf32>
    %select_n3A_413 = arith.select %gt3A_407, %get3A_412, %select_n3A_400 : vector<16xi1>, vector<16xf32>
    %select_n3A_414 = arith.select %gt3A_407, %get3A_406, %select_n3A_401 : vector<16xi1>, vector<16xf32>
    %swap3A_415 = arith.constant 48 : index
    %swap3A_416 = tpu.vector_load %arg5[%swap3A_415] {strides = array<i32>} : memref<256xf32, #tpu.memory_space<vmem>>, vector<16xf32>,
    %swap3A_417 = vector.shape_cast %swap3A_416 : vector<16xf32> to vector<16xf32>
    %swap3A_418 = vector.shape_cast %select_n3A_413 : vector<16xf32> to vector<16xf32>
    tpu.vector_store %arg5[%swap3A_415], %swap3A_418 {strides = array<i32>} : memref<256xf32, #tpu.memory_space<vmem>>, vector<16xf32>,
    %get3A_419 = arith.constant 8 : i32
    %get3A_420 = arith.index_cast %get3A_419 : i32 to index
    %get3A_421 = arith.constant 64 : index
    %get3A_422 = tpu.vector_load %arg4[%get3A_420, %get3A_421] {strides = array<i32>} : memref<16x256xf32, #tpu.memory_space<vmem>>, vector<1x16xf32>,
    %get3A_423 = vector.shape_cast %get3A_422 : vector<1x16xf32> to vector<16xf32>
    %get3A_424 = arith.constant 0 : i32
    %get3A_425 = arith.index_cast %get3A_424 : i32 to index
    %get3A_426 = arith.constant 64 : index
    %get3A_427 = tpu.vector_load %arg4[%get3A_425, %get3A_426] {strides = array<i32>} : memref<16x256xf32, #tpu.memory_space<vmem>>, vector<1x16xf32>,
    %get3A_428 = vector.shape_cast %get3A_427 : vector<1x16xf32> to vector<16xf32>
    %get3A_429 = arith.constant 9 : i32
    %get3A_430 = arith.index_cast %get3A_429 : i32 to index
    %get3A_431 = arith.constant 64 : index
    %get3A_432 = tpu.vector_load %arg4[%get3A_430, %get3A_431] {strides = array<i32>} : memref<16x256xf32, #tpu.memory_space<vmem>>, vector<1x16xf32>,
    %get3A_433 = vector.shape_cast %get3A_432 : vector<1x16xf32> to vector<16xf32>
    %gt3A_434 = arith.cmpf ogt, %get3A_433, %get3A_423 : vector<16xf32>
    %get3A_435 = arith.constant 1 : i32
    %get3A_436 = arith.index_cast %get3A_435 : i32 to index
    %get3A_437 = arith.constant 64 : index
    %get3A_438 = tpu.vector_load %arg4[%get3A_436, %get3A_437] {strides = array<i32>} : memref<16x256xf32, #tpu.memory_space<vmem>>, vector<1x16xf32>,
    %get3A_439 = vector.shape_cast %get3A_438 : vector<1x16xf32> to vector<16xf32>
    %select_n3A_440 = arith.select %gt3A_434, %get3A_439, %get3A_428 : vector<16xi1>, vector<16xf32>
    %select_n3A_441 = arith.select %gt3A_434, %get3A_433, %get3A_423 : vector<16xi1>, vector<16xf32>
    %get3A_442 = arith.constant 10 : i32
    %get3A_443 = arith.index_cast %get3A_442 : i32 to index
    %get3A_444 = arith.constant 64 : index
    %get3A_445 = tpu.vector_load %arg4[%get3A_443, %get3A_444] {strides = array<i32>} : memref<16x256xf32, #tpu.memory_space<vmem>>, vector<1x16xf32>,
    %get3A_446 = vector.shape_cast %get3A_445 : vector<1x16xf32> to vector<16xf32>
    %gt3A_447 = arith.cmpf ogt, %get3A_446, %select_n3A_441 : vector<16xf32>
    %get3A_448 = arith.constant 2 : i32
    %get3A_449 = arith.index_cast %get3A_448 : i32 to index
    %get3A_450 = arith.constant 64 : index
    %get3A_451 = tpu.vector_load %arg4[%get3A_449, %get3A_450] {strides = array<i32>} : memref<16x256xf32, #tpu.memory_space<vmem>>, vector<1x16xf32>,
    %get3A_452 = vector.shape_cast %get3A_451 : vector<1x16xf32> to vector<16xf32>
    %select_n3A_453 = arith.select %gt3A_447, %get3A_452, %select_n3A_440 : vector<16xi1>, vector<16xf32>
    %select_n3A_454 = arith.select %gt3A_447, %get3A_446, %select_n3A_441 : vector<16xi1>, vector<16xf32>
    %get3A_455 = arith.constant 11 : i32
    %get3A_456 = arith.index_cast %get3A_455 : i32 to index
    %get3A_457 = arith.constant 64 : index
    %get3A_458 = tpu.vector_load %arg4[%get3A_456, %get3A_457] {strides = array<i32>} : memref<16x256xf32, #tpu.memory_space<vmem>>, vector<1x16xf32>,
    %get3A_459 = vector.shape_cast %get3A_458 : vector<1x16xf32> to vector<16xf32>
    %gt3A_460 = arith.cmpf ogt, %get3A_459, %select_n3A_454 : vector<16xf32>
    %get3A_461 = arith.constant 3 : i32
    %get3A_462 = arith.index_cast %get3A_461 : i32 to index
    %get3A_463 = arith.constant 64 : index
    %get3A_464 = tpu.vector_load %arg4[%get3A_462, %get3A_463] {strides = array<i32>} : memref<16x256xf32, #tpu.memory_space<vmem>>, vector<1x16xf32>,
    %get3A_465 = vector.shape_cast %get3A_464 : vector<1x16xf32> to vector<16xf32>
    %select_n3A_466 = arith.select %gt3A_460, %get3A_465, %select_n3A_453 : vector<16xi1>, vector<16xf32>
    %select_n3A_467 = arith.select %gt3A_460, %get3A_459, %select_n3A_454 : vector<16xi1>, vector<16xf32>
    %get3A_468 = arith.constant 12 : i32
    %get3A_469 = arith.index_cast %get3A_468 : i32 to index
    %get3A_470 = arith.constant 64 : index
    %get3A_471 = tpu.vector_load %arg4[%get3A_469, %get3A_470] {strides = array<i32>} : memref<16x256xf32, #tpu.memory_space<vmem>>, vector<1x16xf32>,
    %get3A_472 = vector.shape_cast %get3A_471 : vector<1x16xf32> to vector<16xf32>
    %gt3A_473 = arith.cmpf ogt, %get3A_472, %select_n3A_467 : vector<16xf32>
    %get3A_474 = arith.constant 4 : i32
    %get3A_475 = arith.index_cast %get3A_474 : i32 to index
    %get3A_476 = arith.constant 64 : index
    %get3A_477 = tpu.vector_load %arg4[%get3A_475, %get3A_476] {strides = array<i32>} : memref<16x256xf32, #tpu.memory_space<vmem>>, vector<1x16xf32>,
    %get3A_478 = vector.shape_cast %get3A_477 : vector<1x16xf32> to vector<16xf32>
    %select_n3A_479 = arith.select %gt3A_473, %get3A_478, %select_n3A_466 : vector<16xi1>, vector<16xf32>
    %select_n3A_480 = arith.select %gt3A_473, %get3A_472, %select_n3A_467 : vector<16xi1>, vector<16xf32>
    %get3A_481 = arith.constant 13 : i32
    %get3A_482 = arith.index_cast %get3A_481 : i32 to index
    %get3A_483 = arith.constant 64 : index
    %get3A_484 = tpu.vector_load %arg4[%get3A_482, %get3A_483] {strides = array<i32>} : memref<16x256xf32, #tpu.memory_space<vmem>>, vector<1x16xf32>,
    %get3A_485 = vector.shape_cast %get3A_484 : vector<1x16xf32> to vector<16xf32>
    %gt3A_486 = arith.cmpf ogt, %get3A_485, %select_n3A_480 : vector<16xf32>
    %get3A_487 = arith.constant 5 : i32
    %get3A_488 = arith.index_cast %get3A_487 : i32 to index
    %get3A_489 = arith.constant 64 : index
    %get3A_490 = tpu.vector_load %arg4[%get3A_488, %get3A_489] {strides = array<i32>} : memref<16x256xf32, #tpu.memory_space<vmem>>, vector<1x16xf32>,
    %get3A_491 = vector.shape_cast %get3A_490 : vector<1x16xf32> to vector<16xf32>
    %select_n3A_492 = arith.select %gt3A_486, %get3A_491, %select_n3A_479 : vector<16xi1>, vector<16xf32>
    %select_n3A_493 = arith.select %gt3A_486, %get3A_485, %select_n3A_480 : vector<16xi1>, vector<16xf32>
    %get3A_494 = arith.constant 14 : i32
    %get3A_495 = arith.index_cast %get3A_494 : i32 to index
    %get3A_496 = arith.constant 64 : index
    %get3A_497 = tpu.vector_load %arg4[%get3A_495, %get3A_496] {strides = array<i32>} : memref<16x256xf32, #tpu.memory_space<vmem>>, vector<1x16xf32>,
    %get3A_498 = vector.shape_cast %get3A_497 : vector<1x16xf32> to vector<16xf32>
    %gt3A_499 = arith.cmpf ogt, %get3A_498, %select_n3A_493 : vector<16xf32>
    %get3A_500 = arith.constant 6 : i32
    %get3A_501 = arith.index_cast %get3A_500 : i32 to index
    %get3A_502 = arith.constant 64 : index
    %get3A_503 = tpu.vector_load %arg4[%get3A_501, %get3A_502] {strides = array<i32>} : memref<16x256xf32, #tpu.memory_space<vmem>>, vector<1x16xf32>,
    %get3A_504 = vector.shape_cast %get3A_503 : vector<1x16xf32> to vector<16xf32>
    %select_n3A_505 = arith.select %gt3A_499, %get3A_504, %select_n3A_492 : vector<16xi1>, vector<16xf32>
    %select_n3A_506 = arith.select %gt3A_499, %get3A_498, %select_n3A_493 : vector<16xi1>, vector<16xf32>
    %get3A_507 = arith.constant 15 : i32
    %get3A_508 = arith.index_cast %get3A_507 : i32 to index
    %get3A_509 = arith.constant 64 : index
    %get3A_510 = tpu.vector_load %arg4[%get3A_508, %get3A_509] {strides = array<i32>} : memref<16x256xf32, #tpu.memory_space<vmem>>, vector<1x16xf32>,
    %get3A_511 = vector.shape_cast %get3A_510 : vector<1x16xf32> to vector<16xf32>
    %gt3A_512 = arith.cmpf ogt, %get3A_511, %select_n3A_506 : vector<16xf32>
    %get3A_513 = arith.constant 7 : i32
    %get3A_514 = arith.index_cast %get3A_513 : i32 to index
    %get3A_515 = arith.constant 64 : index
    %get3A_516 = tpu.vector_load %arg4[%get3A_514, %get3A_515] {strides = array<i32>} : memref<16x256xf32, #tpu.memory_space<vmem>>, vector<1x16xf32>,
    %get3A_517 = vector.shape_cast %get3A_516 : vector<1x16xf32> to vector<16xf32>
    %select_n3A_518 = arith.select %gt3A_512, %get3A_517, %select_n3A_505 : vector<16xi1>, vector<16xf32>
    %select_n3A_519 = arith.select %gt3A_512, %get3A_511, %select_n3A_506 : vector<16xi1>, vector<16xf32>
    %swap3A_520 = arith.constant 64 : index
    %swap3A_521 = tpu.vector_load %arg5[%swap3A_520] {strides = array<i32>} : memref<256xf32, #tpu.memory_space<vmem>>, vector<16xf32>,
    %swap3A_522 = vector.shape_cast %swap3A_521 : vector<16xf32> to vector<16xf32>
    %swap3A_523 = vector.shape_cast %select_n3A_518 : vector<16xf32> to vector<16xf32>
    tpu.vector_store %arg5[%swap3A_520], %swap3A_523 {strides = array<i32>} : memref<256xf32, #tpu.memory_space<vmem>>, vector<16xf32>,
    %get3A_524 = arith.constant 8 : i32
    %get3A_525 = arith.index_cast %get3A_524 : i32 to index
    %get3A_526 = arith.constant 80 : index
    %get3A_527 = tpu.vector_load %arg4[%get3A_525, %get3A_526] {strides = array<i32>} : memref<16x256xf32, #tpu.memory_space<vmem>>, vector<1x16xf32>,
    %get3A_528 = vector.shape_cast %get3A_527 : vector<1x16xf32> to vector<16xf32>
    %get3A_529 = arith.constant 0 : i32
    %get3A_530 = arith.index_cast %get3A_529 : i32 to index
    %get3A_531 = arith.constant 80 : index
    %get3A_532 = tpu.vector_load %arg4[%get3A_530, %get3A_531] {strides = array<i32>} : memref<16x256xf32, #tpu.memory_space<vmem>>, vector<1x16xf32>,
    %get3A_533 = vector.shape_cast %get3A_532 : vector<1x16xf32> to vector<16xf32>
    %get3A_534 = arith.constant 9 : i32
    %get3A_535 = arith.index_cast %get3A_534 : i32 to index
    %get3A_536 = arith.constant 80 : index
    %get3A_537 = tpu.vector_load %arg4[%get3A_535, %get3A_536] {strides = array<i32>} : memref<16x256xf32, #tpu.memory_space<vmem>>, vector<1x16xf32>,
    %get3A_538 = vector.shape_cast %get3A_537 : vector<1x16xf32> to vector<16xf32>
    %gt3A_539 = arith.cmpf ogt, %get3A_538, %get3A_528 : vector<16xf32>
    %get3A_540 = arith.constant 1 : i32
    %get3A_541 = arith.index_cast %get3A_540 : i32 to index
    %get3A_542 = arith.constant 80 : index
    %get3A_543 = tpu.vector_load %arg4[%get3A_541, %get3A_542] {strides = array<i32>} : memref<16x256xf32, #tpu.memory_space<vmem>>, vector<1x16xf32>,
    %get3A_544 = vector.shape_cast %get3A_543 : vector<1x16xf32> to vector<16xf32>
    %select_n3A_545 = arith.select %gt3A_539, %get3A_544, %get3A_533 : vector<16xi1>, vector<16xf32>
    %select_n3A_546 = arith.select %gt3A_539, %get3A_538, %get3A_528 : vector<16xi1>, vector<16xf32>
    %get3A_547 = arith.constant 10 : i32
    %get3A_548 = arith.index_cast %get3A_547 : i32 to index
    %get3A_549 = arith.constant 80 : index
    %get3A_550 = tpu.vector_load %arg4[%get3A_548, %get3A_549] {strides = array<i32>} : memref<16x256xf32, #tpu.memory_space<vmem>>, vector<1x16xf32>,
    %get3A_551 = vector.shape_cast %get3A_550 : vector<1x16xf32> to vector<16xf32>
    %gt3A_552 = arith.cmpf ogt, %get3A_551, %select_n3A_546 : vector<16xf32>
    %get3A_553 = arith.constant 2 : i32
    %get3A_554 = arith.index_cast %get3A_553 : i32 to index
    %get3A_555 = arith.constant 80 : index
    %get3A_556 = tpu.vector_load %arg4[%get3A_554, %get3A_555] {strides = array<i32>} : memref<16x256xf32, #tpu.memory_space<vmem>>, vector<1x16xf32>,
    %get3A_557 = vector.shape_cast %get3A_556 : vector<1x16xf32> to vector<16xf32>
    %select_n3A_558 = arith.select %gt3A_552, %get3A_557, %select_n3A_545 : vector<16xi1>, vector<16xf32>
    %select_n3A_559 = arith.select %gt3A_552, %get3A_551, %select_n3A_546 : vector<16xi1>, vector<16xf32>
    %get3A_560 = arith.constant 11 : i32
    %get3A_561 = arith.index_cast %get3A_560 : i32 to index
    %get3A_562 = arith.constant 80 : index
    %get3A_563 = tpu.vector_load %arg4[%get3A_561, %get3A_562] {strides = array<i32>} : memref<16x256xf32, #tpu.memory_space<vmem>>, vector<1x16xf32>,
    %get3A_564 = vector.shape_cast %get3A_563 : vector<1x16xf32> to vector<16xf32>
    %gt3A_565 = arith.cmpf ogt, %get3A_564, %select_n3A_559 : vector<16xf32>
    %get3A_566 = arith.constant 3 : i32
    %get3A_567 = arith.index_cast %get3A_566 : i32 to index
    %get3A_568 = arith.constant 80 : index
    %get3A_569 = tpu.vector_load %arg4[%get3A_567, %get3A_568] {strides = array<i32>} : memref<16x256xf32, #tpu.memory_space<vmem>>, vector<1x16xf32>,
    %get3A_570 = vector.shape_cast %get3A_569 : vector<1x16xf32> to vector<16xf32>
    %select_n3A_571 = arith.select %gt3A_565, %get3A_570, %select_n3A_558 : vector<16xi1>, vector<16xf32>
    %select_n3A_572 = arith.select %gt3A_565, %get3A_564, %select_n3A_559 : vector<16xi1>, vector<16xf32>
    %get3A_573 = arith.constant 12 : i32
    %get3A_574 = arith.index_cast %get3A_573 : i32 to index
    %get3A_575 = arith.constant 80 : index
    %get3A_576 = tpu.vector_load %arg4[%get3A_574, %get3A_575] {strides = array<i32>} : memref<16x256xf32, #tpu.memory_space<vmem>>, vector<1x16xf32>,
    %get3A_577 = vector.shape_cast %get3A_576 : vector<1x16xf32> to vector<16xf32>
    %gt3A_578 = arith.cmpf ogt, %get3A_577, %select_n3A_572 : vector<16xf32>
    %get3A_579 = arith.constant 4 : i32
    %get3A_580 = arith.index_cast %get3A_579 : i32 to index
    %get3A_581 = arith.constant 80 : index
    %get3A_582 = tpu.vector_load %arg4[%get3A_580, %get3A_581] {strides = array<i32>} : memref<16x256xf32, #tpu.memory_space<vmem>>, vector<1x16xf32>,
    %get3A_583 = vector.shape_cast %get3A_582 : vector<1x16xf32> to vector<16xf32>
    %select_n3A_584 = arith.select %gt3A_578, %get3A_583, %select_n3A_571 : vector<16xi1>, vector<16xf32>
    %select_n3A_585 = arith.select %gt3A_578, %get3A_577, %select_n3A_572 : vector<16xi1>, vector<16xf32>
    %get3A_586 = arith.constant 13 : i32
    %get3A_587 = arith.index_cast %get3A_586 : i32 to index
    %get3A_588 = arith.constant 80 : index
    %get3A_589 = tpu.vector_load %arg4[%get3A_587, %get3A_588] {strides = array<i32>} : memref<16x256xf32, #tpu.memory_space<vmem>>, vector<1x16xf32>,
    %get3A_590 = vector.shape_cast %get3A_589 : vector<1x16xf32> to vector<16xf32>
    %gt3A_591 = arith.cmpf ogt, %get3A_590, %select_n3A_585 : vector<16xf32>
    %get3A_592 = arith.constant 5 : i32
    %get3A_593 = arith.index_cast %get3A_592 : i32 to index
    %get3A_594 = arith.constant 80 : index
    %get3A_595 = tpu.vector_load %arg4[%get3A_593, %get3A_594] {strides = array<i32>} : memref<16x256xf32, #tpu.memory_space<vmem>>, vector<1x16xf32>,
    %get3A_596 = vector.shape_cast %get3A_595 : vector<1x16xf32> to vector<16xf32>
    %select_n3A_597 = arith.select %gt3A_591, %get3A_596, %select_n3A_584 : vector<16xi1>, vector<16xf32>
    %select_n3A_598 = arith.select %gt3A_591, %get3A_590, %select_n3A_585 : vector<16xi1>, vector<16xf32>
    %get3A_599 = arith.constant 14 : i32
    %get3A_600 = arith.index_cast %get3A_599 : i32 to index
    %get3A_601 = arith.constant 80 : index
    %get3A_602 = tpu.vector_load %arg4[%get3A_600, %get3A_601] {strides = array<i32>} : memref<16x256xf32, #tpu.memory_space<vmem>>, vector<1x16xf32>,
    %get3A_603 = vector.shape_cast %get3A_602 : vector<1x16xf32> to vector<16xf32>
    %gt3A_604 = arith.cmpf ogt, %get3A_603, %select_n3A_598 : vector<16xf32>
    %get3A_605 = arith.constant 6 : i32
    %get3A_606 = arith.index_cast %get3A_605 : i32 to index
    %get3A_607 = arith.constant 80 : index
    %get3A_608 = tpu.vector_load %arg4[%get3A_606, %get3A_607] {strides = array<i32>} : memref<16x256xf32, #tpu.memory_space<vmem>>, vector<1x16xf32>,
    %get3A_609 = vector.shape_cast %get3A_608 : vector<1x16xf32> to vector<16xf32>
    %select_n3A_610 = arith.select %gt3A_604, %get3A_609, %select_n3A_597 : vector<16xi1>, vector<16xf32>
    %select_n3A_611 = arith.select %gt3A_604, %get3A_603, %select_n3A_598 : vector<16xi1>, vector<16xf32>
    %get3A_612 = arith.constant 15 : i32
    %get3A_613 = arith.index_cast %get3A_612 : i32 to index
    %get3A_614 = arith.constant 80 : index
    %get3A_615 = tpu.vector_load %arg4[%get3A_613, %get3A_614] {strides = array<i32>} : memref<16x256xf32, #tpu.memory_space<vmem>>, vector<1x16xf32>,
    %get3A_616 = vector.shape_cast %get3A_615 : vector<1x16xf32> to vector<16xf32>
    %gt3A_617 = arith.cmpf ogt, %get3A_616, %select_n3A_611 : vector<16xf32>
    %get3A_618 = arith.constant 7 : i32
    %get3A_619 = arith.index_cast %get3A_618 : i32 to index
    %get3A_620 = arith.constant 80 : index
    %get3A_621 = tpu.vector_load %arg4[%get3A_619, %get3A_620] {strides = array<i32>} : memref<16x256xf32, #tpu.memory_space<vmem>>, vector<1x16xf32>,
    %get3A_622 = vector.shape_cast %get3A_621 : vector<1x16xf32> to vector<16xf32>
    %select_n3A_623 = arith.select %gt3A_617, %get3A_622, %select_n3A_610 : vector<16xi1>, vector<16xf32>
    %select_n3A_624 = arith.select %gt3A_617, %get3A_616, %select_n3A_611 : vector<16xi1>, vector<16xf32>
    %swap3A_625 = arith.constant 80 : index
    %swap3A_626 = tpu.vector_load %arg5[%swap3A_625] {strides = array<i32>} : memref<256xf32, #tpu.memory_space<vmem>>, vector<16xf32>,
    %swap3A_627 = vector.shape_cast %swap3A_626 : vector<16xf32> to vector<16xf32>
    %swap3A_628 = vector.shape_cast %select_n3A_623 : vector<16xf32> to vector<16xf32>
    tpu.vector_store %arg5[%swap3A_625], %swap3A_628 {strides = array<i32>} : memref<256xf32, #tpu.memory_space<vmem>>, vector<16xf32>,
    %get3A_629 = arith.constant 8 : i32
    %get3A_630 = arith.index_cast %get3A_629 : i32 to index
    %get3A_631 = arith.constant 96 : index
    %get3A_632 = tpu.vector_load %arg4[%get3A_630, %get3A_631] {strides = array<i32>} : memref<16x256xf32, #tpu.memory_space<vmem>>, vector<1x16xf32>,
    %get3A_633 = vector.shape_cast %get3A_632 : vector<1x16xf32> to vector<16xf32>
    %get3A_634 = arith.constant 0 : i32
    %get3A_635 = arith.index_cast %get3A_634 : i32 to index
    %get3A_636 = arith.constant 96 : index
    %get3A_637 = tpu.vector_load %arg4[%get3A_635, %get3A_636] {strides = array<i32>} : memref<16x256xf32, #tpu.memory_space<vmem>>, vector<1x16xf32>,
    %get3A_638 = vector.shape_cast %get3A_637 : vector<1x16xf32> to vector<16xf32>
    %get3A_639 = arith.constant 9 : i32
    %get3A_640 = arith.index_cast %get3A_639 : i32 to index
    %get3A_641 = arith.constant 96 : index
    %get3A_642 = tpu.vector_load %arg4[%get3A_640, %get3A_641] {strides = array<i32>} : memref<16x256xf32, #tpu.memory_space<vmem>>, vector<1x16xf32>,
    %get3A_643 = vector.shape_cast %get3A_642 : vector<1x16xf32> to vector<16xf32>
    %gt3A_644 = arith.cmpf ogt, %get3A_643, %get3A_633 : vector<16xf32>
    %get3A_645 = arith.constant 1 : i32
    %get3A_646 = arith.index_cast %get3A_645 : i32 to index
    %get3A_647 = arith.constant 96 : index
    %get3A_648 = tpu.vector_load %arg4[%get3A_646, %get3A_647] {strides = array<i32>} : memref<16x256xf32, #tpu.memory_space<vmem>>, vector<1x16xf32>,
    %get3A_649 = vector.shape_cast %get3A_648 : vector<1x16xf32> to vector<16xf32>
    %select_n3A_650 = arith.select %gt3A_644, %get3A_649, %get3A_638 : vector<16xi1>, vector<16xf32>
    %select_n3A_651 = arith.select %gt3A_644, %get3A_643, %get3A_633 : vector<16xi1>, vector<16xf32>
    %get3A_652 = arith.constant 10 : i32
    %get3A_653 = arith.index_cast %get3A_652 : i32 to index
    %get3A_654 = arith.constant 96 : index
    %get3A_655 = tpu.vector_load %arg4[%get3A_653, %get3A_654] {strides = array<i32>} : memref<16x256xf32, #tpu.memory_space<vmem>>, vector<1x16xf32>,
    %get3A_656 = vector.shape_cast %get3A_655 : vector<1x16xf32> to vector<16xf32>
    %gt3A_657 = arith.cmpf ogt, %get3A_656, %select_n3A_651 : vector<16xf32>
    %get3A_658 = arith.constant 2 : i32
    %get3A_659 = arith.index_cast %get3A_658 : i32 to index
    %get3A_660 = arith.constant 96 : index
    %get3A_661 = tpu.vector_load %arg4[%get3A_659, %get3A_660] {strides = array<i32>} : memref<16x256xf32, #tpu.memory_space<vmem>>, vector<1x16xf32>,
    %get3A_662 = vector.shape_cast %get3A_661 : vector<1x16xf32> to vector<16xf32>
    %select_n3A_663 = arith.select %gt3A_657, %get3A_662, %select_n3A_650 : vector<16xi1>, vector<16xf32>
    %select_n3A_664 = arith.select %gt3A_657, %get3A_656, %select_n3A_651 : vector<16xi1>, vector<16xf32>
    %get3A_665 = arith.constant 11 : i32
    %get3A_666 = arith.index_cast %get3A_665 : i32 to index
    %get3A_667 = arith.constant 96 : index
    %get3A_668 = tpu.vector_load %arg4[%get3A_666, %get3A_667] {strides = array<i32>} : memref<16x256xf32, #tpu.memory_space<vmem>>, vector<1x16xf32>,
    %get3A_669 = vector.shape_cast %get3A_668 : vector<1x16xf32> to vector<16xf32>
    %gt3A_670 = arith.cmpf ogt, %get3A_669, %select_n3A_664 : vector<16xf32>
    %get3A_671 = arith.constant 3 : i32
    %get3A_672 = arith.index_cast %get3A_671 : i32 to index
    %get3A_673 = arith.constant 96 : index
    %get3A_674 = tpu.vector_load %arg4[%get3A_672, %get3A_673] {strides = array<i32>} : memref<16x256xf32, #tpu.memory_space<vmem>>, vector<1x16xf32>,
    %get3A_675 = vector.shape_cast %get3A_674 : vector<1x16xf32> to vector<16xf32>
    %select_n3A_676 = arith.select %gt3A_670, %get3A_675, %select_n3A_663 : vector<16xi1>, vector<16xf32>
    %select_n3A_677 = arith.select %gt3A_670, %get3A_669, %select_n3A_664 : vector<16xi1>, vector<16xf32>
    %get3A_678 = arith.constant 12 : i32
    %get3A_679 = arith.index_cast %get3A_678 : i32 to index
    %get3A_680 = arith.constant 96 : index
    %get3A_681 = tpu.vector_load %arg4[%get3A_679, %get3A_680] {strides = array<i32>} : memref<16x256xf32, #tpu.memory_space<vmem>>, vector<1x16xf32>,
    %get3A_682 = vector.shape_cast %get3A_681 : vector<1x16xf32> to vector<16xf32>
    %gt3A_683 = arith.cmpf ogt, %get3A_682, %select_n3A_677 : vector<16xf32>
    %get3A_684 = arith.constant 4 : i32
    %get3A_685 = arith.index_cast %get3A_684 : i32 to index
    %get3A_686 = arith.constant 96 : index
    %get3A_687 = tpu.vector_load %arg4[%get3A_685, %get3A_686] {strides = array<i32>} : memref<16x256xf32, #tpu.memory_space<vmem>>, vector<1x16xf32>,
    %get3A_688 = vector.shape_cast %get3A_687 : vector<1x16xf32> to vector<16xf32>
    %select_n3A_689 = arith.select %gt3A_683, %get3A_688, %select_n3A_676 : vector<16xi1>, vector<16xf32>
    %select_n3A_690 = arith.select %gt3A_683, %get3A_682, %select_n3A_677 : vector<16xi1>, vector<16xf32>
    %get3A_691 = arith.constant 13 : i32
    %get3A_692 = arith.index_cast %get3A_691 : i32 to index
    %get3A_693 = arith.constant 96 : index
    %get3A_694 = tpu.vector_load %arg4[%get3A_692, %get3A_693] {strides = array<i32>} : memref<16x256xf32, #tpu.memory_space<vmem>>, vector<1x16xf32>,
    %get3A_695 = vector.shape_cast %get3A_694 : vector<1x16xf32> to vector<16xf32>
    %gt3A_696 = arith.cmpf ogt, %get3A_695, %select_n3A_690 : vector<16xf32>
    %get3A_697 = arith.constant 5 : i32
    %get3A_698 = arith.index_cast %get3A_697 : i32 to index
    %get3A_699 = arith.constant 96 : index
    %get3A_700 = tpu.vector_load %arg4[%get3A_698, %get3A_699] {strides = array<i32>} : memref<16x256xf32, #tpu.memory_space<vmem>>, vector<1x16xf32>,
    %get3A_701 = vector.shape_cast %get3A_700 : vector<1x16xf32> to vector<16xf32>
    %select_n3A_702 = arith.select %gt3A_696, %get3A_701, %select_n3A_689 : vector<16xi1>, vector<16xf32>
    %select_n3A_703 = arith.select %gt3A_696, %get3A_695, %select_n3A_690 : vector<16xi1>, vector<16xf32>
    %get3A_704 = arith.constant 14 : i32
    %get3A_705 = arith.index_cast %get3A_704 : i32 to index
    %get3A_706 = arith.constant 96 : index
    %get3A_707 = tpu.vector_load %arg4[%get3A_705, %get3A_706] {strides = array<i32>} : memref<16x256xf32, #tpu.memory_space<vmem>>, vector<1x16xf32>,
    %get3A_708 = vector.shape_cast %get3A_707 : vector<1x16xf32> to vector<16xf32>
    %gt3A_709 = arith.cmpf ogt, %get3A_708, %select_n3A_703 : vector<16xf32>
    %get3A_710 = arith.constant 6 : i32
    %get3A_711 = arith.index_cast %get3A_710 : i32 to index
    %get3A_712 = arith.constant 96 : index
    %get3A_713 = tpu.vector_load %arg4[%get3A_711, %get3A_712] {strides = array<i32>} : memref<16x256xf32, #tpu.memory_space<vmem>>, vector<1x16xf32>,
    %get3A_714 = vector.shape_cast %get3A_713 : vector<1x16xf32> to vector<16xf32>
    %select_n3A_715 = arith.select %gt3A_709, %get3A_714, %select_n3A_702 : vector<16xi1>, vector<16xf32>
    %select_n3A_716 = arith.select %gt3A_709, %get3A_708, %select_n3A_703 : vector<16xi1>, vector<16xf32>
    %get3A_717 = arith.constant 15 : i32
    %get3A_718 = arith.index_cast %get3A_717 : i32 to index
    %get3A_719 = arith.constant 96 : index
    %get3A_720 = tpu.vector_load %arg4[%get3A_718, %get3A_719] {strides = array<i32>} : memref<16x256xf32, #tpu.memory_space<vmem>>, vector<1x16xf32>,
    %get3A_721 = vector.shape_cast %get3A_720 : vector<1x16xf32> to vector<16xf32>
    %gt3A_722 = arith.cmpf ogt, %get3A_721, %select_n3A_716 : vector<16xf32>
    %get3A_723 = arith.constant 7 : i32
    %get3A_724 = arith.index_cast %get3A_723 : i32 to index
    %get3A_725 = arith.constant 96 : index
    %get3A_726 = tpu.vector_load %arg4[%get3A_724, %get3A_725] {strides = array<i32>} : memref<16x256xf32, #tpu.memory_space<vmem>>, vector<1x16xf32>,
    %get3A_727 = vector.shape_cast %get3A_726 : vector<1x16xf32> to vector<16xf32>
    %select_n3A_728 = arith.select %gt3A_722, %get3A_727, %select_n3A_715 : vector<16xi1>, vector<16xf32>
    %select_n3A_729 = arith.select %gt3A_722, %get3A_721, %select_n3A_716 : vector<16xi1>, vector<16xf32>
    %swap3A_730 = arith.constant 96 : index
    %swap3A_731 = tpu.vector_load %arg5[%swap3A_730] {strides = array<i32>} : memref<256xf32, #tpu.memory_space<vmem>>, vector<16xf32>,
    %swap3A_732 = vector.shape_cast %swap3A_731 : vector<16xf32> to vector<16xf32>
    %swap3A_733 = vector.shape_cast %select_n3A_728 : vector<16xf32> to vector<16xf32>
    tpu.vector_store %arg5[%swap3A_730], %swap3A_733 {strides = array<i32>} : memref<256xf32, #tpu.memory_space<vmem>>, vector<16xf32>,
    %get3A_734 = arith.constant 8 : i32
    %get3A_735 = arith.index_cast %get3A_734 : i32 to index
    %get3A_736 = arith.constant 112 : index
    %get3A_737 = tpu.vector_load %arg4[%get3A_735, %get3A_736] {strides = array<i32>} : memref<16x256xf32, #tpu.memory_space<vmem>>, vector<1x16xf32>,
    %get3A_738 = vector.shape_cast %get3A_737 : vector<1x16xf32> to vector<16xf32>
    %get3A_739 = arith.constant 0 : i32
    %get3A_740 = arith.index_cast %get3A_739 : i32 to index
    %get3A_741 = arith.constant 112 : index
    %get3A_742 = tpu.vector_load %arg4[%get3A_740, %get3A_741] {strides = array<i32>} : memref<16x256xf32, #tpu.memory_space<vmem>>, vector<1x16xf32>,
    %get3A_743 = vector.shape_cast %get3A_742 : vector<1x16xf32> to vector<16xf32>
    %get3A_744 = arith.constant 9 : i32
    %get3A_745 = arith.index_cast %get3A_744 : i32 to index
    %get3A_746 = arith.constant 112 : index
    %get3A_747 = tpu.vector_load %arg4[%get3A_745, %get3A_746] {strides = array<i32>} : memref<16x256xf32, #tpu.memory_space<vmem>>, vector<1x16xf32>,
    %get3A_748 = vector.shape_cast %get3A_747 : vector<1x16xf32> to vector<16xf32>
    %gt3A_749 = arith.cmpf ogt, %get3A_748, %get3A_738 : vector<16xf32>
    %get3A_750 = arith.constant 1 : i32
    %get3A_751 = arith.index_cast %get3A_750 : i32 to index
    %get3A_752 = arith.constant 112 : index
    %get3A_753 = tpu.vector_load %arg4[%get3A_751, %get3A_752] {strides = array<i32>} : memref<16x256xf32, #tpu.memory_space<vmem>>, vector<1x16xf32>,
    %get3A_754 = vector.shape_cast %get3A_753 : vector<1x16xf32> to vector<16xf32>
    %select_n3A_755 = arith.select %gt3A_749, %get3A_754, %get3A_743 : vector<16xi1>, vector<16xf32>
    %select_n3A_756 = arith.select %gt3A_749, %get3A_748, %get3A_738 : vector<16xi1>, vector<16xf32>
    %get3A_757 = arith.constant 10 : i32
    %get3A_758 = arith.index_cast %get3A_757 : i32 to index
    %get3A_759 = arith.constant 112 : index
    %get3A_760 = tpu.vector_load %arg4[%get3A_758, %get3A_759] {strides = array<i32>} : memref<16x256xf32, #tpu.memory_space<vmem>>, vector<1x16xf32>,
    %get3A_761 = vector.shape_cast %get3A_760 : vector<1x16xf32> to vector<16xf32>
    %gt3A_762 = arith.cmpf ogt, %get3A_761, %select_n3A_756 : vector<16xf32>
    %get3A_763 = arith.constant 2 : i32
    %get3A_764 = arith.index_cast %get3A_763 : i32 to index
    %get3A_765 = arith.constant 112 : index
    %get3A_766 = tpu.vector_load %arg4[%get3A_764, %get3A_765] {strides = array<i32>} : memref<16x256xf32, #tpu.memory_space<vmem>>, vector<1x16xf32>,
    %get3A_767 = vector.shape_cast %get3A_766 : vector<1x16xf32> to vector<16xf32>
    %select_n3A_768 = arith.select %gt3A_762, %get3A_767, %select_n3A_755 : vector<16xi1>, vector<16xf32>
    %select_n3A_769 = arith.select %gt3A_762, %get3A_761, %select_n3A_756 : vector<16xi1>, vector<16xf32>
    %get3A_770 = arith.constant 11 : i32
    %get3A_771 = arith.index_cast %get3A_770 : i32 to index
    %get3A_772 = arith.constant 112 : index
    %get3A_773 = tpu.vector_load %arg4[%get3A_771, %get3A_772] {strides = array<i32>} : memref<16x256xf32, #tpu.memory_space<vmem>>, vector<1x16xf32>,
    %get3A_774 = vector.shape_cast %get3A_773 : vector<1x16xf32> to vector<16xf32>
    %gt3A_775 = arith.cmpf ogt, %get3A_774, %select_n3A_769 : vector<16xf32>
    %get3A_776 = arith.constant 3 : i32
    %get3A_777 = arith.index_cast %get3A_776 : i32 to index
    %get3A_778 = arith.constant 112 : index
    %get3A_779 = tpu.vector_load %arg4[%get3A_777, %get3A_778] {strides = array<i32>} : memref<16x256xf32, #tpu.memory_space<vmem>>, vector<1x16xf32>,
    %get3A_780 = vector.shape_cast %get3A_779 : vector<1x16xf32> to vector<16xf32>
    %select_n3A_781 = arith.select %gt3A_775, %get3A_780, %select_n3A_768 : vector<16xi1>, vector<16xf32>
    %select_n3A_782 = arith.select %gt3A_775, %get3A_774, %select_n3A_769 : vector<16xi1>, vector<16xf32>
    %get3A_783 = arith.constant 12 : i32
    %get3A_784 = arith.index_cast %get3A_783 : i32 to index
    %get3A_785 = arith.constant 112 : index
    %get3A_786 = tpu.vector_load %arg4[%get3A_784, %get3A_785] {strides = array<i32>} : memref<16x256xf32, #tpu.memory_space<vmem>>, vector<1x16xf32>,
    %get3A_787 = vector.shape_cast %get3A_786 : vector<1x16xf32> to vector<16xf32>
    %gt3A_788 = arith.cmpf ogt, %get3A_787, %select_n3A_782 : vector<16xf32>
    %get3A_789 = arith.constant 4 : i32
    %get3A_790 = arith.index_cast %get3A_789 : i32 to index
    %get3A_791 = arith.constant 112 : index
    %get3A_792 = tpu.vector_load %arg4[%get3A_790, %get3A_791] {strides = array<i32>} : memref<16x256xf32, #tpu.memory_space<vmem>>, vector<1x16xf32>,
    %get3A_793 = vector.shape_cast %get3A_792 : vector<1x16xf32> to vector<16xf32>
    %select_n3A_794 = arith.select %gt3A_788, %get3A_793, %select_n3A_781 : vector<16xi1>, vector<16xf32>
    %select_n3A_795 = arith.select %gt3A_788, %get3A_787, %select_n3A_782 : vector<16xi1>, vector<16xf32>
    %get3A_796 = arith.constant 13 : i32
    %get3A_797 = arith.index_cast %get3A_796 : i32 to index
    %get3A_798 = arith.constant 112 : index
    %get3A_799 = tpu.vector_load %arg4[%get3A_797, %get3A_798] {strides = array<i32>} : memref<16x256xf32, #tpu.memory_space<vmem>>, vector<1x16xf32>,
    %get3A_800 = vector.shape_cast %get3A_799 : vector<1x16xf32> to vector<16xf32>
    %gt3A_801 = arith.cmpf ogt, %get3A_800, %select_n3A_795 : vector<16xf32>
    %get3A_802 = arith.constant 5 : i32
    %get3A_803 = arith.index_cast %get3A_802 : i32 to index
    %get3A_804 = arith.constant 112 : index
    %get3A_805 = tpu.vector_load %arg4[%get3A_803, %get3A_804] {strides = array<i32>} : memref<16x256xf32, #tpu.memory_space<vmem>>, vector<1x16xf32>,
    %get3A_806 = vector.shape_cast %get3A_805 : vector<1x16xf32> to vector<16xf32>
    %select_n3A_807 = arith.select %gt3A_801, %get3A_806, %select_n3A_794 : vector<16xi1>, vector<16xf32>
    %select_n3A_808 = arith.select %gt3A_801, %get3A_800, %select_n3A_795 : vector<16xi1>, vector<16xf32>
    %get3A_809 = arith.constant 14 : i32
    %get3A_810 = arith.index_cast %get3A_809 : i32 to index
    %get3A_811 = arith.constant 112 : index
    %get3A_812 = tpu.vector_load %arg4[%get3A_810, %get3A_811] {strides = array<i32>} : memref<16x256xf32, #tpu.memory_space<vmem>>, vector<1x16xf32>,
    %get3A_813 = vector.shape_cast %get3A_812 : vector<1x16xf32> to vector<16xf32>
    %gt3A_814 = arith.cmpf ogt, %get3A_813, %select_n3A_808 : vector<16xf32>
    %get3A_815 = arith.constant 6 : i32
    %get3A_816 = arith.index_cast %get3A_815 : i32 to index
    %get3A_817 = arith.constant 112 : index
    %get3A_818 = tpu.vector_load %arg4[%get3A_816, %get3A_817] {strides = array<i32>} : memref<16x256xf32, #tpu.memory_space<vmem>>, vector<1x16xf32>,
    %get3A_819 = vector.shape_cast %get3A_818 : vector<1x16xf32> to vector<16xf32>
    %select_n3A_820 = arith.select %gt3A_814, %get3A_819, %select_n3A_807 : vector<16xi1>, vector<16xf32>
    %select_n3A_821 = arith.select %gt3A_814, %get3A_813, %select_n3A_808 : vector<16xi1>, vector<16xf32>
    %get3A_822 = arith.constant 15 : i32
    %get3A_823 = arith.index_cast %get3A_822 : i32 to index
    %get3A_824 = arith.constant 112 : index
    %get3A_825 = tpu.vector_load %arg4[%get3A_823, %get3A_824] {strides = array<i32>} : memref<16x256xf32, #tpu.memory_space<vmem>>, vector<1x16xf32>,
    %get3A_826 = vector.shape_cast %get3A_825 : vector<1x16xf32> to vector<16xf32>
    %gt3A_827 = arith.cmpf ogt, %get3A_826, %select_n3A_821 : vector<16xf32>
    %get3A_828 = arith.constant 7 : i32
    %get3A_829 = arith.index_cast %get3A_828 : i32 to index
    %get3A_830 = arith.constant 112 : index
    %get3A_831 = tpu.vector_load %arg4[%get3A_829, %get3A_830] {strides = array<i32>} : memref<16x256xf32, #tpu.memory_space<vmem>>, vector<1x16xf32>,
    %get3A_832 = vector.shape_cast %get3A_831 : vector<1x16xf32> to vector<16xf32>
    %select_n3A_833 = arith.select %gt3A_827, %get3A_832, %select_n3A_820 : vector<16xi1>, vector<16xf32>
    %select_n3A_834 = arith.select %gt3A_827, %get3A_826, %select_n3A_821 : vector<16xi1>, vector<16xf32>
    %swap3A_835 = arith.constant 112 : index
    %swap3A_836 = tpu.vector_load %arg5[%swap3A_835] {strides = array<i32>} : memref<256xf32, #tpu.memory_space<vmem>>, vector<16xf32>,
    %swap3A_837 = vector.shape_cast %swap3A_836 : vector<16xf32> to vector<16xf32>
    %swap3A_838 = vector.shape_cast %select_n3A_833 : vector<16xf32> to vector<16xf32>
    tpu.vector_store %arg5[%swap3A_835], %swap3A_838 {strides = array<i32>} : memref<256xf32, #tpu.memory_space<vmem>>, vector<16xf32>,
    %get3A_839 = arith.constant 8 : i32
    %get3A_840 = arith.index_cast %get3A_839 : i32 to index
    %get3A_841 = arith.constant 128 : index
    %get3A_842 = tpu.vector_load %arg4[%get3A_840, %get3A_841] {strides = array<i32>} : memref<16x256xf32, #tpu.memory_space<vmem>>, vector<1x16xf32>,
    %get3A_843 = vector.shape_cast %get3A_842 : vector<1x16xf32> to vector<16xf32>
    %get3A_844 = arith.constant 0 : i32
    %get3A_845 = arith.index_cast %get3A_844 : i32 to index
    %get3A_846 = arith.constant 128 : index
    %get3A_847 = tpu.vector_load %arg4[%get3A_845, %get3A_846] {strides = array<i32>} : memref<16x256xf32, #tpu.memory_space<vmem>>, vector<1x16xf32>,
    %get3A_848 = vector.shape_cast %get3A_847 : vector<1x16xf32> to vector<16xf32>
    %get3A_849 = arith.constant 9 : i32
    %get3A_850 = arith.index_cast %get3A_849 : i32 to index
    %get3A_851 = arith.constant 128 : index
    %get3A_852 = tpu.vector_load %arg4[%get3A_850, %get3A_851] {strides = array<i32>} : memref<16x256xf32, #tpu.memory_space<vmem>>, vector<1x16xf32>,
    %get3A_853 = vector.shape_cast %get3A_852 : vector<1x16xf32> to vector<16xf32>
    %gt3A_854 = arith.cmpf ogt, %get3A_853, %get3A_843 : vector<16xf32>
    %get3A_855 = arith.constant 1 : i32
    %get3A_856 = arith.index_cast %get3A_855 : i32 to index
    %get3A_857 = arith.constant 128 : index
    %get3A_858 = tpu.vector_load %arg4[%get3A_856, %get3A_857] {strides = array<i32>} : memref<16x256xf32, #tpu.memory_space<vmem>>, vector<1x16xf32>,
    %get3A_859 = vector.shape_cast %get3A_858 : vector<1x16xf32> to vector<16xf32>
    %select_n3A_860 = arith.select %gt3A_854, %get3A_859, %get3A_848 : vector<16xi1>, vector<16xf32>
    %select_n3A_861 = arith.select %gt3A_854, %get3A_853, %get3A_843 : vector<16xi1>, vector<16xf32>
    %get3A_862 = arith.constant 10 : i32
    %get3A_863 = arith.index_cast %get3A_862 : i32 to index
    %get3A_864 = arith.constant 128 : index
    %get3A_865 = tpu.vector_load %arg4[%get3A_863, %get3A_864] {strides = array<i32>} : memref<16x256xf32, #tpu.memory_space<vmem>>, vector<1x16xf32>,
    %get3A_866 = vector.shape_cast %get3A_865 : vector<1x16xf32> to vector<16xf32>
    %gt3A_867 = arith.cmpf ogt, %get3A_866, %select_n3A_861 : vector<16xf32>
    %get3A_868 = arith.constant 2 : i32
    %get3A_869 = arith.index_cast %get3A_868 : i32 to index
    %get3A_870 = arith.constant 128 : index
    %get3A_871 = tpu.vector_load %arg4[%get3A_869, %get3A_870] {strides = array<i32>} : memref<16x256xf32, #tpu.memory_space<vmem>>, vector<1x16xf32>,
    %get3A_872 = vector.shape_cast %get3A_871 : vector<1x16xf32> to vector<16xf32>
    %select_n3A_873 = arith.select %gt3A_867, %get3A_872, %select_n3A_860 : vector<16xi1>, vector<16xf32>
    %select_n3A_874 = arith.select %gt3A_867, %get3A_866, %select_n3A_861 : vector<16xi1>, vector<16xf32>
    %get3A_875 = arith.constant 11 : i32
    %get3A_876 = arith.index_cast %get3A_875 : i32 to index
    %get3A_877 = arith.constant 128 : index
    %get3A_878 = tpu.vector_load %arg4[%get3A_876, %get3A_877] {strides = array<i32>} : memref<16x256xf32, #tpu.memory_space<vmem>>, vector<1x16xf32>,
    %get3A_879 = vector.shape_cast %get3A_878 : vector<1x16xf32> to vector<16xf32>
    %gt3A_880 = arith.cmpf ogt, %get3A_879, %select_n3A_874 : vector<16xf32>
    %get3A_881 = arith.constant 3 : i32
    %get3A_882 = arith.index_cast %get3A_881 : i32 to index
    %get3A_883 = arith.constant 128 : index
    %get3A_884 = tpu.vector_load %arg4[%get3A_882, %get3A_883] {strides = array<i32>} : memref<16x256xf32, #tpu.memory_space<vmem>>, vector<1x16xf32>,
    %get3A_885 = vector.shape_cast %get3A_884 : vector<1x16xf32> to vector<16xf32>
    %select_n3A_886 = arith.select %gt3A_880, %get3A_885, %select_n3A_873 : vector<16xi1>, vector<16xf32>
    %select_n3A_887 = arith.select %gt3A_880, %get3A_879, %select_n3A_874 : vector<16xi1>, vector<16xf32>
    %get3A_888 = arith.constant 12 : i32
    %get3A_889 = arith.index_cast %get3A_888 : i32 to index
    %get3A_890 = arith.constant 128 : index
    %get3A_891 = tpu.vector_load %arg4[%get3A_889, %get3A_890] {strides = array<i32>} : memref<16x256xf32, #tpu.memory_space<vmem>>, vector<1x16xf32>,
    %get3A_892 = vector.shape_cast %get3A_891 : vector<1x16xf32> to vector<16xf32>
    %gt3A_893 = arith.cmpf ogt, %get3A_892, %select_n3A_887 : vector<16xf32>
    %get3A_894 = arith.constant 4 : i32
    %get3A_895 = arith.index_cast %get3A_894 : i32 to index
    %get3A_896 = arith.constant 128 : index
    %get3A_897 = tpu.vector_load %arg4[%get3A_895, %get3A_896] {strides = array<i32>} : memref<16x256xf32, #tpu.memory_space<vmem>>, vector<1x16xf32>,
    %get3A_898 = vector.shape_cast %get3A_897 : vector<1x16xf32> to vector<16xf32>
    %select_n3A_899 = arith.select %gt3A_893, %get3A_898, %select_n3A_886 : vector<16xi1>, vector<16xf32>
    %select_n3A_900 = arith.select %gt3A_893, %get3A_892, %select_n3A_887 : vector<16xi1>, vector<16xf32>
    %get3A_901 = arith.constant 13 : i32
    %get3A_902 = arith.index_cast %get3A_901 : i32 to index
    %get3A_903 = arith.constant 128 : index
    %get3A_904 = tpu.vector_load %arg4[%get3A_902, %get3A_903] {strides = array<i32>} : memref<16x256xf32, #tpu.memory_space<vmem>>, vector<1x16xf32>,
    %get3A_905 = vector.shape_cast %get3A_904 : vector<1x16xf32> to vector<16xf32>
    %gt3A_906 = arith.cmpf ogt, %get3A_905, %select_n3A_900 : vector<16xf32>
    %get3A_907 = arith.constant 5 : i32
    %get3A_908 = arith.index_cast %get3A_907 : i32 to index
    %get3A_909 = arith.constant 128 : index
    %get3A_910 = tpu.vector_load %arg4[%get3A_908, %get3A_909] {strides = array<i32>} : memref<16x256xf32, #tpu.memory_space<vmem>>, vector<1x16xf32>,
    %get3A_911 = vector.shape_cast %get3A_910 : vector<1x16xf32> to vector<16xf32>
    %select_n3A_912 = arith.select %gt3A_906, %get3A_911, %select_n3A_899 : vector<16xi1>, vector<16xf32>
    %select_n3A_913 = arith.select %gt3A_906, %get3A_905, %select_n3A_900 : vector<16xi1>, vector<16xf32>
    %get3A_914 = arith.constant 14 : i32
    %get3A_915 = arith.index_cast %get3A_914 : i32 to index
    %get3A_916 = arith.constant 128 : index
    %get3A_917 = tpu.vector_load %arg4[%get3A_915, %get3A_916] {strides = array<i32>} : memref<16x256xf32, #tpu.memory_space<vmem>>, vector<1x16xf32>,
    %get3A_918 = vector.shape_cast %get3A_917 : vector<1x16xf32> to vector<16xf32>
    %gt3A_919 = arith.cmpf ogt, %get3A_918, %select_n3A_913 : vector<16xf32>
    %get3A_920 = arith.constant 6 : i32
    %get3A_921 = arith.index_cast %get3A_920 : i32 to index
    %get3A_922 = arith.constant 128 : index
    %get3A_923 = tpu.vector_load %arg4[%get3A_921, %get3A_922] {strides = array<i32>} : memref<16x256xf32, #tpu.memory_space<vmem>>, vector<1x16xf32>,
    %get3A_924 = vector.shape_cast %get3A_923 : vector<1x16xf32> to vector<16xf32>
    %select_n3A_925 = arith.select %gt3A_919, %get3A_924, %select_n3A_912 : vector<16xi1>, vector<16xf32>
    %select_n3A_926 = arith.select %gt3A_919, %get3A_918, %select_n3A_913 : vector<16xi1>, vector<16xf32>
    %get3A_927 = arith.constant 15 : i32
    %get3A_928 = arith.index_cast %get3A_927 : i32 to index
    %get3A_929 = arith.constant 128 : index
    %get3A_930 = tpu.vector_load %arg4[%get3A_928, %get3A_929] {strides = array<i32>} : memref<16x256xf32, #tpu.memory_space<vmem>>, vector<1x16xf32>,
    %get3A_931 = vector.shape_cast %get3A_930 : vector<1x16xf32> to vector<16xf32>
    %gt3A_932 = arith.cmpf ogt, %get3A_931, %select_n3A_926 : vector<16xf32>
    %get3A_933 = arith.constant 7 : i32
    %get3A_934 = arith.index_cast %get3A_933 : i32 to index
    %get3A_935 = arith.constant 128 : index
    %get3A_936 = tpu.vector_load %arg4[%get3A_934, %get3A_935] {strides = array<i32>} : memref<16x256xf32, #tpu.memory_space<vmem>>, vector<1x16xf32>,
    %get3A_937 = vector.shape_cast %get3A_936 : vector<1x16xf32> to vector<16xf32>
    %select_n3A_938 = arith.select %gt3A_932, %get3A_937, %select_n3A_925 : vector<16xi1>, vector<16xf32>
    %select_n3A_939 = arith.select %gt3A_932, %get3A_931, %select_n3A_926 : vector<16xi1>, vector<16xf32>
    %swap3A_940 = arith.constant 128 : index
    %swap3A_941 = tpu.vector_load %arg5[%swap3A_940] {strides = array<i32>} : memref<256xf32, #tpu.memory_space<vmem>>, vector<16xf32>,
    %swap3A_942 = vector.shape_cast %swap3A_941 : vector<16xf32> to vector<16xf32>
    %swap3A_943 = vector.shape_cast %select_n3A_938 : vector<16xf32> to vector<16xf32>
    tpu.vector_store %arg5[%swap3A_940], %swap3A_943 {strides = array<i32>} : memref<256xf32, #tpu.memory_space<vmem>>, vector<16xf32>,
    %get3A_944 = arith.constant 8 : i32
    %get3A_945 = arith.index_cast %get3A_944 : i32 to index
    %get3A_946 = arith.constant 144 : index
    %get3A_947 = tpu.vector_load %arg4[%get3A_945, %get3A_946] {strides = array<i32>} : memref<16x256xf32, #tpu.memory_space<vmem>>, vector<1x16xf32>,
    %get3A_948 = vector.shape_cast %get3A_947 : vector<1x16xf32> to vector<16xf32>
    %get3A_949 = arith.constant 0 : i32
    %get3A_950 = arith.index_cast %get3A_949 : i32 to index
    %get3A_951 = arith.constant 144 : index
    %get3A_952 = tpu.vector_load %arg4[%get3A_950, %get3A_951] {strides = array<i32>} : memref<16x256xf32, #tpu.memory_space<vmem>>, vector<1x16xf32>,
    %get3A_953 = vector.shape_cast %get3A_952 : vector<1x16xf32> to vector<16xf32>
    %get3A_954 = arith.constant 9 : i32
    %get3A_955 = arith.index_cast %get3A_954 : i32 to index
    %get3A_956 = arith.constant 144 : index
    %get3A_957 = tpu.vector_load %arg4[%get3A_955, %get3A_956] {strides = array<i32>} : memref<16x256xf32, #tpu.memory_space<vmem>>, vector<1x16xf32>,
    %get3A_958 = vector.shape_cast %get3A_957 : vector<1x16xf32> to vector<16xf32>
    %gt3A_959 = arith.cmpf ogt, %get3A_958, %get3A_948 : vector<16xf32>
    %get3A_960 = arith.constant 1 : i32
    %get3A_961 = arith.index_cast %get3A_960 : i32 to index
    %get3A_962 = arith.constant 144 : index
    %get3A_963 = tpu.vector_load %arg4[%get3A_961, %get3A_962] {strides = array<i32>} : memref<16x256xf32, #tpu.memory_space<vmem>>, vector<1x16xf32>,
    %get3A_964 = vector.shape_cast %get3A_963 : vector<1x16xf32> to vector<16xf32>
    %select_n3A_965 = arith.select %gt3A_959, %get3A_964, %get3A_953 : vector<16xi1>, vector<16xf32>
    %select_n3A_966 = arith.select %gt3A_959, %get3A_958, %get3A_948 : vector<16xi1>, vector<16xf32>
    %get3A_967 = arith.constant 10 : i32
    %get3A_968 = arith.index_cast %get3A_967 : i32 to index
    %get3A_969 = arith.constant 144 : index
    %get3A_970 = tpu.vector_load %arg4[%get3A_968, %get3A_969] {strides = array<i32>} : memref<16x256xf32, #tpu.memory_space<vmem>>, vector<1x16xf32>,
    %get3A_971 = vector.shape_cast %get3A_970 : vector<1x16xf32> to vector<16xf32>
    %gt3A_972 = arith.cmpf ogt, %get3A_971, %select_n3A_966 : vector<16xf32>
    %get3A_973 = arith.constant 2 : i32
    %get3A_974 = arith.index_cast %get3A_973 : i32 to index
    %get3A_975 = arith.constant 144 : index
    %get3A_976 = tpu.vector_load %arg4[%get3A_974, %get3A_975] {strides = array<i32>} : memref<16x256xf32, #tpu.memory_space<vmem>>, vector<1x16xf32>,
    %get3A_977 = vector.shape_cast %get3A_976 : vector<1x16xf32> to vector<16xf32>
    %select_n3A_978 = arith.select %gt3A_972, %get3A_977, %select_n3A_965 : vector<16xi1>, vector<16xf32>
    %select_n3A_979 = arith.select %gt3A_972, %get3A_971, %select_n3A_966 : vector<16xi1>, vector<16xf32>
    %get3A_980 = arith.constant 11 : i32
    %get3A_981 = arith.index_cast %get3A_980 : i32 to index
    %get3A_982 = arith.constant 144 : index
    %get3A_983 = tpu.vector_load %arg4[%get3A_981, %get3A_982] {strides = array<i32>} : memref<16x256xf32, #tpu.memory_space<vmem>>, vector<1x16xf32>,
    %get3A_984 = vector.shape_cast %get3A_983 : vector<1x16xf32> to vector<16xf32>
    %gt3A_985 = arith.cmpf ogt, %get3A_984, %select_n3A_979 : vector<16xf32>
    %get3A_986 = arith.constant 3 : i32
    %get3A_987 = arith.index_cast %get3A_986 : i32 to index
    %get3A_988 = arith.constant 144 : index
    %get3A_989 = tpu.vector_load %arg4[%get3A_987, %get3A_988] {strides = array<i32>} : memref<16x256xf32, #tpu.memory_space<vmem>>, vector<1x16xf32>,
    %get3A_990 = vector.shape_cast %get3A_989 : vector<1x16xf32> to vector<16xf32>
    %select_n3A_991 = arith.select %gt3A_985, %get3A_990, %select_n3A_978 : vector<16xi1>, vector<16xf32>
    %select_n3A_992 = arith.select %gt3A_985, %get3A_984, %select_n3A_979 : vector<16xi1>, vector<16xf32>
    %get3A_993 = arith.constant 12 : i32
    %get3A_994 = arith.index_cast %get3A_993 : i32 to index
    %get3A_995 = arith.constant 144 : index
    %get3A_996 = tpu.vector_load %arg4[%get3A_994, %get3A_995] {strides = array<i32>} : memref<16x256xf32, #tpu.memory_space<vmem>>, vector<1x16xf32>,
    %get3A_997 = vector.shape_cast %get3A_996 : vector<1x16xf32> to vector<16xf32>
    %gt3A_998 = arith.cmpf ogt, %get3A_997, %select_n3A_992 : vector<16xf32>
    %get3A_999 = arith.constant 4 : i32
    %get3A_1000 = arith.index_cast %get3A_999 : i32 to index
    %get3A_1001 = arith.constant 144 : index
    %get3A_1002 = tpu.vector_load %arg4[%get3A_1000, %get3A_1001] {strides = array<i32>} : memref<16x256xf32, #tpu.memory_space<vmem>>, vector<1x16xf32>,
    %get3A_1003 = vector.shape_cast %get3A_1002 : vector<1x16xf32> to vector<16xf32>
    %select_n3A_1004 = arith.select %gt3A_998, %get3A_1003, %select_n3A_991 : vector<16xi1>, vector<16xf32>
    %select_n3A_1005 = arith.select %gt3A_998, %get3A_997, %select_n3A_992 : vector<16xi1>, vector<16xf32>
    %get3A_1006 = arith.constant 13 : i32
    %get3A_1007 = arith.index_cast %get3A_1006 : i32 to index
    %get3A_1008 = arith.constant 144 : index
    %get3A_1009 = tpu.vector_load %arg4[%get3A_1007, %get3A_1008] {strides = array<i32>} : memref<16x256xf32, #tpu.memory_space<vmem>>, vector<1x16xf32>,
    %get3A_1010 = vector.shape_cast %get3A_1009 : vector<1x16xf32> to vector<16xf32>
    %gt3A_1011 = arith.cmpf ogt, %get3A_1010, %select_n3A_1005 : vector<16xf32>
    %get3A_1012 = arith.constant 5 : i32
    %get3A_1013 = arith.index_cast %get3A_1012 : i32 to index
    %get3A_1014 = arith.constant 144 : index
    %get3A_1015 = tpu.vector_load %arg4[%get3A_1013, %get3A_1014] {strides = array<i32>} : memref<16x256xf32, #tpu.memory_space<vmem>>, vector<1x16xf32>,
    %get3A_1016 = vector.shape_cast %get3A_1015 : vector<1x16xf32> to vector<16xf32>
    %select_n3A_1017 = arith.select %gt3A_1011, %get3A_1016, %select_n3A_1004 : vector<16xi1>, vector<16xf32>
    %select_n3A_1018 = arith.select %gt3A_1011, %get3A_1010, %select_n3A_1005 : vector<16xi1>, vector<16xf32>
    %get3A_1019 = arith.constant 14 : i32
    %get3A_1020 = arith.index_cast %get3A_1019 : i32 to index
    %get3A_1021 = arith.constant 144 : index
    %get3A_1022 = tpu.vector_load %arg4[%get3A_1020, %get3A_1021] {strides = array<i32>} : memref<16x256xf32, #tpu.memory_space<vmem>>, vector<1x16xf32>,
    %get3A_1023 = vector.shape_cast %get3A_1022 : vector<1x16xf32> to vector<16xf32>
    %gt3A_1024 = arith.cmpf ogt, %get3A_1023, %select_n3A_1018 : vector<16xf32>
    %get3A_1025 = arith.constant 6 : i32
    %get3A_1026 = arith.index_cast %get3A_1025 : i32 to index
    %get3A_1027 = arith.constant 144 : index
    %get3A_1028 = tpu.vector_load %arg4[%get3A_1026, %get3A_1027] {strides = array<i32>} : memref<16x256xf32, #tpu.memory_space<vmem>>, vector<1x16xf32>,
    %get3A_1029 = vector.shape_cast %get3A_1028 : vector<1x16xf32> to vector<16xf32>
    %select_n3A_1030 = arith.select %gt3A_1024, %get3A_1029, %select_n3A_1017 : vector<16xi1>, vector<16xf32>
    %select_n3A_1031 = arith.select %gt3A_1024, %get3A_1023, %select_n3A_1018 : vector<16xi1>, vector<16xf32>
    %get3A_1032 = arith.constant 15 : i32
    %get3A_1033 = arith.index_cast %get3A_1032 : i32 to index
    %get3A_1034 = arith.constant 144 : index
    %get3A_1035 = tpu.vector_load %arg4[%get3A_1033, %get3A_1034] {strides = array<i32>} : memref<16x256xf32, #tpu.memory_space<vmem>>, vector<1x16xf32>,
    %get3A_1036 = vector.shape_cast %get3A_1035 : vector<1x16xf32> to vector<16xf32>
    %gt3A_1037 = arith.cmpf ogt, %get3A_1036, %select_n3A_1031 : vector<16xf32>
    %get3A_1038 = arith.constant 7 : i32
    %get3A_1039 = arith.index_cast %get3A_1038 : i32 to index
    %get3A_1040 = arith.constant 144 : index
    %get3A_1041 = tpu.vector_load %arg4[%get3A_1039, %get3A_1040] {strides = array<i32>} : memref<16x256xf32, #tpu.memory_space<vmem>>, vector<1x16xf32>,
    %get3A_1042 = vector.shape_cast %get3A_1041 : vector<1x16xf32> to vector<16xf32>
    %select_n3A_1043 = arith.select %gt3A_1037, %get3A_1042, %select_n3A_1030 : vector<16xi1>, vector<16xf32>
    %select_n3A_1044 = arith.select %gt3A_1037, %get3A_1036, %select_n3A_1031 : vector<16xi1>, vector<16xf32>
    %swap3A_1045 = arith.constant 144 : index
    %swap3A_1046 = tpu.vector_load %arg5[%swap3A_1045] {strides = array<i32>} : memref<256xf32, #tpu.memory_space<vmem>>, vector<16xf32>,
    %swap3A_1047 = vector.shape_cast %swap3A_1046 : vector<16xf32> to vector<16xf32>
    %swap3A_1048 = vector.shape_cast %select_n3A_1043 : vector<16xf32> to vector<16xf32>
    tpu.vector_store %arg5[%swap3A_1045], %swap3A_1048 {strides = array<i32>} : memref<256xf32, #tpu.memory_space<vmem>>, vector<16xf32>,
    %get3A_1049 = arith.constant 8 : i32
    %get3A_1050 = arith.index_cast %get3A_1049 : i32 to index
    %get3A_1051 = arith.constant 160 : index
    %get3A_1052 = tpu.vector_load %arg4[%get3A_1050, %get3A_1051] {strides = array<i32>} : memref<16x256xf32, #tpu.memory_space<vmem>>, vector<1x16xf32>,
    %get3A_1053 = vector.shape_cast %get3A_1052 : vector<1x16xf32> to vector<16xf32>
    %get3A_1054 = arith.constant 0 : i32
    %get3A_1055 = arith.index_cast %get3A_1054 : i32 to index
    %get3A_1056 = arith.constant 160 : index
    %get3A_1057 = tpu.vector_load %arg4[%get3A_1055, %get3A_1056] {strides = array<i32>} : memref<16x256xf32, #tpu.memory_space<vmem>>, vector<1x16xf32>,
    %get3A_1058 = vector.shape_cast %get3A_1057 : vector<1x16xf32> to vector<16xf32>
    %get3A_1059 = arith.constant 9 : i32
    %get3A_1060 = arith.index_cast %get3A_1059 : i32 to index
    %get3A_1061 = arith.constant 160 : index
    %get3A_1062 = tpu.vector_load %arg4[%get3A_1060, %get3A_1061] {strides = array<i32>} : memref<16x256xf32, #tpu.memory_space<vmem>>, vector<1x16xf32>,
    %get3A_1063 = vector.shape_cast %get3A_1062 : vector<1x16xf32> to vector<16xf32>
    %gt3A_1064 = arith.cmpf ogt, %get3A_1063, %get3A_1053 : vector<16xf32>
    %get3A_1065 = arith.constant 1 : i32
    %get3A_1066 = arith.index_cast %get3A_1065 : i32 to index
    %get3A_1067 = arith.constant 160 : index
    %get3A_1068 = tpu.vector_load %arg4[%get3A_1066, %get3A_1067] {strides = array<i32>} : memref<16x256xf32, #tpu.memory_space<vmem>>, vector<1x16xf32>,
    %get3A_1069 = vector.shape_cast %get3A_1068 : vector<1x16xf32> to vector<16xf32>
    %select_n3A_1070 = arith.select %gt3A_1064, %get3A_1069, %get3A_1058 : vector<16xi1>, vector<16xf32>
    %select_n3A_1071 = arith.select %gt3A_1064, %get3A_1063, %get3A_1053 : vector<16xi1>, vector<16xf32>
    %get3A_1072 = arith.constant 10 : i32
    %get3A_1073 = arith.index_cast %get3A_1072 : i32 to index
    %get3A_1074 = arith.constant 160 : index
    %get3A_1075 = tpu.vector_load %arg4[%get3A_1073, %get3A_1074] {strides = array<i32>} : memref<16x256xf32, #tpu.memory_space<vmem>>, vector<1x16xf32>,
    %get3A_1076 = vector.shape_cast %get3A_1075 : vector<1x16xf32> to vector<16xf32>
    %gt3A_1077 = arith.cmpf ogt, %get3A_1076, %select_n3A_1071 : vector<16xf32>
    %get3A_1078 = arith.constant 2 : i32
    %get3A_1079 = arith.index_cast %get3A_1078 : i32 to index
    %get3A_1080 = arith.constant 160 : index
    %get3A_1081 = tpu.vector_load %arg4[%get3A_1079, %get3A_1080] {strides = array<i32>} : memref<16x256xf32, #tpu.memory_space<vmem>>, vector<1x16xf32>,
    %get3A_1082 = vector.shape_cast %get3A_1081 : vector<1x16xf32> to vector<16xf32>
    %select_n3A_1083 = arith.select %gt3A_1077, %get3A_1082, %select_n3A_1070 : vector<16xi1>, vector<16xf32>
    %select_n3A_1084 = arith.select %gt3A_1077, %get3A_1076, %select_n3A_1071 : vector<16xi1>, vector<16xf32>
    %get3A_1085 = arith.constant 11 : i32
    %get3A_1086 = arith.index_cast %get3A_1085 : i32 to index
    %get3A_1087 = arith.constant 160 : index
    %get3A_1088 = tpu.vector_load %arg4[%get3A_1086, %get3A_1087] {strides = array<i32>} : memref<16x256xf32, #tpu.memory_space<vmem>>, vector<1x16xf32>,
    %get3A_1089 = vector.shape_cast %get3A_1088 : vector<1x16xf32> to vector<16xf32>
    %gt3A_1090 = arith.cmpf ogt, %get3A_1089, %select_n3A_1084 : vector<16xf32>
    %get3A_1091 = arith.constant 3 : i32
    %get3A_1092 = arith.index_cast %get3A_1091 : i32 to index
    %get3A_1093 = arith.constant 160 : index
    %get3A_1094 = tpu.vector_load %arg4[%get3A_1092, %get3A_1093] {strides = array<i32>} : memref<16x256xf32, #tpu.memory_space<vmem>>, vector<1x16xf32>,
    %get3A_1095 = vector.shape_cast %get3A_1094 : vector<1x16xf32> to vector<16xf32>
    %select_n3A_1096 = arith.select %gt3A_1090, %get3A_1095, %select_n3A_1083 : vector<16xi1>, vector<16xf32>
    %select_n3A_1097 = arith.select %gt3A_1090, %get3A_1089, %select_n3A_1084 : vector<16xi1>, vector<16xf32>
    %get3A_1098 = arith.constant 12 : i32
    %get3A_1099 = arith.index_cast %get3A_1098 : i32 to index
    %get3A_1100 = arith.constant 160 : index
    %get3A_1101 = tpu.vector_load %arg4[%get3A_1099, %get3A_1100] {strides = array<i32>} : memref<16x256xf32, #tpu.memory_space<vmem>>, vector<1x16xf32>,
    %get3A_1102 = vector.shape_cast %get3A_1101 : vector<1x16xf32> to vector<16xf32>
    %gt3A_1103 = arith.cmpf ogt, %get3A_1102, %select_n3A_1097 : vector<16xf32>
    %get3A_1104 = arith.constant 4 : i32
    %get3A_1105 = arith.index_cast %get3A_1104 : i32 to index
    %get3A_1106 = arith.constant 160 : index
    %get3A_1107 = tpu.vector_load %arg4[%get3A_1105, %get3A_1106] {strides = array<i32>} : memref<16x256xf32, #tpu.memory_space<vmem>>, vector<1x16xf32>,
    %get3A_1108 = vector.shape_cast %get3A_1107 : vector<1x16xf32> to vector<16xf32>
    %select_n3A_1109 = arith.select %gt3A_1103, %get3A_1108, %select_n3A_1096 : vector<16xi1>, vector<16xf32>
    %select_n3A_1110 = arith.select %gt3A_1103, %get3A_1102, %select_n3A_1097 : vector<16xi1>, vector<16xf32>
    %get3A_1111 = arith.constant 13 : i32
    %get3A_1112 = arith.index_cast %get3A_1111 : i32 to index
    %get3A_1113 = arith.constant 160 : index
    %get3A_1114 = tpu.vector_load %arg4[%get3A_1112, %get3A_1113] {strides = array<i32>} : memref<16x256xf32, #tpu.memory_space<vmem>>, vector<1x16xf32>,
    %get3A_1115 = vector.shape_cast %get3A_1114 : vector<1x16xf32> to vector<16xf32>
    %gt3A_1116 = arith.cmpf ogt, %get3A_1115, %select_n3A_1110 : vector<16xf32>
    %get3A_1117 = arith.constant 5 : i32
    %get3A_1118 = arith.index_cast %get3A_1117 : i32 to index
    %get3A_1119 = arith.constant 160 : index
    %get3A_1120 = tpu.vector_load %arg4[%get3A_1118, %get3A_1119] {strides = array<i32>} : memref<16x256xf32, #tpu.memory_space<vmem>>, vector<1x16xf32>,
    %get3A_1121 = vector.shape_cast %get3A_1120 : vector<1x16xf32> to vector<16xf32>
    %select_n3A_1122 = arith.select %gt3A_1116, %get3A_1121, %select_n3A_1109 : vector<16xi1>, vector<16xf32>
    %select_n3A_1123 = arith.select %gt3A_1116, %get3A_1115, %select_n3A_1110 : vector<16xi1>, vector<16xf32>
    %get3A_1124 = arith.constant 14 : i32
    %get3A_1125 = arith.index_cast %get3A_1124 : i32 to index
    %get3A_1126 = arith.constant 160 : index
    %get3A_1127 = tpu.vector_load %arg4[%get3A_1125, %get3A_1126] {strides = array<i32>} : memref<16x256xf32, #tpu.memory_space<vmem>>, vector<1x16xf32>,
    %get3A_1128 = vector.shape_cast %get3A_1127 : vector<1x16xf32> to vector<16xf32>
    %gt3A_1129 = arith.cmpf ogt, %get3A_1128, %select_n3A_1123 : vector<16xf32>
    %get3A_1130 = arith.constant 6 : i32
    %get3A_1131 = arith.index_cast %get3A_1130 : i32 to index
    %get3A_1132 = arith.constant 160 : index
    %get3A_1133 = tpu.vector_load %arg4[%get3A_1131, %get3A_1132] {strides = array<i32>} : memref<16x256xf32, #tpu.memory_space<vmem>>, vector<1x16xf32>,
    %get3A_1134 = vector.shape_cast %get3A_1133 : vector<1x16xf32> to vector<16xf32>
    %select_n3A_1135 = arith.select %gt3A_1129, %get3A_1134, %select_n3A_1122 : vector<16xi1>, vector<16xf32>
    %select_n3A_1136 = arith.select %gt3A_1129, %get3A_1128, %select_n3A_1123 : vector<16xi1>, vector<16xf32>
    %get3A_1137 = arith.constant 15 : i32
    %get3A_1138 = arith.index_cast %get3A_1137 : i32 to index
    %get3A_1139 = arith.constant 160 : index
    %get3A_1140 = tpu.vector_load %arg4[%get3A_1138, %get3A_1139] {strides = array<i32>} : memref<16x256xf32, #tpu.memory_space<vmem>>, vector<1x16xf32>,
    %get3A_1141 = vector.shape_cast %get3A_1140 : vector<1x16xf32> to vector<16xf32>
    %gt3A_1142 = arith.cmpf ogt, %get3A_1141, %select_n3A_1136 : vector<16xf32>
    %get3A_1143 = arith.constant 7 : i32
    %get3A_1144 = arith.index_cast %get3A_1143 : i32 to index
    %get3A_1145 = arith.constant 160 : index
    %get3A_1146 = tpu.vector_load %arg4[%get3A_1144, %get3A_1145] {strides = array<i32>} : memref<16x256xf32, #tpu.memory_space<vmem>>, vector<1x16xf32>,
    %get3A_1147 = vector.shape_cast %get3A_1146 : vector<1x16xf32> to vector<16xf32>
    %select_n3A_1148 = arith.select %gt3A_1142, %get3A_1147, %select_n3A_1135 : vector<16xi1>, vector<16xf32>
    %select_n3A_1149 = arith.select %gt3A_1142, %get3A_1141, %select_n3A_1136 : vector<16xi1>, vector<16xf32>
    %swap3A_1150 = arith.constant 160 : index
    %swap3A_1151 = tpu.vector_load %arg5[%swap3A_1150] {strides = array<i32>} : memref<256xf32, #tpu.memory_space<vmem>>, vector<16xf32>,
    %swap3A_1152 = vector.shape_cast %swap3A_1151 : vector<16xf32> to vector<16xf32>
    %swap3A_1153 = vector.shape_cast %select_n3A_1148 : vector<16xf32> to vector<16xf32>
    tpu.vector_store %arg5[%swap3A_1150], %swap3A_1153 {strides = array<i32>} : memref<256xf32, #tpu.memory_space<vmem>>, vector<16xf32>,
    %get3A_1154 = arith.constant 8 : i32
    %get3A_1155 = arith.index_cast %get3A_1154 : i32 to index
    %get3A_1156 = arith.constant 176 : index
    %get3A_1157 = tpu.vector_load %arg4[%get3A_1155, %get3A_1156] {strides = array<i32>} : memref<16x256xf32, #tpu.memory_space<vmem>>, vector<1x16xf32>,
    %get3A_1158 = vector.shape_cast %get3A_1157 : vector<1x16xf32> to vector<16xf32>
    %get3A_1159 = arith.constant 0 : i32
    %get3A_1160 = arith.index_cast %get3A_1159 : i32 to index
    %get3A_1161 = arith.constant 176 : index
    %get3A_1162 = tpu.vector_load %arg4[%get3A_1160, %get3A_1161] {strides = array<i32>} : memref<16x256xf32, #tpu.memory_space<vmem>>, vector<1x16xf32>,
    %get3A_1163 = vector.shape_cast %get3A_1162 : vector<1x16xf32> to vector<16xf32>
    %get3A_1164 = arith.constant 9 : i32
    %get3A_1165 = arith.index_cast %get3A_1164 : i32 to index
    %get3A_1166 = arith.constant 176 : index
    %get3A_1167 = tpu.vector_load %arg4[%get3A_1165, %get3A_1166] {strides = array<i32>} : memref<16x256xf32, #tpu.memory_space<vmem>>, vector<1x16xf32>,
    %get3A_1168 = vector.shape_cast %get3A_1167 : vector<1x16xf32> to vector<16xf32>
    %gt3A_1169 = arith.cmpf ogt, %get3A_1168, %get3A_1158 : vector<16xf32>
    %get3A_1170 = arith.constant 1 : i32
    %get3A_1171 = arith.index_cast %get3A_1170 : i32 to index
    %get3A_1172 = arith.constant 176 : index
    %get3A_1173 = tpu.vector_load %arg4[%get3A_1171, %get3A_1172] {strides = array<i32>} : memref<16x256xf32, #tpu.memory_space<vmem>>, vector<1x16xf32>,
    %get3A_1174 = vector.shape_cast %get3A_1173 : vector<1x16xf32> to vector<16xf32>
    %select_n3A_1175 = arith.select %gt3A_1169, %get3A_1174, %get3A_1163 : vector<16xi1>, vector<16xf32>
    %select_n3A_1176 = arith.select %gt3A_1169, %get3A_1168, %get3A_1158 : vector<16xi1>, vector<16xf32>
    %get3A_1177 = arith.constant 10 : i32
    %get3A_1178 = arith.index_cast %get3A_1177 : i32 to index
    %get3A_1179 = arith.constant 176 : index
    %get3A_1180 = tpu.vector_load %arg4[%get3A_1178, %get3A_1179] {strides = array<i32>} : memref<16x256xf32, #tpu.memory_space<vmem>>, vector<1x16xf32>,
    %get3A_1181 = vector.shape_cast %get3A_1180 : vector<1x16xf32> to vector<16xf32>
    %gt3A_1182 = arith.cmpf ogt, %get3A_1181, %select_n3A_1176 : vector<16xf32>
    %get3A_1183 = arith.constant 2 : i32
    %get3A_1184 = arith.index_cast %get3A_1183 : i32 to index
    %get3A_1185 = arith.constant 176 : index
    %get3A_1186 = tpu.vector_load %arg4[%get3A_1184, %get3A_1185] {strides = array<i32>} : memref<16x256xf32, #tpu.memory_space<vmem>>, vector<1x16xf32>,
    %get3A_1187 = vector.shape_cast %get3A_1186 : vector<1x16xf32> to vector<16xf32>
    %select_n3A_1188 = arith.select %gt3A_1182, %get3A_1187, %select_n3A_1175 : vector<16xi1>, vector<16xf32>
    %select_n3A_1189 = arith.select %gt3A_1182, %get3A_1181, %select_n3A_1176 : vector<16xi1>, vector<16xf32>
    %get3A_1190 = arith.constant 11 : i32
    %get3A_1191 = arith.index_cast %get3A_1190 : i32 to index
    %get3A_1192 = arith.constant 176 : index
    %get3A_1193 = tpu.vector_load %arg4[%get3A_1191, %get3A_1192] {strides = array<i32>} : memref<16x256xf32, #tpu.memory_space<vmem>>, vector<1x16xf32>,
    %get3A_1194 = vector.shape_cast %get3A_1193 : vector<1x16xf32> to vector<16xf32>
    %gt3A_1195 = arith.cmpf ogt, %get3A_1194, %select_n3A_1189 : vector<16xf32>
    %get3A_1196 = arith.constant 3 : i32
    %get3A_1197 = arith.index_cast %get3A_1196 : i32 to index
    %get3A_1198 = arith.constant 176 : index
    %get3A_1199 = tpu.vector_load %arg4[%get3A_1197, %get3A_1198] {strides = array<i32>} : memref<16x256xf32, #tpu.memory_space<vmem>>, vector<1x16xf32>,
    %get3A_1200 = vector.shape_cast %get3A_1199 : vector<1x16xf32> to vector<16xf32>
    %select_n3A_1201 = arith.select %gt3A_1195, %get3A_1200, %select_n3A_1188 : vector<16xi1>, vector<16xf32>
    %select_n3A_1202 = arith.select %gt3A_1195, %get3A_1194, %select_n3A_1189 : vector<16xi1>, vector<16xf32>
    %get3A_1203 = arith.constant 12 : i32
    %get3A_1204 = arith.index_cast %get3A_1203 : i32 to index
    %get3A_1205 = arith.constant 176 : index
    %get3A_1206 = tpu.vector_load %arg4[%get3A_1204, %get3A_1205] {strides = array<i32>} : memref<16x256xf32, #tpu.memory_space<vmem>>, vector<1x16xf32>,
    %get3A_1207 = vector.shape_cast %get3A_1206 : vector<1x16xf32> to vector<16xf32>
    %gt3A_1208 = arith.cmpf ogt, %get3A_1207, %select_n3A_1202 : vector<16xf32>
    %get3A_1209 = arith.constant 4 : i32
    %get3A_1210 = arith.index_cast %get3A_1209 : i32 to index
    %get3A_1211 = arith.constant 176 : index
    %get3A_1212 = tpu.vector_load %arg4[%get3A_1210, %get3A_1211] {strides = array<i32>} : memref<16x256xf32, #tpu.memory_space<vmem>>, vector<1x16xf32>,
    %get3A_1213 = vector.shape_cast %get3A_1212 : vector<1x16xf32> to vector<16xf32>
    %select_n3A_1214 = arith.select %gt3A_1208, %get3A_1213, %select_n3A_1201 : vector<16xi1>, vector<16xf32>
    %select_n3A_1215 = arith.select %gt3A_1208, %get3A_1207, %select_n3A_1202 : vector<16xi1>, vector<16xf32>
    %get3A_1216 = arith.constant 13 : i32
    %get3A_1217 = arith.index_cast %get3A_1216 : i32 to index
    %get3A_1218 = arith.constant 176 : index
    %get3A_1219 = tpu.vector_load %arg4[%get3A_1217, %get3A_1218] {strides = array<i32>} : memref<16x256xf32, #tpu.memory_space<vmem>>, vector<1x16xf32>,
    %get3A_1220 = vector.shape_cast %get3A_1219 : vector<1x16xf32> to vector<16xf32>
    %gt3A_1221 = arith.cmpf ogt, %get3A_1220, %select_n3A_1215 : vector<16xf32>
    %get3A_1222 = arith.constant 5 : i32
    %get3A_1223 = arith.index_cast %get3A_1222 : i32 to index
    %get3A_1224 = arith.constant 176 : index
    %get3A_1225 = tpu.vector_load %arg4[%get3A_1223, %get3A_1224] {strides = array<i32>} : memref<16x256xf32, #tpu.memory_space<vmem>>, vector<1x16xf32>,
    %get3A_1226 = vector.shape_cast %get3A_1225 : vector<1x16xf32> to vector<16xf32>
    %select_n3A_1227 = arith.select %gt3A_1221, %get3A_1226, %select_n3A_1214 : vector<16xi1>, vector<16xf32>
    %select_n3A_1228 = arith.select %gt3A_1221, %get3A_1220, %select_n3A_1215 : vector<16xi1>, vector<16xf32>
    %get3A_1229 = arith.constant 14 : i32
    %get3A_1230 = arith.index_cast %get3A_1229 : i32 to index
    %get3A_1231 = arith.constant 176 : index
    %get3A_1232 = tpu.vector_load %arg4[%get3A_1230, %get3A_1231] {strides = array<i32>} : memref<16x256xf32, #tpu.memory_space<vmem>>, vector<1x16xf32>,
    %get3A_1233 = vector.shape_cast %get3A_1232 : vector<1x16xf32> to vector<16xf32>
    %gt3A_1234 = arith.cmpf ogt, %get3A_1233, %select_n3A_1228 : vector<16xf32>
    %get3A_1235 = arith.constant 6 : i32
    %get3A_1236 = arith.index_cast %get3A_1235 : i32 to index
    %get3A_1237 = arith.constant 176 : index
    %get3A_1238 = tpu.vector_load %arg4[%get3A_1236, %get3A_1237] {strides = array<i32>} : memref<16x256xf32, #tpu.memory_space<vmem>>, vector<1x16xf32>,
    %get3A_1239 = vector.shape_cast %get3A_1238 : vector<1x16xf32> to vector<16xf32>
    %select_n3A_1240 = arith.select %gt3A_1234, %get3A_1239, %select_n3A_1227 : vector<16xi1>, vector<16xf32>
    %select_n3A_1241 = arith.select %gt3A_1234, %get3A_1233, %select_n3A_1228 : vector<16xi1>, vector<16xf32>
    %get3A_1242 = arith.constant 15 : i32
    %get3A_1243 = arith.index_cast %get3A_1242 : i32 to index
    %get3A_1244 = arith.constant 176 : index
    %get3A_1245 = tpu.vector_load %arg4[%get3A_1243, %get3A_1244] {strides = array<i32>} : memref<16x256xf32, #tpu.memory_space<vmem>>, vector<1x16xf32>,
    %get3A_1246 = vector.shape_cast %get3A_1245 : vector<1x16xf32> to vector<16xf32>
    %gt3A_1247 = arith.cmpf ogt, %get3A_1246, %select_n3A_1241 : vector<16xf32>
    %get3A_1248 = arith.constant 7 : i32
    %get3A_1249 = arith.index_cast %get3A_1248 : i32 to index
    %get3A_1250 = arith.constant 176 : index
    %get3A_1251 = tpu.vector_load %arg4[%get3A_1249, %get3A_1250] {strides = array<i32>} : memref<16x256xf32, #tpu.memory_space<vmem>>, vector<1x16xf32>,
    %get3A_1252 = vector.shape_cast %get3A_1251 : vector<1x16xf32> to vector<16xf32>
    %select_n3A_1253 = arith.select %gt3A_1247, %get3A_1252, %select_n3A_1240 : vector<16xi1>, vector<16xf32>
    %select_n3A_1254 = arith.select %gt3A_1247, %get3A_1246, %select_n3A_1241 : vector<16xi1>, vector<16xf32>
    %swap3A_1255 = arith.constant 176 : index
    %swap3A_1256 = tpu.vector_load %arg5[%swap3A_1255] {strides = array<i32>} : memref<256xf32, #tpu.memory_space<vmem>>, vector<16xf32>,
    %swap3A_1257 = vector.shape_cast %swap3A_1256 : vector<16xf32> to vector<16xf32>
    %swap3A_1258 = vector.shape_cast %select_n3A_1253 : vector<16xf32> to vector<16xf32>
    tpu.vector_store %arg5[%swap3A_1255], %swap3A_1258 {strides = array<i32>} : memref<256xf32, #tpu.memory_space<vmem>>, vector<16xf32>,
    %get3A_1259 = arith.constant 8 : i32
    %get3A_1260 = arith.index_cast %get3A_1259 : i32 to index
    %get3A_1261 = arith.constant 192 : index
    %get3A_1262 = tpu.vector_load %arg4[%get3A_1260, %get3A_1261] {strides = array<i32>} : memref<16x256xf32, #tpu.memory_space<vmem>>, vector<1x16xf32>,
    %get3A_1263 = vector.shape_cast %get3A_1262 : vector<1x16xf32> to vector<16xf32>
    %get3A_1264 = arith.constant 0 : i32
    %get3A_1265 = arith.index_cast %get3A_1264 : i32 to index
    %get3A_1266 = arith.constant 192 : index
    %get3A_1267 = tpu.vector_load %arg4[%get3A_1265, %get3A_1266] {strides = array<i32>} : memref<16x256xf32, #tpu.memory_space<vmem>>, vector<1x16xf32>,
    %get3A_1268 = vector.shape_cast %get3A_1267 : vector<1x16xf32> to vector<16xf32>
    %get3A_1269 = arith.constant 9 : i32
    %get3A_1270 = arith.index_cast %get3A_1269 : i32 to index
    %get3A_1271 = arith.constant 192 : index
    %get3A_1272 = tpu.vector_load %arg4[%get3A_1270, %get3A_1271] {strides = array<i32>} : memref<16x256xf32, #tpu.memory_space<vmem>>, vector<1x16xf32>,
    %get3A_1273 = vector.shape_cast %get3A_1272 : vector<1x16xf32> to vector<16xf32>
    %gt3A_1274 = arith.cmpf ogt, %get3A_1273, %get3A_1263 : vector<16xf32>
    %get3A_1275 = arith.constant 1 : i32
    %get3A_1276 = arith.index_cast %get3A_1275 : i32 to index
    %get3A_1277 = arith.constant 192 : index
    %get3A_1278 = tpu.vector_load %arg4[%get3A_1276, %get3A_1277] {strides = array<i32>} : memref<16x256xf32, #tpu.memory_space<vmem>>, vector<1x16xf32>,
    %get3A_1279 = vector.shape_cast %get3A_1278 : vector<1x16xf32> to vector<16xf32>
    %select_n3A_1280 = arith.select %gt3A_1274, %get3A_1279, %get3A_1268 : vector<16xi1>, vector<16xf32>
    %select_n3A_1281 = arith.select %gt3A_1274, %get3A_1273, %get3A_1263 : vector<16xi1>, vector<16xf32>
    %get3A_1282 = arith.constant 10 : i32
    %get3A_1283 = arith.index_cast %get3A_1282 : i32 to index
    %get3A_1284 = arith.constant 192 : index
    %get3A_1285 = tpu.vector_load %arg4[%get3A_1283, %get3A_1284] {strides = array<i32>} : memref<16x256xf32, #tpu.memory_space<vmem>>, vector<1x16xf32>,
    %get3A_1286 = vector.shape_cast %get3A_1285 : vector<1x16xf32> to vector<16xf32>
    %gt3A_1287 = arith.cmpf ogt, %get3A_1286, %select_n3A_1281 : vector<16xf32>
    %get3A_1288 = arith.constant 2 : i32
    %get3A_1289 = arith.index_cast %get3A_1288 : i32 to index
    %get3A_1290 = arith.constant 192 : index
    %get3A_1291 = tpu.vector_load %arg4[%get3A_1289, %get3A_1290] {strides = array<i32>} : memref<16x256xf32, #tpu.memory_space<vmem>>, vector<1x16xf32>,
    %get3A_1292 = vector.shape_cast %get3A_1291 : vector<1x16xf32> to vector<16xf32>
    %select_n3A_1293 = arith.select %gt3A_1287, %get3A_1292, %select_n3A_1280 : vector<16xi1>, vector<16xf32>
    %select_n3A_1294 = arith.select %gt3A_1287, %get3A_1286, %select_n3A_1281 : vector<16xi1>, vector<16xf32>
    %get3A_1295 = arith.constant 11 : i32
    %get3A_1296 = arith.index_cast %get3A_1295 : i32 to index
    %get3A_1297 = arith.constant 192 : index
    %get3A_1298 = tpu.vector_load %arg4[%get3A_1296, %get3A_1297] {strides = array<i32>} : memref<16x256xf32, #tpu.memory_space<vmem>>, vector<1x16xf32>,
    %get3A_1299 = vector.shape_cast %get3A_1298 : vector<1x16xf32> to vector<16xf32>
    %gt3A_1300 = arith.cmpf ogt, %get3A_1299, %select_n3A_1294 : vector<16xf32>
    %get3A_1301 = arith.constant 3 : i32
    %get3A_1302 = arith.index_cast %get3A_1301 : i32 to index
    %get3A_1303 = arith.constant 192 : index
    %get3A_1304 = tpu.vector_load %arg4[%get3A_1302, %get3A_1303] {strides = array<i32>} : memref<16x256xf32, #tpu.memory_space<vmem>>, vector<1x16xf32>,
    %get3A_1305 = vector.shape_cast %get3A_1304 : vector<1x16xf32> to vector<16xf32>
    %select_n3A_1306 = arith.select %gt3A_1300, %get3A_1305, %select_n3A_1293 : vector<16xi1>, vector<16xf32>
    %select_n3A_1307 = arith.select %gt3A_1300, %get3A_1299, %select_n3A_1294 : vector<16xi1>, vector<16xf32>
    %get3A_1308 = arith.constant 12 : i32
    %get3A_1309 = arith.index_cast %get3A_1308 : i32 to index
    %get3A_1310 = arith.constant 192 : index
    %get3A_1311 = tpu.vector_load %arg4[%get3A_1309, %get3A_1310] {strides = array<i32>} : memref<16x256xf32, #tpu.memory_space<vmem>>, vector<1x16xf32>,
    %get3A_1312 = vector.shape_cast %get3A_1311 : vector<1x16xf32> to vector<16xf32>
    %gt3A_1313 = arith.cmpf ogt, %get3A_1312, %select_n3A_1307 : vector<16xf32>
    %get3A_1314 = arith.constant 4 : i32
    %get3A_1315 = arith.index_cast %get3A_1314 : i32 to index
    %get3A_1316 = arith.constant 192 : index
    %get3A_1317 = tpu.vector_load %arg4[%get3A_1315, %get3A_1316] {strides = array<i32>} : memref<16x256xf32, #tpu.memory_space<vmem>>, vector<1x16xf32>,
    %get3A_1318 = vector.shape_cast %get3A_1317 : vector<1x16xf32> to vector<16xf32>
    %select_n3A_1319 = arith.select %gt3A_1313, %get3A_1318, %select_n3A_1306 : vector<16xi1>, vector<16xf32>
    %select_n3A_1320 = arith.select %gt3A_1313, %get3A_1312, %select_n3A_1307 : vector<16xi1>, vector<16xf32>
    %get3A_1321 = arith.constant 13 : i32
    %get3A_1322 = arith.index_cast %get3A_1321 : i32 to index
    %get3A_1323 = arith.constant 192 : index
    %get3A_1324 = tpu.vector_load %arg4[%get3A_1322, %get3A_1323] {strides = array<i32>} : memref<16x256xf32, #tpu.memory_space<vmem>>, vector<1x16xf32>,
    %get3A_1325 = vector.shape_cast %get3A_1324 : vector<1x16xf32> to vector<16xf32>
    %gt3A_1326 = arith.cmpf ogt, %get3A_1325, %select_n3A_1320 : vector<16xf32>
    %get3A_1327 = arith.constant 5 : i32
    %get3A_1328 = arith.index_cast %get3A_1327 : i32 to index
    %get3A_1329 = arith.constant 192 : index
    %get3A_1330 = tpu.vector_load %arg4[%get3A_1328, %get3A_1329] {strides = array<i32>} : memref<16x256xf32, #tpu.memory_space<vmem>>, vector<1x16xf32>,
    %get3A_1331 = vector.shape_cast %get3A_1330 : vector<1x16xf32> to vector<16xf32>
    %select_n3A_1332 = arith.select %gt3A_1326, %get3A_1331, %select_n3A_1319 : vector<16xi1>, vector<16xf32>
    %select_n3A_1333 = arith.select %gt3A_1326, %get3A_1325, %select_n3A_1320 : vector<16xi1>, vector<16xf32>
    %get3A_1334 = arith.constant 14 : i32
    %get3A_1335 = arith.index_cast %get3A_1334 : i32 to index
    %get3A_1336 = arith.constant 192 : index
    %get3A_1337 = tpu.vector_load %arg4[%get3A_1335, %get3A_1336] {strides = array<i32>} : memref<16x256xf32, #tpu.memory_space<vmem>>, vector<1x16xf32>,
    %get3A_1338 = vector.shape_cast %get3A_1337 : vector<1x16xf32> to vector<16xf32>
    %gt3A_1339 = arith.cmpf ogt, %get3A_1338, %select_n3A_1333 : vector<16xf32>
    %get3A_1340 = arith.constant 6 : i32
    %get3A_1341 = arith.index_cast %get3A_1340 : i32 to index
    %get3A_1342 = arith.constant 192 : index
    %get3A_1343 = tpu.vector_load %arg4[%get3A_1341, %get3A_1342] {strides = array<i32>} : memref<16x256xf32, #tpu.memory_space<vmem>>, vector<1x16xf32>,
    %get3A_1344 = vector.shape_cast %get3A_1343 : vector<1x16xf32> to vector<16xf32>
    %select_n3A_1345 = arith.select %gt3A_1339, %get3A_1344, %select_n3A_1332 : vector<16xi1>, vector<16xf32>
    %select_n3A_1346 = arith.select %gt3A_1339, %get3A_1338, %select_n3A_1333 : vector<16xi1>, vector<16xf32>
    %get3A_1347 = arith.constant 15 : i32
    %get3A_1348 = arith.index_cast %get3A_1347 : i32 to index
    %get3A_1349 = arith.constant 192 : index
    %get3A_1350 = tpu.vector_load %arg4[%get3A_1348, %get3A_1349] {strides = array<i32>} : memref<16x256xf32, #tpu.memory_space<vmem>>, vector<1x16xf32>,
    %get3A_1351 = vector.shape_cast %get3A_1350 : vector<1x16xf32> to vector<16xf32>
    %gt3A_1352 = arith.cmpf ogt, %get3A_1351, %select_n3A_1346 : vector<16xf32>
    %get3A_1353 = arith.constant 7 : i32
    %get3A_1354 = arith.index_cast %get3A_1353 : i32 to index
    %get3A_1355 = arith.constant 192 : index
    %get3A_1356 = tpu.vector_load %arg4[%get3A_1354, %get3A_1355] {strides = array<i32>} : memref<16x256xf32, #tpu.memory_space<vmem>>, vector<1x16xf32>,
    %get3A_1357 = vector.shape_cast %get3A_1356 : vector<1x16xf32> to vector<16xf32>
    %select_n3A_1358 = arith.select %gt3A_1352, %get3A_1357, %select_n3A_1345 : vector<16xi1>, vector<16xf32>
    %select_n3A_1359 = arith.select %gt3A_1352, %get3A_1351, %select_n3A_1346 : vector<16xi1>, vector<16xf32>
    %swap3A_1360 = arith.constant 192 : index
    %swap3A_1361 = tpu.vector_load %arg5[%swap3A_1360] {strides = array<i32>} : memref<256xf32, #tpu.memory_space<vmem>>, vector<16xf32>,
    %swap3A_1362 = vector.shape_cast %swap3A_1361 : vector<16xf32> to vector<16xf32>
    %swap3A_1363 = vector.shape_cast %select_n3A_1358 : vector<16xf32> to vector<16xf32>
    tpu.vector_store %arg5[%swap3A_1360], %swap3A_1363 {strides = array<i32>} : memref<256xf32, #tpu.memory_space<vmem>>, vector<16xf32>,
    %get3A_1364 = arith.constant 8 : i32
    %get3A_1365 = arith.index_cast %get3A_1364 : i32 to index
    %get3A_1366 = arith.constant 208 : index
    %get3A_1367 = tpu.vector_load %arg4[%get3A_1365, %get3A_1366] {strides = array<i32>} : memref<16x256xf32, #tpu.memory_space<vmem>>, vector<1x16xf32>,
    %get3A_1368 = vector.shape_cast %get3A_1367 : vector<1x16xf32> to vector<16xf32>
    %get3A_1369 = arith.constant 0 : i32
    %get3A_1370 = arith.index_cast %get3A_1369 : i32 to index
    %get3A_1371 = arith.constant 208 : index
    %get3A_1372 = tpu.vector_load %arg4[%get3A_1370, %get3A_1371] {strides = array<i32>} : memref<16x256xf32, #tpu.memory_space<vmem>>, vector<1x16xf32>,
    %get3A_1373 = vector.shape_cast %get3A_1372 : vector<1x16xf32> to vector<16xf32>
    %get3A_1374 = arith.constant 9 : i32
    %get3A_1375 = arith.index_cast %get3A_1374 : i32 to index
    %get3A_1376 = arith.constant 208 : index
    %get3A_1377 = tpu.vector_load %arg4[%get3A_1375, %get3A_1376] {strides = array<i32>} : memref<16x256xf32, #tpu.memory_space<vmem>>, vector<1x16xf32>,
    %get3A_1378 = vector.shape_cast %get3A_1377 : vector<1x16xf32> to vector<16xf32>
    %gt3A_1379 = arith.cmpf ogt, %get3A_1378, %get3A_1368 : vector<16xf32>
    %get3A_1380 = arith.constant 1 : i32
    %get3A_1381 = arith.index_cast %get3A_1380 : i32 to index
    %get3A_1382 = arith.constant 208 : index
    %get3A_1383 = tpu.vector_load %arg4[%get3A_1381, %get3A_1382] {strides = array<i32>} : memref<16x256xf32, #tpu.memory_space<vmem>>, vector<1x16xf32>,
    %get3A_1384 = vector.shape_cast %get3A_1383 : vector<1x16xf32> to vector<16xf32>
    %select_n3A_1385 = arith.select %gt3A_1379, %get3A_1384, %get3A_1373 : vector<16xi1>, vector<16xf32>
    %select_n3A_1386 = arith.select %gt3A_1379, %get3A_1378, %get3A_1368 : vector<16xi1>, vector<16xf32>
    %get3A_1387 = arith.constant 10 : i32
    %get3A_1388 = arith.index_cast %get3A_1387 : i32 to index
    %get3A_1389 = arith.constant 208 : index
    %get3A_1390 = tpu.vector_load %arg4[%get3A_1388, %get3A_1389] {strides = array<i32>} : memref<16x256xf32, #tpu.memory_space<vmem>>, vector<1x16xf32>,
    %get3A_1391 = vector.shape_cast %get3A_1390 : vector<1x16xf32> to vector<16xf32>
    %gt3A_1392 = arith.cmpf ogt, %get3A_1391, %select_n3A_1386 : vector<16xf32>
    %get3A_1393 = arith.constant 2 : i32
    %get3A_1394 = arith.index_cast %get3A_1393 : i32 to index
    %get3A_1395 = arith.constant 208 : index
    %get3A_1396 = tpu.vector_load %arg4[%get3A_1394, %get3A_1395] {strides = array<i32>} : memref<16x256xf32, #tpu.memory_space<vmem>>, vector<1x16xf32>,
    %get3A_1397 = vector.shape_cast %get3A_1396 : vector<1x16xf32> to vector<16xf32>
    %select_n3A_1398 = arith.select %gt3A_1392, %get3A_1397, %select_n3A_1385 : vector<16xi1>, vector<16xf32>
    %select_n3A_1399 = arith.select %gt3A_1392, %get3A_1391, %select_n3A_1386 : vector<16xi1>, vector<16xf32>
    %get3A_1400 = arith.constant 11 : i32
    %get3A_1401 = arith.index_cast %get3A_1400 : i32 to index
    %get3A_1402 = arith.constant 208 : index
    %get3A_1403 = tpu.vector_load %arg4[%get3A_1401, %get3A_1402] {strides = array<i32>} : memref<16x256xf32, #tpu.memory_space<vmem>>, vector<1x16xf32>,
    %get3A_1404 = vector.shape_cast %get3A_1403 : vector<1x16xf32> to vector<16xf32>
    %gt3A_1405 = arith.cmpf ogt, %get3A_1404, %select_n3A_1399 : vector<16xf32>
    %get3A_1406 = arith.constant 3 : i32
    %get3A_1407 = arith.index_cast %get3A_1406 : i32 to index
    %get3A_1408 = arith.constant 208 : index
    %get3A_1409 = tpu.vector_load %arg4[%get3A_1407, %get3A_1408] {strides = array<i32>} : memref<16x256xf32, #tpu.memory_space<vmem>>, vector<1x16xf32>,
    %get3A_1410 = vector.shape_cast %get3A_1409 : vector<1x16xf32> to vector<16xf32>
    %select_n3A_1411 = arith.select %gt3A_1405, %get3A_1410, %select_n3A_1398 : vector<16xi1>, vector<16xf32>
    %select_n3A_1412 = arith.select %gt3A_1405, %get3A_1404, %select_n3A_1399 : vector<16xi1>, vector<16xf32>
    %get3A_1413 = arith.constant 12 : i32
    %get3A_1414 = arith.index_cast %get3A_1413 : i32 to index
    %get3A_1415 = arith.constant 208 : index
    %get3A_1416 = tpu.vector_load %arg4[%get3A_1414, %get3A_1415] {strides = array<i32>} : memref<16x256xf32, #tpu.memory_space<vmem>>, vector<1x16xf32>,
    %get3A_1417 = vector.shape_cast %get3A_1416 : vector<1x16xf32> to vector<16xf32>
    %gt3A_1418 = arith.cmpf ogt, %get3A_1417, %select_n3A_1412 : vector<16xf32>
    %get3A_1419 = arith.constant 4 : i32
    %get3A_1420 = arith.index_cast %get3A_1419 : i32 to index
    %get3A_1421 = arith.constant 208 : index
    %get3A_1422 = tpu.vector_load %arg4[%get3A_1420, %get3A_1421] {strides = array<i32>} : memref<16x256xf32, #tpu.memory_space<vmem>>, vector<1x16xf32>,
    %get3A_1423 = vector.shape_cast %get3A_1422 : vector<1x16xf32> to vector<16xf32>
    %select_n3A_1424 = arith.select %gt3A_1418, %get3A_1423, %select_n3A_1411 : vector<16xi1>, vector<16xf32>
    %select_n3A_1425 = arith.select %gt3A_1418, %get3A_1417, %select_n3A_1412 : vector<16xi1>, vector<16xf32>
    %get3A_1426 = arith.constant 13 : i32
    %get3A_1427 = arith.index_cast %get3A_1426 : i32 to index
    %get3A_1428 = arith.constant 208 : index
    %get3A_1429 = tpu.vector_load %arg4[%get3A_1427, %get3A_1428] {strides = array<i32>} : memref<16x256xf32, #tpu.memory_space<vmem>>, vector<1x16xf32>,
    %get3A_1430 = vector.shape_cast %get3A_1429 : vector<1x16xf32> to vector<16xf32>
    %gt3A_1431 = arith.cmpf ogt, %get3A_1430, %select_n3A_1425 : vector<16xf32>
    %get3A_1432 = arith.constant 5 : i32
    %get3A_1433 = arith.index_cast %get3A_1432 : i32 to index
    %get3A_1434 = arith.constant 208 : index
    %get3A_1435 = tpu.vector_load %arg4[%get3A_1433, %get3A_1434] {strides = array<i32>} : memref<16x256xf32, #tpu.memory_space<vmem>>, vector<1x16xf32>,
    %get3A_1436 = vector.shape_cast %get3A_1435 : vector<1x16xf32> to vector<16xf32>
    %select_n3A_1437 = arith.select %gt3A_1431, %get3A_1436, %select_n3A_1424 : vector<16xi1>, vector<16xf32>
    %select_n3A_1438 = arith.select %gt3A_1431, %get3A_1430, %select_n3A_1425 : vector<16xi1>, vector<16xf32>
    %get3A_1439 = arith.constant 14 : i32
    %get3A_1440 = arith.index_cast %get3A_1439 : i32 to index
    %get3A_1441 = arith.constant 208 : index
    %get3A_1442 = tpu.vector_load %arg4[%get3A_1440, %get3A_1441] {strides = array<i32>} : memref<16x256xf32, #tpu.memory_space<vmem>>, vector<1x16xf32>,
    %get3A_1443 = vector.shape_cast %get3A_1442 : vector<1x16xf32> to vector<16xf32>
    %gt3A_1444 = arith.cmpf ogt, %get3A_1443, %select_n3A_1438 : vector<16xf32>
    %get3A_1445 = arith.constant 6 : i32
    %get3A_1446 = arith.index_cast %get3A_1445 : i32 to index
    %get3A_1447 = arith.constant 208 : index
    %get3A_1448 = tpu.vector_load %arg4[%get3A_1446, %get3A_1447] {strides = array<i32>} : memref<16x256xf32, #tpu.memory_space<vmem>>, vector<1x16xf32>,
    %get3A_1449 = vector.shape_cast %get3A_1448 : vector<1x16xf32> to vector<16xf32>
    %select_n3A_1450 = arith.select %gt3A_1444, %get3A_1449, %select_n3A_1437 : vector<16xi1>, vector<16xf32>
    %select_n3A_1451 = arith.select %gt3A_1444, %get3A_1443, %select_n3A_1438 : vector<16xi1>, vector<16xf32>
    %get3A_1452 = arith.constant 15 : i32
    %get3A_1453 = arith.index_cast %get3A_1452 : i32 to index
    %get3A_1454 = arith.constant 208 : index
    %get3A_1455 = tpu.vector_load %arg4[%get3A_1453, %get3A_1454] {strides = array<i32>} : memref<16x256xf32, #tpu.memory_space<vmem>>, vector<1x16xf32>,
    %get3A_1456 = vector.shape_cast %get3A_1455 : vector<1x16xf32> to vector<16xf32>
    %gt3A_1457 = arith.cmpf ogt, %get3A_1456, %select_n3A_1451 : vector<16xf32>
    %get3A_1458 = arith.constant 7 : i32
    %get3A_1459 = arith.index_cast %get3A_1458 : i32 to index
    %get3A_1460 = arith.constant 208 : index
    %get3A_1461 = tpu.vector_load %arg4[%get3A_1459, %get3A_1460] {strides = array<i32>} : memref<16x256xf32, #tpu.memory_space<vmem>>, vector<1x16xf32>,
    %get3A_1462 = vector.shape_cast %get3A_1461 : vector<1x16xf32> to vector<16xf32>
    %select_n3A_1463 = arith.select %gt3A_1457, %get3A_1462, %select_n3A_1450 : vector<16xi1>, vector<16xf32>
    %select_n3A_1464 = arith.select %gt3A_1457, %get3A_1456, %select_n3A_1451 : vector<16xi1>, vector<16xf32>
    %swap3A_1465 = arith.constant 208 : index
    %swap3A_1466 = tpu.vector_load %arg5[%swap3A_1465] {strides = array<i32>} : memref<256xf32, #tpu.memory_space<vmem>>, vector<16xf32>,
    %swap3A_1467 = vector.shape_cast %swap3A_1466 : vector<16xf32> to vector<16xf32>
    %swap3A_1468 = vector.shape_cast %select_n3A_1463 : vector<16xf32> to vector<16xf32>
    tpu.vector_store %arg5[%swap3A_1465], %swap3A_1468 {strides = array<i32>} : memref<256xf32, #tpu.memory_space<vmem>>, vector<16xf32>,
    %get3A_1469 = arith.constant 8 : i32
    %get3A_1470 = arith.index_cast %get3A_1469 : i32 to index
    %get3A_1471 = arith.constant 224 : index
    %get3A_1472 = tpu.vector_load %arg4[%get3A_1470, %get3A_1471] {strides = array<i32>} : memref<16x256xf32, #tpu.memory_space<vmem>>, vector<1x16xf32>,
    %get3A_1473 = vector.shape_cast %get3A_1472 : vector<1x16xf32> to vector<16xf32>
    %get3A_1474 = arith.constant 0 : i32
    %get3A_1475 = arith.index_cast %get3A_1474 : i32 to index
    %get3A_1476 = arith.constant 224 : index
    %get3A_1477 = tpu.vector_load %arg4[%get3A_1475, %get3A_1476] {strides = array<i32>} : memref<16x256xf32, #tpu.memory_space<vmem>>, vector<1x16xf32>,
    %get3A_1478 = vector.shape_cast %get3A_1477 : vector<1x16xf32> to vector<16xf32>
    %get3A_1479 = arith.constant 9 : i32
    %get3A_1480 = arith.index_cast %get3A_1479 : i32 to index
    %get3A_1481 = arith.constant 224 : index
    %get3A_1482 = tpu.vector_load %arg4[%get3A_1480, %get3A_1481] {strides = array<i32>} : memref<16x256xf32, #tpu.memory_space<vmem>>, vector<1x16xf32>,
    %get3A_1483 = vector.shape_cast %get3A_1482 : vector<1x16xf32> to vector<16xf32>
    %gt3A_1484 = arith.cmpf ogt, %get3A_1483, %get3A_1473 : vector<16xf32>
    %get3A_1485 = arith.constant 1 : i32
    %get3A_1486 = arith.index_cast %get3A_1485 : i32 to index
    %get3A_1487 = arith.constant 224 : index
    %get3A_1488 = tpu.vector_load %arg4[%get3A_1486, %get3A_1487] {strides = array<i32>} : memref<16x256xf32, #tpu.memory_space<vmem>>, vector<1x16xf32>,
    %get3A_1489 = vector.shape_cast %get3A_1488 : vector<1x16xf32> to vector<16xf32>
    %select_n3A_1490 = arith.select %gt3A_1484, %get3A_1489, %get3A_1478 : vector<16xi1>, vector<16xf32>
    %select_n3A_1491 = arith.select %gt3A_1484, %get3A_1483, %get3A_1473 : vector<16xi1>, vector<16xf32>
    %get3A_1492 = arith.constant 10 : i32
    %get3A_1493 = arith.index_cast %get3A_1492 : i32 to index
    %get3A_1494 = arith.constant 224 : index
    %get3A_1495 = tpu.vector_load %arg4[%get3A_1493, %get3A_1494] {strides = array<i32>} : memref<16x256xf32, #tpu.memory_space<vmem>>, vector<1x16xf32>,
    %get3A_1496 = vector.shape_cast %get3A_1495 : vector<1x16xf32> to vector<16xf32>
    %gt3A_1497 = arith.cmpf ogt, %get3A_1496, %select_n3A_1491 : vector<16xf32>
    %get3A_1498 = arith.constant 2 : i32
    %get3A_1499 = arith.index_cast %get3A_1498 : i32 to index
    %get3A_1500 = arith.constant 224 : index
    %get3A_1501 = tpu.vector_load %arg4[%get3A_1499, %get3A_1500] {strides = array<i32>} : memref<16x256xf32, #tpu.memory_space<vmem>>, vector<1x16xf32>,
    %get3A_1502 = vector.shape_cast %get3A_1501 : vector<1x16xf32> to vector<16xf32>
    %select_n3A_1503 = arith.select %gt3A_1497, %get3A_1502, %select_n3A_1490 : vector<16xi1>, vector<16xf32>
    %select_n3A_1504 = arith.select %gt3A_1497, %get3A_1496, %select_n3A_1491 : vector<16xi1>, vector<16xf32>
    %get3A_1505 = arith.constant 11 : i32
    %get3A_1506 = arith.index_cast %get3A_1505 : i32 to index
    %get3A_1507 = arith.constant 224 : index
    %get3A_1508 = tpu.vector_load %arg4[%get3A_1506, %get3A_1507] {strides = array<i32>} : memref<16x256xf32, #tpu.memory_space<vmem>>, vector<1x16xf32>,
    %get3A_1509 = vector.shape_cast %get3A_1508 : vector<1x16xf32> to vector<16xf32>
    %gt3A_1510 = arith.cmpf ogt, %get3A_1509, %select_n3A_1504 : vector<16xf32>
    %get3A_1511 = arith.constant 3 : i32
    %get3A_1512 = arith.index_cast %get3A_1511 : i32 to index
    %get3A_1513 = arith.constant 224 : index
    %get3A_1514 = tpu.vector_load %arg4[%get3A_1512, %get3A_1513] {strides = array<i32>} : memref<16x256xf32, #tpu.memory_space<vmem>>, vector<1x16xf32>,
    %get3A_1515 = vector.shape_cast %get3A_1514 : vector<1x16xf32> to vector<16xf32>
    %select_n3A_1516 = arith.select %gt3A_1510, %get3A_1515, %select_n3A_1503 : vector<16xi1>, vector<16xf32>
    %select_n3A_1517 = arith.select %gt3A_1510, %get3A_1509, %select_n3A_1504 : vector<16xi1>, vector<16xf32>
    %get3A_1518 = arith.constant 12 : i32
    %get3A_1519 = arith.index_cast %get3A_1518 : i32 to index
    %get3A_1520 = arith.constant 224 : index
    %get3A_1521 = tpu.vector_load %arg4[%get3A_1519, %get3A_1520] {strides = array<i32>} : memref<16x256xf32, #tpu.memory_space<vmem>>, vector<1x16xf32>,
    %get3A_1522 = vector.shape_cast %get3A_1521 : vector<1x16xf32> to vector<16xf32>
    %gt3A_1523 = arith.cmpf ogt, %get3A_1522, %select_n3A_1517 : vector<16xf32>
    %get3A_1524 = arith.constant 4 : i32
    %get3A_1525 = arith.index_cast %get3A_1524 : i32 to index
    %get3A_1526 = arith.constant 224 : index
    %get3A_1527 = tpu.vector_load %arg4[%get3A_1525, %get3A_1526] {strides = array<i32>} : memref<16x256xf32, #tpu.memory_space<vmem>>, vector<1x16xf32>,
    %get3A_1528 = vector.shape_cast %get3A_1527 : vector<1x16xf32> to vector<16xf32>
    %select_n3A_1529 = arith.select %gt3A_1523, %get3A_1528, %select_n3A_1516 : vector<16xi1>, vector<16xf32>
    %select_n3A_1530 = arith.select %gt3A_1523, %get3A_1522, %select_n3A_1517 : vector<16xi1>, vector<16xf32>
    %get3A_1531 = arith.constant 13 : i32
    %get3A_1532 = arith.index_cast %get3A_1531 : i32 to index
    %get3A_1533 = arith.constant 224 : index
    %get3A_1534 = tpu.vector_load %arg4[%get3A_1532, %get3A_1533] {strides = array<i32>} : memref<16x256xf32, #tpu.memory_space<vmem>>, vector<1x16xf32>,
    %get3A_1535 = vector.shape_cast %get3A_1534 : vector<1x16xf32> to vector<16xf32>
    %gt3A_1536 = arith.cmpf ogt, %get3A_1535, %select_n3A_1530 : vector<16xf32>
    %get3A_1537 = arith.constant 5 : i32
    %get3A_1538 = arith.index_cast %get3A_1537 : i32 to index
    %get3A_1539 = arith.constant 224 : index
    %get3A_1540 = tpu.vector_load %arg4[%get3A_1538, %get3A_1539] {strides = array<i32>} : memref<16x256xf32, #tpu.memory_space<vmem>>, vector<1x16xf32>,
    %get3A_1541 = vector.shape_cast %get3A_1540 : vector<1x16xf32> to vector<16xf32>
    %select_n3A_1542 = arith.select %gt3A_1536, %get3A_1541, %select_n3A_1529 : vector<16xi1>, vector<16xf32>
    %select_n3A_1543 = arith.select %gt3A_1536, %get3A_1535, %select_n3A_1530 : vector<16xi1>, vector<16xf32>
    %get3A_1544 = arith.constant 14 : i32
    %get3A_1545 = arith.index_cast %get3A_1544 : i32 to index
    %get3A_1546 = arith.constant 224 : index
    %get3A_1547 = tpu.vector_load %arg4[%get3A_1545, %get3A_1546] {strides = array<i32>} : memref<16x256xf32, #tpu.memory_space<vmem>>, vector<1x16xf32>,
    %get3A_1548 = vector.shape_cast %get3A_1547 : vector<1x16xf32> to vector<16xf32>
    %gt3A_1549 = arith.cmpf ogt, %get3A_1548, %select_n3A_1543 : vector<16xf32>
    %get3A_1550 = arith.constant 6 : i32
    %get3A_1551 = arith.index_cast %get3A_1550 : i32 to index
    %get3A_1552 = arith.constant 224 : index
    %get3A_1553 = tpu.vector_load %arg4[%get3A_1551, %get3A_1552] {strides = array<i32>} : memref<16x256xf32, #tpu.memory_space<vmem>>, vector<1x16xf32>,
    %get3A_1554 = vector.shape_cast %get3A_1553 : vector<1x16xf32> to vector<16xf32>
    %select_n3A_1555 = arith.select %gt3A_1549, %get3A_1554, %select_n3A_1542 : vector<16xi1>, vector<16xf32>
    %select_n3A_1556 = arith.select %gt3A_1549, %get3A_1548, %select_n3A_1543 : vector<16xi1>, vector<16xf32>
    %get3A_1557 = arith.constant 15 : i32
    %get3A_1558 = arith.index_cast %get3A_1557 : i32 to index
    %get3A_1559 = arith.constant 224 : index
    %get3A_1560 = tpu.vector_load %arg4[%get3A_1558, %get3A_1559] {strides = array<i32>} : memref<16x256xf32, #tpu.memory_space<vmem>>, vector<1x16xf32>,
    %get3A_1561 = vector.shape_cast %get3A_1560 : vector<1x16xf32> to vector<16xf32>
    %gt3A_1562 = arith.cmpf ogt, %get3A_1561, %select_n3A_1556 : vector<16xf32>
    %get3A_1563 = arith.constant 7 : i32
    %get3A_1564 = arith.index_cast %get3A_1563 : i32 to index
    %get3A_1565 = arith.constant 224 : index
    %get3A_1566 = tpu.vector_load %arg4[%get3A_1564, %get3A_1565] {strides = array<i32>} : memref<16x256xf32, #tpu.memory_space<vmem>>, vector<1x16xf32>,
    %get3A_1567 = vector.shape_cast %get3A_1566 : vector<1x16xf32> to vector<16xf32>
    %select_n3A_1568 = arith.select %gt3A_1562, %get3A_1567, %select_n3A_1555 : vector<16xi1>, vector<16xf32>
    %select_n3A_1569 = arith.select %gt3A_1562, %get3A_1561, %select_n3A_1556 : vector<16xi1>, vector<16xf32>
    %swap3A_1570 = arith.constant 224 : index
    %swap3A_1571 = tpu.vector_load %arg5[%swap3A_1570] {strides = array<i32>} : memref<256xf32, #tpu.memory_space<vmem>>, vector<16xf32>,
    %swap3A_1572 = vector.shape_cast %swap3A_1571 : vector<16xf32> to vector<16xf32>
    %swap3A_1573 = vector.shape_cast %select_n3A_1568 : vector<16xf32> to vector<16xf32>
    tpu.vector_store %arg5[%swap3A_1570], %swap3A_1573 {strides = array<i32>} : memref<256xf32, #tpu.memory_space<vmem>>, vector<16xf32>,
    %get3A_1574 = arith.constant 8 : i32
    %get3A_1575 = arith.index_cast %get3A_1574 : i32 to index
    %get3A_1576 = arith.constant 240 : index
    %get3A_1577 = tpu.vector_load %arg4[%get3A_1575, %get3A_1576] {strides = array<i32>} : memref<16x256xf32, #tpu.memory_space<vmem>>, vector<1x16xf32>,
    %get3A_1578 = vector.shape_cast %get3A_1577 : vector<1x16xf32> to vector<16xf32>
    %get3A_1579 = arith.constant 0 : i32
    %get3A_1580 = arith.index_cast %get3A_1579 : i32 to index
    %get3A_1581 = arith.constant 240 : index
    %get3A_1582 = tpu.vector_load %arg4[%get3A_1580, %get3A_1581] {strides = array<i32>} : memref<16x256xf32, #tpu.memory_space<vmem>>, vector<1x16xf32>,
    %get3A_1583 = vector.shape_cast %get3A_1582 : vector<1x16xf32> to vector<16xf32>
    %get3A_1584 = arith.constant 9 : i32
    %get3A_1585 = arith.index_cast %get3A_1584 : i32 to index
    %get3A_1586 = arith.constant 240 : index
    %get3A_1587 = tpu.vector_load %arg4[%get3A_1585, %get3A_1586] {strides = array<i32>} : memref<16x256xf32, #tpu.memory_space<vmem>>, vector<1x16xf32>,
    %get3A_1588 = vector.shape_cast %get3A_1587 : vector<1x16xf32> to vector<16xf32>
    %gt3A_1589 = arith.cmpf ogt, %get3A_1588, %get3A_1578 : vector<16xf32>
    %get3A_1590 = arith.constant 1 : i32
    %get3A_1591 = arith.index_cast %get3A_1590 : i32 to index
    %get3A_1592 = arith.constant 240 : index
    %get3A_1593 = tpu.vector_load %arg4[%get3A_1591, %get3A_1592] {strides = array<i32>} : memref<16x256xf32, #tpu.memory_space<vmem>>, vector<1x16xf32>,
    %get3A_1594 = vector.shape_cast %get3A_1593 : vector<1x16xf32> to vector<16xf32>
    %select_n3A_1595 = arith.select %gt3A_1589, %get3A_1594, %get3A_1583 : vector<16xi1>, vector<16xf32>
    %select_n3A_1596 = arith.select %gt3A_1589, %get3A_1588, %get3A_1578 : vector<16xi1>, vector<16xf32>
    %get3A_1597 = arith.constant 10 : i32
    %get3A_1598 = arith.index_cast %get3A_1597 : i32 to index
    %get3A_1599 = arith.constant 240 : index
    %get3A_1600 = tpu.vector_load %arg4[%get3A_1598, %get3A_1599] {strides = array<i32>} : memref<16x256xf32, #tpu.memory_space<vmem>>, vector<1x16xf32>,
    %get3A_1601 = vector.shape_cast %get3A_1600 : vector<1x16xf32> to vector<16xf32>
    %gt3A_1602 = arith.cmpf ogt, %get3A_1601, %select_n3A_1596 : vector<16xf32>
    %get3A_1603 = arith.constant 2 : i32
    %get3A_1604 = arith.index_cast %get3A_1603 : i32 to index
    %get3A_1605 = arith.constant 240 : index
    %get3A_1606 = tpu.vector_load %arg4[%get3A_1604, %get3A_1605] {strides = array<i32>} : memref<16x256xf32, #tpu.memory_space<vmem>>, vector<1x16xf32>,
    %get3A_1607 = vector.shape_cast %get3A_1606 : vector<1x16xf32> to vector<16xf32>
    %select_n3A_1608 = arith.select %gt3A_1602, %get3A_1607, %select_n3A_1595 : vector<16xi1>, vector<16xf32>
    %select_n3A_1609 = arith.select %gt3A_1602, %get3A_1601, %select_n3A_1596 : vector<16xi1>, vector<16xf32>
    %get3A_1610 = arith.constant 11 : i32
    %get3A_1611 = arith.index_cast %get3A_1610 : i32 to index
    %get3A_1612 = arith.constant 240 : index
    %get3A_1613 = tpu.vector_load %arg4[%get3A_1611, %get3A_1612] {strides = array<i32>} : memref<16x256xf32, #tpu.memory_space<vmem>>, vector<1x16xf32>,
    %get3A_1614 = vector.shape_cast %get3A_1613 : vector<1x16xf32> to vector<16xf32>
    %gt3A_1615 = arith.cmpf ogt, %get3A_1614, %select_n3A_1609 : vector<16xf32>
    %get3A_1616 = arith.constant 3 : i32
    %get3A_1617 = arith.index_cast %get3A_1616 : i32 to index
    %get3A_1618 = arith.constant 240 : index
    %get3A_1619 = tpu.vector_load %arg4[%get3A_1617, %get3A_1618] {strides = array<i32>} : memref<16x256xf32, #tpu.memory_space<vmem>>, vector<1x16xf32>,
    %get3A_1620 = vector.shape_cast %get3A_1619 : vector<1x16xf32> to vector<16xf32>
    %select_n3A_1621 = arith.select %gt3A_1615, %get3A_1620, %select_n3A_1608 : vector<16xi1>, vector<16xf32>
    %select_n3A_1622 = arith.select %gt3A_1615, %get3A_1614, %select_n3A_1609 : vector<16xi1>, vector<16xf32>
    %get3A_1623 = arith.constant 12 : i32
    %get3A_1624 = arith.index_cast %get3A_1623 : i32 to index
    %get3A_1625 = arith.constant 240 : index
    %get3A_1626 = tpu.vector_load %arg4[%get3A_1624, %get3A_1625] {strides = array<i32>} : memref<16x256xf32, #tpu.memory_space<vmem>>, vector<1x16xf32>,
    %get3A_1627 = vector.shape_cast %get3A_1626 : vector<1x16xf32> to vector<16xf32>
    %gt3A_1628 = arith.cmpf ogt, %get3A_1627, %select_n3A_1622 : vector<16xf32>
    %get3A_1629 = arith.constant 4 : i32
    %get3A_1630 = arith.index_cast %get3A_1629 : i32 to index
    %get3A_1631 = arith.constant 240 : index
    %get3A_1632 = tpu.vector_load %arg4[%get3A_1630, %get3A_1631] {strides = array<i32>} : memref<16x256xf32, #tpu.memory_space<vmem>>, vector<1x16xf32>,
    %get3A_1633 = vector.shape_cast %get3A_1632 : vector<1x16xf32> to vector<16xf32>
    %select_n3A_1634 = arith.select %gt3A_1628, %get3A_1633, %select_n3A_1621 : vector<16xi1>, vector<16xf32>
    %select_n3A_1635 = arith.select %gt3A_1628, %get3A_1627, %select_n3A_1622 : vector<16xi1>, vector<16xf32>
    %get3A_1636 = arith.constant 13 : i32
    %get3A_1637 = arith.index_cast %get3A_1636 : i32 to index
    %get3A_1638 = arith.constant 240 : index
    %get3A_1639 = tpu.vector_load %arg4[%get3A_1637, %get3A_1638] {strides = array<i32>} : memref<16x256xf32, #tpu.memory_space<vmem>>, vector<1x16xf32>,
    %get3A_1640 = vector.shape_cast %get3A_1639 : vector<1x16xf32> to vector<16xf32>
    %gt3A_1641 = arith.cmpf ogt, %get3A_1640, %select_n3A_1635 : vector<16xf32>
    %get3A_1642 = arith.constant 5 : i32
    %get3A_1643 = arith.index_cast %get3A_1642 : i32 to index
    %get3A_1644 = arith.constant 240 : index
    %get3A_1645 = tpu.vector_load %arg4[%get3A_1643, %get3A_1644] {strides = array<i32>} : memref<16x256xf32, #tpu.memory_space<vmem>>, vector<1x16xf32>,
    %get3A_1646 = vector.shape_cast %get3A_1645 : vector<1x16xf32> to vector<16xf32>
    %select_n3A_1647 = arith.select %gt3A_1641, %get3A_1646, %select_n3A_1634 : vector<16xi1>, vector<16xf32>
    %select_n3A_1648 = arith.select %gt3A_1641, %get3A_1640, %select_n3A_1635 : vector<16xi1>, vector<16xf32>
    %get3A_1649 = arith.constant 14 : i32
    %get3A_1650 = arith.index_cast %get3A_1649 : i32 to index
    %get3A_1651 = arith.constant 240 : index
    %get3A_1652 = tpu.vector_load %arg4[%get3A_1650, %get3A_1651] {strides = array<i32>} : memref<16x256xf32, #tpu.memory_space<vmem>>, vector<1x16xf32>,
    %get3A_1653 = vector.shape_cast %get3A_1652 : vector<1x16xf32> to vector<16xf32>
    %gt3A_1654 = arith.cmpf ogt, %get3A_1653, %select_n3A_1648 : vector<16xf32>
    %get3A_1655 = arith.constant 6 : i32
    %get3A_1656 = arith.index_cast %get3A_1655 : i32 to index
    %get3A_1657 = arith.constant 240 : index
    %get3A_1658 = tpu.vector_load %arg4[%get3A_1656, %get3A_1657] {strides = array<i32>} : memref<16x256xf32, #tpu.memory_space<vmem>>, vector<1x16xf32>,
    %get3A_1659 = vector.shape_cast %get3A_1658 : vector<1x16xf32> to vector<16xf32>
    %select_n3A_1660 = arith.select %gt3A_1654, %get3A_1659, %select_n3A_1647 : vector<16xi1>, vector<16xf32>
    %select_n3A_1661 = arith.select %gt3A_1654, %get3A_1653, %select_n3A_1648 : vector<16xi1>, vector<16xf32>
    %get3A_1662 = arith.constant 15 : i32
    %get3A_1663 = arith.index_cast %get3A_1662 : i32 to index
    %get3A_1664 = arith.constant 240 : index
    %get3A_1665 = tpu.vector_load %arg4[%get3A_1663, %get3A_1664] {strides = array<i32>} : memref<16x256xf32, #tpu.memory_space<vmem>>, vector<1x16xf32>,
    %get3A_1666 = vector.shape_cast %get3A_1665 : vector<1x16xf32> to vector<16xf32>
    %gt3A_1667 = arith.cmpf ogt, %get3A_1666, %select_n3A_1661 : vector<16xf32>
    %get3A_1668 = arith.constant 7 : i32
    %get3A_1669 = arith.index_cast %get3A_1668 : i32 to index
    %get3A_1670 = arith.constant 240 : index
    %get3A_1671 = tpu.vector_load %arg4[%get3A_1669, %get3A_1670] {strides = array<i32>} : memref<16x256xf32, #tpu.memory_space<vmem>>, vector<1x16xf32>,
    %get3A_1672 = vector.shape_cast %get3A_1671 : vector<1x16xf32> to vector<16xf32>
    %select_n3A_1673 = arith.select %gt3A_1667, %get3A_1672, %select_n3A_1660 : vector<16xi1>, vector<16xf32>
    %select_n3A_1674 = arith.select %gt3A_1667, %get3A_1666, %select_n3A_1661 : vector<16xi1>, vector<16xf32>
    %swap3A_1675 = arith.constant 240 : index
    %swap3A_1676 = tpu.vector_load %arg5[%swap3A_1675] {strides = array<i32>} : memref<256xf32, #tpu.memory_space<vmem>>, vector<16xf32>,
    %swap3A_1677 = vector.shape_cast %swap3A_1676 : vector<16xf32> to vector<16xf32>
    %swap3A_1678 = vector.shape_cast %select_n3A_1673 : vector<16xf32> to vector<16xf32>
    tpu.vector_store %arg5[%swap3A_1675], %swap3A_1678 {strides = array<i32>} : memref<256xf32, #tpu.memory_space<vmem>>, vector<16xf32>,
    "tpu.region"() ({
      %run_scoped3A = tpu.sem_alloc : memref<!tpu.dma_semaphore, #tpu.memory_space<semaphore_mem>>
      %dma_start3A = tpu.memref_slice %arg3[%mul3A_2] : memref<4096xf32, #tpu.memory_space<hbm>> -> memref<256xf32, #tpu.memory_space<hbm>>
      %dma_start3A_1679 = tpu.memref_slice %arg3[%mul3A_2] : memref<4096xf32, #tpu.memory_space<hbm>> -> memref<256xf32, #tpu.memory_space<hbm>>
      tpu.enqueue_dma source(%arg5 : memref<256xf32, #tpu.memory_space<vmem>>) target(%dma_start3A_1679 : memref<256xf32, #tpu.memory_space<hbm>>) target_semaphore(%run_scoped3A : memref<!tpu.dma_semaphore, #tpu.memory_space<semaphore_mem>>)
      %dma_wait3A = tpu.memref_slice %arg3[%mul3A_2] : memref<4096xf32, #tpu.memory_space<hbm>> -> memref<256xf32, #tpu.memory_space<hbm>>
      %dma_wait3A_1680 = tpu.memref_slice %arg3[%mul3A_2] : memref<4096xf32, #tpu.memory_space<hbm>> -> memref<256xf32, #tpu.memory_space<hbm>>
      tpu.wait_dma2 semaphore(%run_scoped3A : memref<!tpu.dma_semaphore, #tpu.memory_space<semaphore_mem>>) src(%arg5 : memref<256xf32, #tpu.memory_space<vmem>>) dst(%dma_wait3A_1680 : memref<256xf32, #tpu.memory_space<hbm>>)
      tpu.yield
    }) : () -> ()
    return
  }
}

module attributes {stable_mosaic.version = 14 : i64} {
  func.func @_tc_body(%arg0: i32, %arg1: memref<2048x768xf32, #tpu.memory_space<vmem>>, %arg2: memref<8x768xf32, #tpu.memory_space<vmem>>, %arg3: memref<64x768xf32, #tpu.memory_space<vmem>>, %arg4: memref<64x768xf32, #tpu.memory_space<vmem>>, %arg5: memref<64x1xf32, #tpu.memory_space<vmem>>, %arg6: memref<16x2048xf32, #tpu.memory_space<vmem>>, %arg7: memref<64x768xbf16, #tpu.memory_space<vmem>>, %arg8: memref<72x768xbf16, #tpu.memory_space<vmem>>, %arg9: memref<64x1xf32, #tpu.memory_space<vmem>>, %arg10: memref<8x1xf32, #tpu.memory_space<vmem>>, %arg11: memref<8x1xf32, #tpu.memory_space<vmem>>) attributes {dimension_semantics = [#tpu.dimension_semantics<arbitrary>], iteration_bounds = array<i64: 2>, scalar_prefetch = 0 : i64, scratch_operands = 5 : i64, tpu.core_type = #tpu.core_type<tc>, window_params = [{transform_indices = @transform_0, window_bounds = array<i64: 2048, 768>}, {pipeline_mode = #tpu.pipeline_mode<synchronous>, transform_indices = @transform_1, window_bounds = array<i64: 8, 768>}, {pipeline_mode = #tpu.pipeline_mode<synchronous>, transform_indices = @transform_2, window_bounds = array<i64: 64, 768>}, {pipeline_mode = #tpu.pipeline_mode<synchronous>, transform_indices = @transform_3, window_bounds = array<i64: 64, 768>}, {pipeline_mode = #tpu.pipeline_mode<synchronous>, transform_indices = @transform_4, window_bounds = array<i64: 64, 1>}, {transform_indices = @transform_5, window_bounds = array<i64: 16, 2048>}]} {
    %eq3A = arith.constant 0 : i32
    %eq3A_0 = arith.cmpi eq, %arg0, %eq3A : i32
    %convert_element_type3A = arith.extui %eq3A_0 : i1 to i32
    %cond3A = arith.constant 0 : i32
    %cond3A_1 = arith.cmpi ne, %convert_element_type3A, %cond3A : i32
    scf.if %cond3A_1 {
      %get3A_126 = arith.constant 0 : index
      %get3A_127 = arith.constant 0 : index
      %get3A_128 = vector.load %arg4[%get3A_126, %get3A_127] : memref<64x768xf32, #tpu.memory_space<vmem>>, vector<64x768xf32>
      %get3A_129 = arith.constant 0 : index
      %get3A_130 = arith.constant 0 : index
      %get3A_131 = vector.load %arg3[%get3A_129, %get3A_130] : memref<64x768xf32, #tpu.memory_space<vmem>>, vector<64x768xf32>
      %neg3A = arith.constant 0.000000e+00 : f32
      %neg3A_132 = vector.broadcast %neg3A : f32 to vector<64x768xf32>
      %neg3A_133 = arith.subf %neg3A_132, %get3A_128 : vector<64x768xf32>
      %exp3A_134 = math.exp %neg3A_133 : vector<64x768xf32>
      %mul3A_135 = arith.mulf %get3A_131, %exp3A_134 : vector<64x768xf32>
      %mul3A_136 = arith.constant -5.000000e-01 : f32
      %mul3A_137 = vector.broadcast %mul3A_136 : f32 to vector<64x768xf32>
      %mul3A_138 = arith.mulf %mul3A_137, %exp3A_134 : vector<64x768xf32>
      %convert_element_type3A_139 = arith.truncf %mul3A_138 : vector<64x768xf32> to vector<64x768xbf16>
      %swap3A_140 = arith.constant 0 : index
      %swap3A_141 = arith.constant 0 : index
      %swap3A_142 = vector.load %arg7[%swap3A_140, %swap3A_141] : memref<64x768xbf16, #tpu.memory_space<vmem>>, vector<64x768xbf16>
      tpu.vector_store %arg7[%swap3A_140, %swap3A_141], %convert_element_type3A_139 {strides = array<i32>} : memref<64x768xbf16, #tpu.memory_space<vmem>>, vector<64x768xbf16>,
      %convert_element_type3A_143 = arith.truncf %mul3A_135 : vector<64x768xf32> to vector<64x768xbf16>
      %swap3A_144 = arith.constant 0 : index
      %swap3A_145 = arith.constant 0 : index
      %swap3A_146 = vector.load %arg8[%swap3A_144, %swap3A_145] : memref<72x768xbf16, #tpu.memory_space<vmem>>, vector<64x768xbf16>
      tpu.vector_store %arg8[%swap3A_144, %swap3A_145], %convert_element_type3A_143 {strides = array<i32>} : memref<72x768xbf16, #tpu.memory_space<vmem>>, vector<64x768xbf16>,
      %get3A_147 = arith.constant 0 : index
      %get3A_148 = arith.constant 0 : index
      %get3A_149 = vector.load %arg2[%get3A_147, %get3A_148] : memref<8x768xf32, #tpu.memory_space<vmem>>, vector<8x768xf32>
      %convert_element_type3A_150 = arith.truncf %get3A_149 : vector<8x768xf32> to vector<8x768xbf16>
      %swap3A_151 = arith.constant 64 : index
      %swap3A_152 = arith.constant 0 : index
      %swap3A_153 = vector.load %arg8[%swap3A_151, %swap3A_152] : memref<72x768xbf16, #tpu.memory_space<vmem>>, vector<8x768xbf16>
      tpu.vector_store %arg8[%swap3A_151, %swap3A_152], %convert_element_type3A_150 {strides = array<i32>} : memref<72x768xbf16, #tpu.memory_space<vmem>>, vector<8x768xbf16>,
      %mul3A_154 = arith.mulf %get3A_131, %mul3A_135 : vector<64x768xf32>
      %add3A_155 = arith.addf %mul3A_154, %get3A_128 : vector<64x768xf32>
      %reduce_sum3A_156 = arith.constant dense<0.000000e+00> : vector<64xf32>
      %reduce_sum3A_157 = vector.multi_reduction <add>, %add3A_155, %reduce_sum3A_156 [1] : vector<64x768xf32> to vector<64xf32>
      %broadcast_in_dim3A_158 = vector.shape_cast %reduce_sum3A_157 : vector<64xf32> to vector<64x1xf32>
      %add3A_159 = arith.constant 1411.48962 : f32
      %add3A_160 = vector.broadcast %add3A_159 : f32 to vector<64x1xf32>
      %add3A_161 = arith.addf %broadcast_in_dim3A_158, %add3A_160 : vector<64x1xf32>
      %mul3A_162 = arith.constant -5.000000e-01 : f32
      %mul3A_163 = vector.broadcast %mul3A_162 : f32 to vector<64x1xf32>
      %mul3A_164 = arith.mulf %mul3A_163, %add3A_161 : vector<64x1xf32>
      %get3A_165 = arith.constant 0 : index
      %get3A_166 = arith.constant 0 : index
      %get3A_167 = vector.load %arg5[%get3A_165, %get3A_166] : memref<64x1xf32, #tpu.memory_space<vmem>>, vector<64x1xf32>
      %add3A_168 = arith.addf %mul3A_164, %get3A_167 : vector<64x1xf32>
      %swap3A_169 = arith.constant 0 : index
      %swap3A_170 = arith.constant 0 : index
      %swap3A_171 = vector.load %arg9[%swap3A_169, %swap3A_170] : memref<64x1xf32, #tpu.memory_space<vmem>>, vector<64x1xf32>
      tpu.vector_store %arg9[%swap3A_169, %swap3A_170], %add3A_168 {strides = array<i32>} : memref<64x1xf32, #tpu.memory_space<vmem>>, vector<64x1xf32>,
      %get3A_172 = arith.constant 0 : index
      %get3A_173 = arith.constant 0 : index
      %get3A_174 = vector.load %arg5[%get3A_172, %get3A_173] : memref<64x1xf32, #tpu.memory_space<vmem>>, vector<8x1xf32>
      %reduce_max3A_175 = arith.constant dense<0xFF800000> : vector<1xf32>
      %reduce_max3A_176 = vector.multi_reduction <maximumf>, %get3A_174, %reduce_max3A_175 [0] : vector<8x1xf32> to vector<1xf32>
      %broadcast_in_dim3A_177 = vector.shape_cast %reduce_max3A_176 : vector<1xf32> to vector<1x1xf32>
      %sub3A_178 = vector.broadcast %broadcast_in_dim3A_177 : vector<1x1xf32> to vector<8x1xf32>
      %sub3A_179 = arith.subf %get3A_174, %sub3A_178 : vector<8x1xf32>
      %exp3A_180 = math.exp %sub3A_179 : vector<8x1xf32>
      %reduce_sum3A_181 = arith.constant dense<0.000000e+00> : vector<1xf32>
      %reduce_sum3A_182 = vector.multi_reduction <add>, %exp3A_180, %reduce_sum3A_181 [0] : vector<8x1xf32> to vector<1xf32>
      %broadcast_in_dim3A_183 = vector.shape_cast %reduce_sum3A_182 : vector<1xf32> to vector<1x1xf32>
      %log3A_184 = math.log %broadcast_in_dim3A_183 : vector<1x1xf32>
      %add3A_185 = arith.addf %broadcast_in_dim3A_177, %log3A_184 : vector<1x1xf32>
      %get3A_186 = arith.constant 8 : index
      %get3A_187 = arith.constant 0 : index
      %get3A_188 = vector.load %arg5[%get3A_186, %get3A_187] : memref<64x1xf32, #tpu.memory_space<vmem>>, vector<8x1xf32>
      %reduce_max3A_189 = arith.constant dense<0xFF800000> : vector<1xf32>
      %reduce_max3A_190 = vector.multi_reduction <maximumf>, %get3A_188, %reduce_max3A_189 [0] : vector<8x1xf32> to vector<1xf32>
      %broadcast_in_dim3A_191 = vector.shape_cast %reduce_max3A_190 : vector<1xf32> to vector<1x1xf32>
      %sub3A_192 = vector.broadcast %broadcast_in_dim3A_191 : vector<1x1xf32> to vector<8x1xf32>
      %sub3A_193 = arith.subf %get3A_188, %sub3A_192 : vector<8x1xf32>
      %exp3A_194 = math.exp %sub3A_193 : vector<8x1xf32>
      %reduce_sum3A_195 = arith.constant dense<0.000000e+00> : vector<1xf32>
      %reduce_sum3A_196 = vector.multi_reduction <add>, %exp3A_194, %reduce_sum3A_195 [0] : vector<8x1xf32> to vector<1xf32>
      %broadcast_in_dim3A_197 = vector.shape_cast %reduce_sum3A_196 : vector<1xf32> to vector<1x1xf32>
      %log3A_198 = math.log %broadcast_in_dim3A_197 : vector<1x1xf32>
      %add3A_199 = arith.addf %broadcast_in_dim3A_191, %log3A_198 : vector<1x1xf32>
      %get3A_200 = arith.constant 16 : index
      %get3A_201 = arith.constant 0 : index
      %get3A_202 = vector.load %arg5[%get3A_200, %get3A_201] : memref<64x1xf32, #tpu.memory_space<vmem>>, vector<8x1xf32>
      %reduce_max3A_203 = arith.constant dense<0xFF800000> : vector<1xf32>
      %reduce_max3A_204 = vector.multi_reduction <maximumf>, %get3A_202, %reduce_max3A_203 [0] : vector<8x1xf32> to vector<1xf32>
      %broadcast_in_dim3A_205 = vector.shape_cast %reduce_max3A_204 : vector<1xf32> to vector<1x1xf32>
      %sub3A_206 = vector.broadcast %broadcast_in_dim3A_205 : vector<1x1xf32> to vector<8x1xf32>
      %sub3A_207 = arith.subf %get3A_202, %sub3A_206 : vector<8x1xf32>
      %exp3A_208 = math.exp %sub3A_207 : vector<8x1xf32>
      %reduce_sum3A_209 = arith.constant dense<0.000000e+00> : vector<1xf32>
      %reduce_sum3A_210 = vector.multi_reduction <add>, %exp3A_208, %reduce_sum3A_209 [0] : vector<8x1xf32> to vector<1xf32>
      %broadcast_in_dim3A_211 = vector.shape_cast %reduce_sum3A_210 : vector<1xf32> to vector<1x1xf32>
      %log3A_212 = math.log %broadcast_in_dim3A_211 : vector<1x1xf32>
      %add3A_213 = arith.addf %broadcast_in_dim3A_205, %log3A_212 : vector<1x1xf32>
      %get3A_214 = arith.constant 24 : index
      %get3A_215 = arith.constant 0 : index
      %get3A_216 = vector.load %arg5[%get3A_214, %get3A_215] : memref<64x1xf32, #tpu.memory_space<vmem>>, vector<8x1xf32>
      %reduce_max3A_217 = arith.constant dense<0xFF800000> : vector<1xf32>
      %reduce_max3A_218 = vector.multi_reduction <maximumf>, %get3A_216, %reduce_max3A_217 [0] : vector<8x1xf32> to vector<1xf32>
      %broadcast_in_dim3A_219 = vector.shape_cast %reduce_max3A_218 : vector<1xf32> to vector<1x1xf32>
      %sub3A_220 = vector.broadcast %broadcast_in_dim3A_219 : vector<1x1xf32> to vector<8x1xf32>
      %sub3A_221 = arith.subf %get3A_216, %sub3A_220 : vector<8x1xf32>
      %exp3A_222 = math.exp %sub3A_221 : vector<8x1xf32>
      %reduce_sum3A_223 = arith.constant dense<0.000000e+00> : vector<1xf32>
      %reduce_sum3A_224 = vector.multi_reduction <add>, %exp3A_222, %reduce_sum3A_223 [0] : vector<8x1xf32> to vector<1xf32>
      %broadcast_in_dim3A_225 = vector.shape_cast %reduce_sum3A_224 : vector<1xf32> to vector<1x1xf32>
      %log3A_226 = math.log %broadcast_in_dim3A_225 : vector<1x1xf32>
      %add3A_227 = arith.addf %broadcast_in_dim3A_219, %log3A_226 : vector<1x1xf32>
      %get3A_228 = arith.constant 32 : index
      %get3A_229 = arith.constant 0 : index
      %get3A_230 = vector.load %arg5[%get3A_228, %get3A_229] : memref<64x1xf32, #tpu.memory_space<vmem>>, vector<8x1xf32>
      %reduce_max3A_231 = arith.constant dense<0xFF800000> : vector<1xf32>
      %reduce_max3A_232 = vector.multi_reduction <maximumf>, %get3A_230, %reduce_max3A_231 [0] : vector<8x1xf32> to vector<1xf32>
      %broadcast_in_dim3A_233 = vector.shape_cast %reduce_max3A_232 : vector<1xf32> to vector<1x1xf32>
      %sub3A_234 = vector.broadcast %broadcast_in_dim3A_233 : vector<1x1xf32> to vector<8x1xf32>
      %sub3A_235 = arith.subf %get3A_230, %sub3A_234 : vector<8x1xf32>
      %exp3A_236 = math.exp %sub3A_235 : vector<8x1xf32>
      %reduce_sum3A_237 = arith.constant dense<0.000000e+00> : vector<1xf32>
      %reduce_sum3A_238 = vector.multi_reduction <add>, %exp3A_236, %reduce_sum3A_237 [0] : vector<8x1xf32> to vector<1xf32>
      %broadcast_in_dim3A_239 = vector.shape_cast %reduce_sum3A_238 : vector<1xf32> to vector<1x1xf32>
      %log3A_240 = math.log %broadcast_in_dim3A_239 : vector<1x1xf32>
      %add3A_241 = arith.addf %broadcast_in_dim3A_233, %log3A_240 : vector<1x1xf32>
      %get3A_242 = arith.constant 40 : index
      %get3A_243 = arith.constant 0 : index
      %get3A_244 = vector.load %arg5[%get3A_242, %get3A_243] : memref<64x1xf32, #tpu.memory_space<vmem>>, vector<8x1xf32>
      %reduce_max3A_245 = arith.constant dense<0xFF800000> : vector<1xf32>
      %reduce_max3A_246 = vector.multi_reduction <maximumf>, %get3A_244, %reduce_max3A_245 [0] : vector<8x1xf32> to vector<1xf32>
      %broadcast_in_dim3A_247 = vector.shape_cast %reduce_max3A_246 : vector<1xf32> to vector<1x1xf32>
      %sub3A_248 = vector.broadcast %broadcast_in_dim3A_247 : vector<1x1xf32> to vector<8x1xf32>
      %sub3A_249 = arith.subf %get3A_244, %sub3A_248 : vector<8x1xf32>
      %exp3A_250 = math.exp %sub3A_249 : vector<8x1xf32>
      %reduce_sum3A_251 = arith.constant dense<0.000000e+00> : vector<1xf32>
      %reduce_sum3A_252 = vector.multi_reduction <add>, %exp3A_250, %reduce_sum3A_251 [0] : vector<8x1xf32> to vector<1xf32>
      %broadcast_in_dim3A_253 = vector.shape_cast %reduce_sum3A_252 : vector<1xf32> to vector<1x1xf32>
      %log3A_254 = math.log %broadcast_in_dim3A_253 : vector<1x1xf32>
      %add3A_255 = arith.addf %broadcast_in_dim3A_247, %log3A_254 : vector<1x1xf32>
      %get3A_256 = arith.constant 48 : index
      %get3A_257 = arith.constant 0 : index
      %get3A_258 = vector.load %arg5[%get3A_256, %get3A_257] : memref<64x1xf32, #tpu.memory_space<vmem>>, vector<8x1xf32>
      %reduce_max3A_259 = arith.constant dense<0xFF800000> : vector<1xf32>
      %reduce_max3A_260 = vector.multi_reduction <maximumf>, %get3A_258, %reduce_max3A_259 [0] : vector<8x1xf32> to vector<1xf32>
      %broadcast_in_dim3A_261 = vector.shape_cast %reduce_max3A_260 : vector<1xf32> to vector<1x1xf32>
      %sub3A_262 = vector.broadcast %broadcast_in_dim3A_261 : vector<1x1xf32> to vector<8x1xf32>
      %sub3A_263 = arith.subf %get3A_258, %sub3A_262 : vector<8x1xf32>
      %exp3A_264 = math.exp %sub3A_263 : vector<8x1xf32>
      %reduce_sum3A_265 = arith.constant dense<0.000000e+00> : vector<1xf32>
      %reduce_sum3A_266 = vector.multi_reduction <add>, %exp3A_264, %reduce_sum3A_265 [0] : vector<8x1xf32> to vector<1xf32>
      %broadcast_in_dim3A_267 = vector.shape_cast %reduce_sum3A_266 : vector<1xf32> to vector<1x1xf32>
      %log3A_268 = math.log %broadcast_in_dim3A_267 : vector<1x1xf32>
      %add3A_269 = arith.addf %broadcast_in_dim3A_261, %log3A_268 : vector<1x1xf32>
      %get3A_270 = arith.constant 56 : index
      %get3A_271 = arith.constant 0 : index
      %get3A_272 = vector.load %arg5[%get3A_270, %get3A_271] : memref<64x1xf32, #tpu.memory_space<vmem>>, vector<8x1xf32>
      %reduce_max3A_273 = arith.constant dense<0xFF800000> : vector<1xf32>
      %reduce_max3A_274 = vector.multi_reduction <maximumf>, %get3A_272, %reduce_max3A_273 [0] : vector<8x1xf32> to vector<1xf32>
      %broadcast_in_dim3A_275 = vector.shape_cast %reduce_max3A_274 : vector<1xf32> to vector<1x1xf32>
      %sub3A_276 = vector.broadcast %broadcast_in_dim3A_275 : vector<1x1xf32> to vector<8x1xf32>
      %sub3A_277 = arith.subf %get3A_272, %sub3A_276 : vector<8x1xf32>
      %exp3A_278 = math.exp %sub3A_277 : vector<8x1xf32>
      %reduce_sum3A_279 = arith.constant dense<0.000000e+00> : vector<1xf32>
      %reduce_sum3A_280 = vector.multi_reduction <add>, %exp3A_278, %reduce_sum3A_279 [0] : vector<8x1xf32> to vector<1xf32>
      %broadcast_in_dim3A_281 = vector.shape_cast %reduce_sum3A_280 : vector<1xf32> to vector<1x1xf32>
      %log3A_282 = math.log %broadcast_in_dim3A_281 : vector<1x1xf32>
      %add3A_283 = arith.addf %broadcast_in_dim3A_275, %log3A_282 : vector<1x1xf32>
      %concatenate3A_284 = tpu.concatenate %add3A_185, %add3A_199, %add3A_213, %add3A_227, %add3A_241, %add3A_255, %add3A_269, %add3A_283 in 0 : vector<1x1xf32>, vector<1x1xf32>, vector<1x1xf32>, vector<1x1xf32>, vector<1x1xf32>, vector<1x1xf32>, vector<1x1xf32>, vector<1x1xf32> -> vector<8x1xf32>
      %swap3A_285 = arith.constant 0 : index
      %swap3A_286 = arith.constant 0 : index
      %swap3A_287 = vector.load %arg10[%swap3A_285, %swap3A_286] : memref<8x1xf32, #tpu.memory_space<vmem>>, vector<8x1xf32>
      tpu.vector_store %arg10[%swap3A_285, %swap3A_286], %concatenate3A_284 {strides = array<i32>} : memref<8x1xf32, #tpu.memory_space<vmem>>, vector<8x1xf32>,
      %get3A_288 = arith.constant 0 : index
      %get3A_289 = arith.constant 0 : index
      %get3A_290 = vector.load %arg2[%get3A_288, %get3A_289] : memref<8x768xf32, #tpu.memory_space<vmem>>, vector<8x768xf32>
      %mul3A_291 = arith.mulf %get3A_290, %get3A_290 : vector<8x768xf32>
      %reduce_sum3A_292 = arith.constant dense<0.000000e+00> : vector<8xf32>
      %reduce_sum3A_293 = vector.multi_reduction <add>, %mul3A_291, %reduce_sum3A_292 [1] : vector<8x768xf32> to vector<8xf32>
      %broadcast_in_dim3A_294 = vector.shape_cast %reduce_sum3A_293 : vector<8xf32> to vector<8x1xf32>
      %mul3A_295 = arith.constant -5.000000e-01 : f32
      %mul3A_296 = vector.broadcast %mul3A_295 : f32 to vector<8x1xf32>
      %mul3A_297 = arith.mulf %mul3A_296, %broadcast_in_dim3A_294 : vector<8x1xf32>
      %swap3A_298 = arith.constant 0 : index
      %swap3A_299 = arith.constant 0 : index
      %swap3A_300 = vector.load %arg11[%swap3A_298, %swap3A_299] : memref<8x1xf32, #tpu.memory_space<vmem>>, vector<8x1xf32>
      tpu.vector_store %arg11[%swap3A_298, %swap3A_299], %mul3A_297 {strides = array<i32>} : memref<8x1xf32, #tpu.memory_space<vmem>>, vector<8x1xf32>,
    } else {
    }
    %get3A = arith.constant 0 : index
    %get3A_2 = arith.constant 0 : index
    %get3A_3 = vector.load %arg1[%get3A, %get3A_2] : memref<2048x768xf32, #tpu.memory_space<vmem>>, vector<2048x768xf32>
    %convert_element_type3A_4 = arith.truncf %get3A_3 : vector<2048x768xf32> to vector<2048x768xbf16>
    %mul3A = arith.mulf %get3A_3, %get3A_3 : vector<2048x768xf32>
    %convert_element_type3A_5 = arith.truncf %mul3A : vector<2048x768xf32> to vector<2048x768xbf16>
    %get3A_6 = arith.constant 0 : index
    %get3A_7 = arith.constant 0 : index
    %get3A_8 = vector.load %arg7[%get3A_6, %get3A_7] : memref<64x768xbf16, #tpu.memory_space<vmem>>, vector<64x768xbf16>
    %dot_general3A = arith.constant dense<0.000000e+00> : vector<64x2048xf32>
    %dot_general3A_9 = tpu.matmul %get3A_8, %convert_element_type3A_5, %dot_general3A {dimension_numbers = #tpu.dot_dimension_numbers<[1], [1], [0], [0], [0, 0, 1, 0], [], []>, transpose_lhs_hint = false} : vector<64x768xbf16>, vector<2048x768xbf16>, vector<64x2048xf32> -> vector<64x2048xf32>
    %get3A_10 = arith.constant 0 : index
    %get3A_11 = arith.constant 0 : index
    %get3A_12 = vector.load %arg8[%get3A_10, %get3A_11] : memref<72x768xbf16, #tpu.memory_space<vmem>>, vector<72x768xbf16>
    %dot_general3A_13 = arith.constant dense<0.000000e+00> : vector<72x2048xf32>
    %dot_general3A_14 = tpu.matmul %get3A_12, %convert_element_type3A_4, %dot_general3A_13 {dimension_numbers = #tpu.dot_dimension_numbers<[1], [1], [0], [0], [0, 0, 1, 0], [], []>, transpose_lhs_hint = false} : vector<72x768xbf16>, vector<2048x768xbf16>, vector<72x2048xf32> -> vector<72x2048xf32>
    %slice3A = vector.extract_strided_slice %dot_general3A_14 {offsets = [0, 0], sizes = [64, 2048], strides = [1, 1]} : vector<72x2048xf32> to vector<64x2048xf32>
    %add3A = arith.addf %dot_general3A_9, %slice3A : vector<64x2048xf32>
    %get3A_15 = arith.constant 0 : index
    %get3A_16 = arith.constant 0 : index
    %get3A_17 = vector.load %arg9[%get3A_15, %get3A_16] : memref<64x1xf32, #tpu.memory_space<vmem>>, vector<64x1xf32>
    %add3A_18 = vector.broadcast %get3A_17 : vector<64x1xf32> to vector<64x2048xf32>
    %add3A_19 = arith.addf %add3A, %add3A_18 : vector<64x2048xf32>
    %slice3A_20 = vector.extract_strided_slice %dot_general3A_14 {offsets = [64, 0], sizes = [8, 2048], strides = [1, 1]} : vector<72x2048xf32> to vector<8x2048xf32>
    %get3A_21 = arith.constant 0 : index
    %get3A_22 = arith.constant 0 : index
    %get3A_23 = vector.load %arg11[%get3A_21, %get3A_22] : memref<8x1xf32, #tpu.memory_space<vmem>>, vector<8x1xf32>
    %add3A_24 = vector.broadcast %get3A_23 : vector<8x1xf32> to vector<8x2048xf32>
    %add3A_25 = arith.addf %slice3A_20, %add3A_24 : vector<8x2048xf32>
    %swap3A = arith.constant 8 : index
    %swap3A_26 = arith.constant 0 : index
    %swap3A_27 = vector.load %arg6[%swap3A, %swap3A_26] : memref<16x2048xf32, #tpu.memory_space<vmem>>, vector<8x2048xf32>
    tpu.vector_store %arg6[%swap3A, %swap3A_26], %add3A_25 {strides = array<i32>} : memref<16x2048xf32, #tpu.memory_space<vmem>>, vector<8x2048xf32>,
    %slice3A_28 = vector.extract_strided_slice %add3A_19 {offsets = [0, 0], sizes = [8, 2048], strides = [1, 1]} : vector<64x2048xf32> to vector<8x2048xf32>
    %reduce_max3A = arith.constant dense<0xFF800000> : vector<2048xf32>
    %reduce_max3A_29 = vector.multi_reduction <maximumf>, %slice3A_28, %reduce_max3A [0] : vector<8x2048xf32> to vector<2048xf32>
    %broadcast_in_dim3A = vector.shape_cast %reduce_max3A_29 : vector<2048xf32> to vector<1x2048xf32>
    %sub3A = vector.broadcast %broadcast_in_dim3A : vector<1x2048xf32> to vector<8x2048xf32>
    %sub3A_30 = arith.subf %slice3A_28, %sub3A : vector<8x2048xf32>
    %exp3A = math.exp %sub3A_30 : vector<8x2048xf32>
    %reduce_sum3A = arith.constant dense<0.000000e+00> : vector<2048xf32>
    %reduce_sum3A_31 = vector.multi_reduction <add>, %exp3A, %reduce_sum3A [0] : vector<8x2048xf32> to vector<2048xf32>
    %broadcast_in_dim3A_32 = vector.shape_cast %reduce_sum3A_31 : vector<2048xf32> to vector<1x2048xf32>
    %log3A = math.log %broadcast_in_dim3A_32 : vector<1x2048xf32>
    %add3A_33 = arith.addf %broadcast_in_dim3A, %log3A : vector<1x2048xf32>
    %slice3A_34 = vector.extract_strided_slice %add3A_19 {offsets = [8, 0], sizes = [8, 2048], strides = [1, 1]} : vector<64x2048xf32> to vector<8x2048xf32>
    %reduce_max3A_35 = arith.constant dense<0xFF800000> : vector<2048xf32>
    %reduce_max3A_36 = vector.multi_reduction <maximumf>, %slice3A_34, %reduce_max3A_35 [0] : vector<8x2048xf32> to vector<2048xf32>
    %broadcast_in_dim3A_37 = vector.shape_cast %reduce_max3A_36 : vector<2048xf32> to vector<1x2048xf32>
    %sub3A_38 = vector.broadcast %broadcast_in_dim3A_37 : vector<1x2048xf32> to vector<8x2048xf32>
    %sub3A_39 = arith.subf %slice3A_34, %sub3A_38 : vector<8x2048xf32>
    %exp3A_40 = math.exp %sub3A_39 : vector<8x2048xf32>
    %reduce_sum3A_41 = arith.constant dense<0.000000e+00> : vector<2048xf32>
    %reduce_sum3A_42 = vector.multi_reduction <add>, %exp3A_40, %reduce_sum3A_41 [0] : vector<8x2048xf32> to vector<2048xf32>
    %broadcast_in_dim3A_43 = vector.shape_cast %reduce_sum3A_42 : vector<2048xf32> to vector<1x2048xf32>
    %log3A_44 = math.log %broadcast_in_dim3A_43 : vector<1x2048xf32>
    %add3A_45 = arith.addf %broadcast_in_dim3A_37, %log3A_44 : vector<1x2048xf32>
    %slice3A_46 = vector.extract_strided_slice %add3A_19 {offsets = [16, 0], sizes = [8, 2048], strides = [1, 1]} : vector<64x2048xf32> to vector<8x2048xf32>
    %reduce_max3A_47 = arith.constant dense<0xFF800000> : vector<2048xf32>
    %reduce_max3A_48 = vector.multi_reduction <maximumf>, %slice3A_46, %reduce_max3A_47 [0] : vector<8x2048xf32> to vector<2048xf32>
    %broadcast_in_dim3A_49 = vector.shape_cast %reduce_max3A_48 : vector<2048xf32> to vector<1x2048xf32>
    %sub3A_50 = vector.broadcast %broadcast_in_dim3A_49 : vector<1x2048xf32> to vector<8x2048xf32>
    %sub3A_51 = arith.subf %slice3A_46, %sub3A_50 : vector<8x2048xf32>
    %exp3A_52 = math.exp %sub3A_51 : vector<8x2048xf32>
    %reduce_sum3A_53 = arith.constant dense<0.000000e+00> : vector<2048xf32>
    %reduce_sum3A_54 = vector.multi_reduction <add>, %exp3A_52, %reduce_sum3A_53 [0] : vector<8x2048xf32> to vector<2048xf32>
    %broadcast_in_dim3A_55 = vector.shape_cast %reduce_sum3A_54 : vector<2048xf32> to vector<1x2048xf32>
    %log3A_56 = math.log %broadcast_in_dim3A_55 : vector<1x2048xf32>
    %add3A_57 = arith.addf %broadcast_in_dim3A_49, %log3A_56 : vector<1x2048xf32>
    %slice3A_58 = vector.extract_strided_slice %add3A_19 {offsets = [24, 0], sizes = [8, 2048], strides = [1, 1]} : vector<64x2048xf32> to vector<8x2048xf32>
    %reduce_max3A_59 = arith.constant dense<0xFF800000> : vector<2048xf32>
    %reduce_max3A_60 = vector.multi_reduction <maximumf>, %slice3A_58, %reduce_max3A_59 [0] : vector<8x2048xf32> to vector<2048xf32>
    %broadcast_in_dim3A_61 = vector.shape_cast %reduce_max3A_60 : vector<2048xf32> to vector<1x2048xf32>
    %sub3A_62 = vector.broadcast %broadcast_in_dim3A_61 : vector<1x2048xf32> to vector<8x2048xf32>
    %sub3A_63 = arith.subf %slice3A_58, %sub3A_62 : vector<8x2048xf32>
    %exp3A_64 = math.exp %sub3A_63 : vector<8x2048xf32>
    %reduce_sum3A_65 = arith.constant dense<0.000000e+00> : vector<2048xf32>
    %reduce_sum3A_66 = vector.multi_reduction <add>, %exp3A_64, %reduce_sum3A_65 [0] : vector<8x2048xf32> to vector<2048xf32>
    %broadcast_in_dim3A_67 = vector.shape_cast %reduce_sum3A_66 : vector<2048xf32> to vector<1x2048xf32>
    %log3A_68 = math.log %broadcast_in_dim3A_67 : vector<1x2048xf32>
    %add3A_69 = arith.addf %broadcast_in_dim3A_61, %log3A_68 : vector<1x2048xf32>
    %slice3A_70 = vector.extract_strided_slice %add3A_19 {offsets = [32, 0], sizes = [8, 2048], strides = [1, 1]} : vector<64x2048xf32> to vector<8x2048xf32>
    %reduce_max3A_71 = arith.constant dense<0xFF800000> : vector<2048xf32>
    %reduce_max3A_72 = vector.multi_reduction <maximumf>, %slice3A_70, %reduce_max3A_71 [0] : vector<8x2048xf32> to vector<2048xf32>
    %broadcast_in_dim3A_73 = vector.shape_cast %reduce_max3A_72 : vector<2048xf32> to vector<1x2048xf32>
    %sub3A_74 = vector.broadcast %broadcast_in_dim3A_73 : vector<1x2048xf32> to vector<8x2048xf32>
    %sub3A_75 = arith.subf %slice3A_70, %sub3A_74 : vector<8x2048xf32>
    %exp3A_76 = math.exp %sub3A_75 : vector<8x2048xf32>
    %reduce_sum3A_77 = arith.constant dense<0.000000e+00> : vector<2048xf32>
    %reduce_sum3A_78 = vector.multi_reduction <add>, %exp3A_76, %reduce_sum3A_77 [0] : vector<8x2048xf32> to vector<2048xf32>
    %broadcast_in_dim3A_79 = vector.shape_cast %reduce_sum3A_78 : vector<2048xf32> to vector<1x2048xf32>
    %log3A_80 = math.log %broadcast_in_dim3A_79 : vector<1x2048xf32>
    %add3A_81 = arith.addf %broadcast_in_dim3A_73, %log3A_80 : vector<1x2048xf32>
    %slice3A_82 = vector.extract_strided_slice %add3A_19 {offsets = [40, 0], sizes = [8, 2048], strides = [1, 1]} : vector<64x2048xf32> to vector<8x2048xf32>
    %reduce_max3A_83 = arith.constant dense<0xFF800000> : vector<2048xf32>
    %reduce_max3A_84 = vector.multi_reduction <maximumf>, %slice3A_82, %reduce_max3A_83 [0] : vector<8x2048xf32> to vector<2048xf32>
    %broadcast_in_dim3A_85 = vector.shape_cast %reduce_max3A_84 : vector<2048xf32> to vector<1x2048xf32>
    %sub3A_86 = vector.broadcast %broadcast_in_dim3A_85 : vector<1x2048xf32> to vector<8x2048xf32>
    %sub3A_87 = arith.subf %slice3A_82, %sub3A_86 : vector<8x2048xf32>
    %exp3A_88 = math.exp %sub3A_87 : vector<8x2048xf32>
    %reduce_sum3A_89 = arith.constant dense<0.000000e+00> : vector<2048xf32>
    %reduce_sum3A_90 = vector.multi_reduction <add>, %exp3A_88, %reduce_sum3A_89 [0] : vector<8x2048xf32> to vector<2048xf32>
    %broadcast_in_dim3A_91 = vector.shape_cast %reduce_sum3A_90 : vector<2048xf32> to vector<1x2048xf32>
    %log3A_92 = math.log %broadcast_in_dim3A_91 : vector<1x2048xf32>
    %add3A_93 = arith.addf %broadcast_in_dim3A_85, %log3A_92 : vector<1x2048xf32>
    %slice3A_94 = vector.extract_strided_slice %add3A_19 {offsets = [48, 0], sizes = [8, 2048], strides = [1, 1]} : vector<64x2048xf32> to vector<8x2048xf32>
    %reduce_max3A_95 = arith.constant dense<0xFF800000> : vector<2048xf32>
    %reduce_max3A_96 = vector.multi_reduction <maximumf>, %slice3A_94, %reduce_max3A_95 [0] : vector<8x2048xf32> to vector<2048xf32>
    %broadcast_in_dim3A_97 = vector.shape_cast %reduce_max3A_96 : vector<2048xf32> to vector<1x2048xf32>
    %sub3A_98 = vector.broadcast %broadcast_in_dim3A_97 : vector<1x2048xf32> to vector<8x2048xf32>
    %sub3A_99 = arith.subf %slice3A_94, %sub3A_98 : vector<8x2048xf32>
    %exp3A_100 = math.exp %sub3A_99 : vector<8x2048xf32>
    %reduce_sum3A_101 = arith.constant dense<0.000000e+00> : vector<2048xf32>
    %reduce_sum3A_102 = vector.multi_reduction <add>, %exp3A_100, %reduce_sum3A_101 [0] : vector<8x2048xf32> to vector<2048xf32>
    %broadcast_in_dim3A_103 = vector.shape_cast %reduce_sum3A_102 : vector<2048xf32> to vector<1x2048xf32>
    %log3A_104 = math.log %broadcast_in_dim3A_103 : vector<1x2048xf32>
    %add3A_105 = arith.addf %broadcast_in_dim3A_97, %log3A_104 : vector<1x2048xf32>
    %slice3A_106 = vector.extract_strided_slice %add3A_19 {offsets = [56, 0], sizes = [8, 2048], strides = [1, 1]} : vector<64x2048xf32> to vector<8x2048xf32>
    %reduce_max3A_107 = arith.constant dense<0xFF800000> : vector<2048xf32>
    %reduce_max3A_108 = vector.multi_reduction <maximumf>, %slice3A_106, %reduce_max3A_107 [0] : vector<8x2048xf32> to vector<2048xf32>
    %broadcast_in_dim3A_109 = vector.shape_cast %reduce_max3A_108 : vector<2048xf32> to vector<1x2048xf32>
    %sub3A_110 = vector.broadcast %broadcast_in_dim3A_109 : vector<1x2048xf32> to vector<8x2048xf32>
    %sub3A_111 = arith.subf %slice3A_106, %sub3A_110 : vector<8x2048xf32>
    %exp3A_112 = math.exp %sub3A_111 : vector<8x2048xf32>
    %reduce_sum3A_113 = arith.constant dense<0.000000e+00> : vector<2048xf32>
    %reduce_sum3A_114 = vector.multi_reduction <add>, %exp3A_112, %reduce_sum3A_113 [0] : vector<8x2048xf32> to vector<2048xf32>
    %broadcast_in_dim3A_115 = vector.shape_cast %reduce_sum3A_114 : vector<2048xf32> to vector<1x2048xf32>
    %log3A_116 = math.log %broadcast_in_dim3A_115 : vector<1x2048xf32>
    %add3A_117 = arith.addf %broadcast_in_dim3A_109, %log3A_116 : vector<1x2048xf32>
    %concatenate3A = tpu.concatenate %add3A_33, %add3A_45, %add3A_57, %add3A_69, %add3A_81, %add3A_93, %add3A_105, %add3A_117 in 0 : vector<1x2048xf32>, vector<1x2048xf32>, vector<1x2048xf32>, vector<1x2048xf32>, vector<1x2048xf32>, vector<1x2048xf32>, vector<1x2048xf32>, vector<1x2048xf32> -> vector<8x2048xf32>
    %get3A_118 = arith.constant 0 : index
    %get3A_119 = arith.constant 0 : index
    %get3A_120 = vector.load %arg10[%get3A_118, %get3A_119] : memref<8x1xf32, #tpu.memory_space<vmem>>, vector<8x1xf32>
    %sub3A_121 = vector.broadcast %get3A_120 : vector<8x1xf32> to vector<8x2048xf32>
    %sub3A_122 = arith.subf %concatenate3A, %sub3A_121 : vector<8x2048xf32>
    %swap3A_123 = arith.constant 0 : index
    %swap3A_124 = arith.constant 0 : index
    %swap3A_125 = vector.load %arg6[%swap3A_123, %swap3A_124] : memref<16x2048xf32, #tpu.memory_space<vmem>>, vector<8x2048xf32>
    tpu.vector_store %arg6[%swap3A_123, %swap3A_124], %sub3A_122 {strides = array<i32>} : memref<16x2048xf32, #tpu.memory_space<vmem>>, vector<8x2048xf32>,
    return
  }
  func.func @transform_0(%arg0: i32) -> (i32, i32) {
    %c0_i32 = arith.constant 0 : i32
    %c0_i32_0 = arith.constant 0 : i32
    return %arg0, %c0_i32 : i32, i32
  }
  func.func @transform_1(%arg0: i32) -> (i32, i32) {
    %c0_i32 = arith.constant 0 : i32
    %c0_i32_0 = arith.constant 0 : i32
    %c0_i32_1 = arith.constant 0 : i32
    return %c0_i32, %c0_i32_0 : i32, i32
  }
  func.func @transform_2(%arg0: i32) -> (i32, i32) {
    %c0_i32 = arith.constant 0 : i32
    %c0_i32_0 = arith.constant 0 : i32
    %c0_i32_1 = arith.constant 0 : i32
    return %c0_i32, %c0_i32_0 : i32, i32
  }
  func.func @transform_3(%arg0: i32) -> (i32, i32) {
    %c0_i32 = arith.constant 0 : i32
    %c0_i32_0 = arith.constant 0 : i32
    %c0_i32_1 = arith.constant 0 : i32
    return %c0_i32, %c0_i32_0 : i32, i32
  }
  func.func @transform_4(%arg0: i32) -> (i32, i32) {
    %c0_i32 = arith.constant 0 : i32
    %c0_i32_0 = arith.constant 0 : i32
    %c0_i32_1 = arith.constant 0 : i32
    return %c0_i32, %c0_i32_0 : i32, i32
  }
  func.func @transform_5(%arg0: i32) -> (i32, i32) {
    %c0_i32 = arith.constant 0 : i32
    %c0_i32_0 = arith.constant 0 : i32
    return %c0_i32, %arg0 : i32, i32
  }
}

</mosaic_0001>

<sc_bundles>
// kernel: kernel.4.cloned.1.call-start
scs
__scs_entry_jumppad:
0x0: {  	(pc) =	sbr.rel $0x88, $3  }
0x1: {  	(tag) =	ssettag $0x0;
	lr =	simm.s32 $0x1  }
0x2: {  	[smem:$0x3F9C] =	sst lr;
	_ =	strace $0xD0000000  }
0x3: {  	_ = 	snop  }
0x4: {  	_ = 	snop  }
0x5: {  	_ = 	snop  }
0x6: {  	_ = 	snop  }
0x7: {  	_ = 	snop  }
__scs_overlays_trampoline_lowered:
0x8: {  	[smem:$0x3FAB] =	sst s0  }
0x9: {  	[smem:$0x3FAC] =	sst s1  }
0xa: {  	[smem:$0x3FAD] =	sst s2  }
0xb: {  	[smem:$0x3FAE] =	sst s3  }
0xc: {  	[smem:$0x3FAF] =	sst s4  }
0xd: {  	[smem:$0x3FB0] =	sst s5  }
0xe: {  	[smem:$0x3FB1] =	sst s6  }
0xf: {  	[smem:$0x3FB2] =	sst s7  }
0x10: {  	[smem:$0x3FB3] =	sst s8  }
0x11: {  	[smem:$0x3FB4] =	sst s9;
	s0 =	simm.s32 @!p0 $0x0  }
0x12: {  	s1 =	sld [smem:$0x3F9A];
	s0 =	simm.s32 @p0 $0x1  }
0x13: {  	[smem:$0x3FB5] =	sst s0;
	s0 =	simm.s32 @!p1 $0x0  }
0x14: {  	s2 =	sld [smem:$0x3F99];
	s0 =	simm.s32 @p1 $0x1  }
0x15: {  	[smem:$0x3FB6] =	sst s0;
	s0 =	simm.s32 @!p2 $0x0  }
0x16: {  	s3 =	sld [smem:$0x3FDB];
	s0 =	simm.s32 @p2 $0x1  }
0x17: {  	s4 =	simm.s32 $0x1BF5;
	[smem:$0x3FB8] =	sst s0  }
0x18: {  	s0 =	sld [smem:$0x3F9B];
	_ =	swait.ge [sflag:s4], $0x0  }
0x19: {  	s7 =	sld [smem:$0x3F9C]  }
0x1a: {  	s8 =	sadd.s32 $0xFFFFE003, lr  }
0x1b: {  	s9 =	sadd.s32 $0xFFFFFEF7, lr;
	s5 =	simm.s32 $0xFFFFFFFF;
	p2 =	slt.u32 s8, $0xFFFFF086  }
0x1c: {  	p1 =	slt.u32 s9, $0xF7A;
	s5 =	simm.s32 @!p2 $0x0  }
0x1d: {  	s5 =	simm.s32 @p1 $0x1;
	p0 =	seq.s32 s7, s2  }
0x1e: {  	s7 =	smul.u32 @!p0 $0xF7A, s2;
	p2 =	seq.s32 @!p0 s5, $0x0  }
0x1f: {  	s9 =	smul.u32 $0xF7A, s1;
	s8 =	simm.s32 @!p0 $0x1BF5;
	p2 =	por !p2, p0  }
0x20: {  	[sflag:s8] =	ssyncset.s32 @!p0 $0xFFFFF086;
	s6 =	sadd.s32 @!p0 s3, s7;
	s7 =	simm.s32 @!p0 $0x108  }
0x21: {  	s3 =	sadd.s32 s3, s9;
	s6 =	sadd.s32 @!p0 $0x88, s6;
	s7 =	simm.s32 @p2 $0x1082  }
0x22: {  	[simem:s7], [sflag:s8] =	dma.local @!p0 [hbm:s6], $0xF7A  }
0x23: {  	s9 =	sor.u32 $0xD0000000, s2;
	s6 =	simm.s32 $0x108;
	_ =	swait.ge @!p0 [sflag:s8], $0x0  }
0x24: {  	s3 =	sadd.s32 $0x88, s3;
	s6 =	simm.s32 @!p1 $0x1082;
	[sflag:s4] =	ssyncset.s32 $0xFFFFF086  }
0x25: {  	[simem:s6], [sflag:s4] =	dma.local [hbm:s3], $0xF7A  }
0x26: {  	[smem:$0x3F9C] =	sst s1;
	(tag) =	ssettag s2;
	_ =	strace s9  }
0x27: {  	s1 =	sld [smem:$0x3FAC]  }
0x28: {  	s2 =	sld [smem:$0x3FAD]  }
0x29: {  	s4 =	sld [smem:$0x3FAF]  }
0x2a: {  	p0 =	seq.s32 s5, $0x0;
	s5 =	sld [smem:$0x3FB0]  }
0x2b: {  	s6 =	sld [smem:$0x3FB1]  }
0x2c: {  	s7 =	sld [smem:$0x3FB2]  }
0x2d: {  	s3 =	simm.s32 $0x108;
	s8 =	sld [smem:$0x3FB3]  }
0x2e: {  	s3 =	simm.s32 @!p0 $0x1082;
	s9 =	sld [smem:$0x3FB4]  }
0x2f: {  	lr =	sadd.s32 s0, s3;
	s0 =	sld [smem:$0x3FAB]  }
0x30: {  	s3 =	sld [smem:$0x3FAE]  }
0x31: {  	[smem:$0x3FB7] =	sst s10  }
0x32: {  	s10 =	sld [smem:$0x3FB5];
	_ =	sdelay $0x3  }
0x33: {  	p0 =	seq.s32 s10, $0x1;
	s10 =	sld [smem:$0x3FB7];
	_ =	sdelay $0x3  }
0x34: {  	[smem:$0x3FB7] =	sst s10  }
0x35: {  	s10 =	sld [smem:$0x3FB6];
	_ =	sdelay $0x3  }
0x36: {  	p1 =	seq.s32 s10, $0x1;
	s10 =	sld [smem:$0x3FB7];
	_ =	sdelay $0x3  }
0x37: {  	[smem:$0x3FB7] =	sst s10  }
0x38: {  	s10 =	sld [smem:$0x3FB8]  }
0x39: {  	_ = 	snop;
	(pc) =	sbr.ind lr, $3  }
0x3a: {  	_ = 	snop  }
0x3b: {  	_ = 	snop  }
0x3c: {  	p2 =	seq.s32 s10, $0x1;
	s10 =	sld [smem:$0x3FB7]  }
0x3d: {  	_ =	shalt  }
0x3e: {  	_ =	shalt  }
0x3f: {  	_ =	shalt  }
0x40: {  	_ =	shalt  }
0x41: {  	_ =	shalt  }
0x42: {  	_ =	shalt  }
0x43: {  	_ =	shalt  }
0x44: {  	_ =	shalt  }
0x45: {  	_ =	shalt  }
0x46: {  	_ =	shalt  }
0x47: {  	_ =	shalt  }
0x48: {  	_ =	shalt  }
0x49: {  	_ =	shalt  }
0x4a: {  	_ =	shalt  }
0x4b: {  	_ =	shalt  }
0x4c: {  	_ =	shalt  }
0x4d: {  	_ =	shalt  }
0x4e: {  	_ =	shalt  }
0x4f: {  	_ =	shalt  }
0x50: {  	_ =	shalt  }
0x51: {  	_ =	shalt  }
0x52: {  	_ =	shalt  }
0x53: {  	_ =	shalt  }
0x54: {  	_ =	shalt  }
0x55: {  	_ =	shalt  }
0x56: {  	_ =	shalt  }
0x57: {  	_ =	shalt  }
0x58: {  	_ =	shalt  }
0x59: {  	_ =	shalt  }
0x5a: {  	_ =	shalt  }
0x5b: {  	_ =	shalt  }
0x5c: {  	_ =	shalt  }
0x5d: {  	_ =	shalt  }
0x5e: {  	_ =	shalt  }
0x5f: {  	_ =	shalt  }
0x60: {  	_ =	shalt  }
0x61: {  	_ =	shalt  }
0x62: {  	_ =	shalt  }
0x63: {  	_ =	shalt  }
0x64: {  	_ =	shalt  }
0x65: {  	_ =	shalt  }
0x66: {  	_ =	shalt  }
0x67: {  	_ =	shalt  }
0x68: {  	_ =	shalt  }
0x69: {  	_ =	shalt  }
0x6a: {  	_ =	shalt  }
0x6b: {  	_ =	shalt  }
0x6c: {  	_ =	shalt  }
0x6d: {  	_ =	shalt  }
0x6e: {  	_ =	shalt  }
0x6f: {  	_ =	shalt  }
0x70: {  	_ =	shalt  }
0x71: {  	_ =	shalt  }
0x72: {  	_ =	shalt  }
0x73: {  	_ =	shalt  }
0x74: {  	_ =	shalt  }
0x75: {  	_ =	shalt  }
0x76: {  	_ =	shalt  }
0x77: {  	_ =	shalt  }
0x78: {  	_ =	shalt  }
0x79: {  	_ =	shalt  }
0x7a: {  	_ =	shalt  }
0x7b: {  	_ =	shalt  }
0x7c: {  	_ =	shalt  }
0x7d: {  	_ =	shalt  }
0x7e: {  	_ =	shalt  }
0x7f: {  	_ =	shalt  }
0x80: {  	_ =	shalt  }
0x81: {  	_ =	shalt  }
0x82: {  	_ =	shalt  }
0x83: {  	_ =	shalt  }
0x84: {  	_ =	shalt  }
0x85: {  	_ =	shalt  }
0x86: {  	_ =	shalt  }
0x87: {  	_ =	shalt  }
.Lfunc_end0:
.L_simem_size_0:
called_computation_lowered:
.L_overlay_start_0:
0x88: {  	s0 =	sld [smem:$0x3FD9]  }
0x89: {  	s1 =	sld [smem:$0x3FFE];
	_ =	sdelay $0x3  }
0x8a: {  	s0 =	sadd.s32 s1, s0  }
0x8b: {  	[smem:$0x3FC3] =	sst s0  }
0x8c: {  	_ = 	snop  }
0x8d: {  	s0 =	sld [smem:$0x3FD0];
	(tm) =	ssettm $0x1  }
0x8e: {  	s16 =	sld [smem:$0x3FFB];
	_ =	sdelay $0x3  }
0x8f: {  	_ =	strace s16  }
0x90: {  	s1 =	sld [smem:$0x3FFC];
	_ =	sdelay $0x3  }
0x91: {  	_ =	strace s1  }
0x92: {  	s1 =	sld [smem:$0x3FFD];
	_ =	sdelay $0x3  }
0x93: {  	_ =	strace s1  }
0x94: {  	_ =	strace $0x8FFFFFFF  }
0x95: {  	s17 =	sld [smem:$0x3FDB];
	_ =	sdelay $0x1  }
0x96: {  	s2 =	simm.s32 $_scs_section_size  }
0x97: {  	s3 =	simm.s32 $_size__tile_overlayer_lowered;
	s4 =	simm.s32 $_tile_overlayer_lowered  }
0x98: {  	s20 =	simm.s32 $0x1BFF;
	s19 =	sshll.u32 s4, $0x1;
	s1 =	sadd.s32 s2, s17  }
0x99: {  	s5 =	simm.s32 $0x0;
	s18 =	sshll.u32 s3, $0x1;
	s3 =	sadd.s32 s19, s1  }
0x9a: {  	[timem:s5], [sflag:s20] =	dma.local [hbm:s3], s18  }
0x9b: {  	_ =	swait.ge [sflag:s20], s18  }
0x9c: {  	s2 =	ssub.s32 $0x0, s18;
	[sflag:s20] =	ssyncset.done $0x0  }
0x9d: {  	[sflag:s20] =	ssyncadd.s32 s2;
	_ =	sdelay $0x1  }
0x9e: {  	s21 =	simm.s32 $0x1B8B  }
0x9f: {  	_ =	swait.ge [sflag:s21], $0x1  }
0xa0: {  	[sflag:s21] =	ssyncset.done $0x0  }
0xa1: {  	s23 =	simm.s32 $0x1B8E;
	s22 =	sld [smem:$0x3FFE];
	[sflag:s21] =	ssyncadd.s32 $0xFFFFFFFF  }
0xa2: {  	s24 =	simm.s32 $execute0_lowered;
	[smem:$0x3FD2] =	sst s23  }
0xa3: {  	s3 =	sshll.u32 s24, $0x1;
	_ =	strace $0x80000046;
	[dreg:$0x1] =	wrdreg $0xFFFFFFFF  }
0xa4: {  	s25 =	simm.s32 $_size_execute0_lowered;
	s1 =	sadd.s32 s1, s3;
	[dreg:$0x0] =	wrdreg $0x0  }
0xa5: {  	s3 =	sshll.u32 s25, $0x1;
	[dreg:$0x2] =	wrdreg s1  }
0xa6: {  	[dreg:$0x3] =	wrdreg s3  }
0xa7: {  	[dreg:$0x4] =	wrdreg $0xC0  }
0xa8: {  	_ =	task [dreg:s5], $0x5FFFF  }
0xa9: {  	[dreg:$0x1] =	wrdreg $0xFFFFFFFF  }
0xaa: {  	[dreg:$0x0] =	wrdreg $0x60  }
0xab: {  	[dreg:$0x2] =	wrdreg s22  }
0xac: {  	[dreg:$0x3] =	wrdreg s0  }
0xad: {  	[dreg:$0x4] =	wrdreg $0x9  }
0xae: {  	_ =	task.clear_ibuf [dreg:s5], $0x5FFFF;
	_ =	strace $0x90000046  }
0xaf: {  	s26 =	simm.s32 $0x9;
	_ =	strace $0x80000048  }
0xb0: {  	_ =	swait.ge [sflag:s26], $0x1  }
0xb1: {  	[sflag:s26] =	ssyncadd.s32 $0xFFFFFFFF  }
0xb2: {  	_ =	strace $0x90000048  }
0xb3: {  	_ =	sfence  }
0xb4: {  	s28 =	sld [smem:$0x0];
	_ =	sdelay $0x1  }
0xb5: {  	s29 =	srdreg.scid  }
0xb6: {  	s30 =	sshll.u32 s29, $0xD;
	s31 =	sshrl.u32 s29, $0x2  }
0xb7: {  	s2 =	sand.u32 $0x4000, s30;
	s1 =	sand.u32 $0x1, s29;
	s0 =	sadd.s32 s31, s28  }
0xb8: {  	s1 =	sor.u32 s2, s1;
	s0 =	sshll.u32 s0, $0x11  }
0xb9: {  	s0 =	sor.u32 s0, s1  }
0xba: {  	s0 =	sadd.s32 $0x8F2B, s0  }
0xbb: {  	[sflag:s0] =	ssyncadd.remote.s32 $0x1  }
0xbc: {  	_ =	sfence.sel $0xFFFF  }
0xbd: {  	[dreg:$0x0] =	wrdreg $0xFFFFFFFF;
	(pc) =	sbr.abs _section_cstart, $3  }
0xbe: {  	[dreg:$0x1] =	wrdreg $0xFFFFFFFF  }
0xbf: {  	_ =	task.clear_ibuf [dreg:s5], $0x2FFFF;
	_ =	strace $0x9FFFFFFF  }
0xc0: {  	(tm) =	ssettm $0x7FFFFFFF  }
0xc1: {  	_ =	shalt  }
tec
execute0_lowered:
.L_overlay_start_1:
0x0: {  	(tag) =	ssettag $0x1  }
0x1: {  	s4 =	rddreg [dreg:$0x0]  }
0x2: {  	s3 =	rddreg [dreg:$0x1]  }
0x3: {  	s0 =	rddreg [dreg:$0x2];
	s1 =	stileid.u32  }
0x4: {  	s2 =	simm.s32 $0x0;
	s28 =	simm.s32 $0x800;
	s5 =	sshll.u32 s1, $0x8  }
0x5: {  	s6 =	simm.s32 $0x8000;
	[smem:$0x7FF] =	sst s2;
	s4 =	sadd.s32 s5, s4  }
0x6: {  	s29 =	simm.s32 $0x1;
	_ =	strace $0x80000047;
	s4 =	sadd.s32 $0xE00, s4  }
0x7: {  	[tilespmem:s2], [sflag:$0x1] =	stream.strided.gather [hbm4b:s4+s28], $0x1000, s6, s28, $0x38;
	[tilespmem:$0x1100] =	vst v63  }
0x8: {  	_ =	swait.ge [sflag:s29], $0x1000  }
0x9: {  	[sflag:s29] =	ssyncset.done $0x0  }
0xa: {  	[sflag:s29] =	ssyncadd.s32 $0xFFFFF000  }
0xb: {  	v40 =	vld [tilespmem:$0x800]  }
0xc: {  	v63 =	vld [tilespmem:$0x0]  }
0xd: {  	v8 =	vld [tilespmem:$0x880]  }
0xe: {  	v59 =	vld [tilespmem:$0x80]  }
0xf: {  	v47 =	vld [tilespmem:$0x900]  }
0x10: {  	v0 =	vld [tilespmem:$0x100]  }
0x11: {  	v43 =	vld [tilespmem:$0x980]  }
0x12: {  	v5 =	vld [tilespmem:$0x180]  }
0x13: {  	v45 =	vld [tilespmem:$0xA00]  }
0x14: {  	v6 =	vld [tilespmem:$0x200]  }
0x15: {  	v42 =	vld [tilespmem:$0xA80]  }
0x16: {  	v7 =	vld [tilespmem:$0x280]  }
0x17: {  	v44 =	vld [tilespmem:$0xB00]  }
0x18: {  	v9 =	vld [tilespmem:$0x300]  }
0x19: {  	v56 =	vld [tilespmem:$0xB80]  }
0x1a: {  	v10 =	vld [tilespmem:$0x380]  }
0x1b: {  	v1 =	vld [tilespmem:$0x810]  }
0x1c: {  	v11 =	vld [tilespmem:$0x10]  }
0x1d: {  	v2 =	vld [tilespmem:$0x90]  }
0x1e: {  	v3 =	vld [tilespmem:$0x110]  }
0x1f: {  	v4 =	vld [tilespmem:$0x990]  }
0x20: {  	v12 =	vld [tilespmem:$0x190]  }
0x21: {  	v13 =	vld [tilespmem:$0x210]  }
0x22: {  	v14 =	vld [tilespmem:$0x290]  }
0x23: {  	v15 =	vld [tilespmem:$0x310]  }
0x24: {  	v52 =	vld [tilespmem:$0xB90]  }
0x25: {  	v16 =	vld [tilespmem:$0x390]  }
0x26: {  	v17 =	vld [tilespmem:$0x20]  }
0x27: {  	v18 =	vld [tilespmem:$0xA0]  }
0x28: {  	v19 =	vld [tilespmem:$0x120]  }
0x29: {  	v20 =	vld [tilespmem:$0x1A0]  }
0x2a: {  	v22 =	vld [tilespmem:$0xA20]  }
0x2b: {  	v21 =	vld [tilespmem:$0x220]  }
0x2c: {  	v26 =	vld [tilespmem:$0xAA0]  }
0x2d: {  	v23 =	vld [tilespmem:$0x2A0]  }
0x2e: {  	v31 =	vld [tilespmem:$0xB20]  }
0x2f: {  	v24 =	vld [tilespmem:$0x320]  }
0x30: {  	v25 =	vld [tilespmem:$0xBA0]  }
0x31: {  	v27 =	vld [tilespmem:$0x3A0]  }
0x32: {  	v28 =	vld [tilespmem:$0x30]  }
0x33: {  	v29 =	vld [tilespmem:$0x2B0]  }
0x34: {  	v30 =	vld [tilespmem:$0x330]  }
0x35: {  	v58 =	vld [tilespmem:$0xBB0]  }
0x36: {  	v32 =	vld [tilespmem:$0x3B0]  }
0x37: {  	v33 =	vld [tilespmem:$0x40]  }
0x38: {  	v34 =	vld [tilespmem:$0xC0]  }
0x39: {  	v35 =	vld [tilespmem:$0x140]  }
0x3a: {  	v36 =	vld [tilespmem:$0x1C0]  }
0x3b: {  	v37 =	vld [tilespmem:$0x240]  }
0x3c: {  	v41 =	vld [tilespmem:$0xAC0]  }
0x3d: {  	v38 =	vld [tilespmem:$0x2C0]  }
0x3e: {  	v50 =	vld [tilespmem:$0xB40]  }
0x3f: {  	v39 =	vld [tilespmem:$0x340]  }
0x40: {  	v46 =	vld [tilespmem:$0xBC0]  }
0x41: {  	v48 =	vld [tilespmem:$0x3C0]  }
0x42: {  	v49 =	vld [tilespmem:$0x50]  }
0x43: {  	v51 =	vld [tilespmem:$0x2D0]  }
0x44: {  	v53 =	vld [tilespmem:$0x350]  }
0x45: {  	v54 =	vld [tilespmem:$0xBD0]  }
0x46: {  	v55 =	vld [tilespmem:$0x3D0]  }
0x47: {  	v57 =	vld [tilespmem:$0x60]  }
0x48: {  	v60 =	vld [tilespmem:$0xE0]  }
0x49: {  	v61 =	vld [tilespmem:$0x160]  }
0x4a: {  	v62 =	vld [tilespmem:$0x1E0]  }
0x4b: {  	[tilespmem:$0x1F900] =	vst v0;
	v0 =	vld [tilespmem:$0x890]  }
0x4c: {  	[tilespmem:$0x1F960] =	vst v2;
	v2 =	vld [tilespmem:$0x910]  }
0x4d: {  	[tilespmem:$0x1F920] =	vst v6;
	v6 =	vld [tilespmem:$0xA10]  }
0x4e: {  	[tilespmem:$0x1F940] =	vst v9;
	v9 =	vld [tilespmem:$0xA90]  }
0x4f: {  	[tilespmem:$0x1F950] =	vst v11;
	v11 =	vld [tilespmem:$0xB10]  }
0x50: {  	[tilespmem:$0x1F990] =	vst v13;
	v13 =	vld [tilespmem:$0x820]  }
0x51: {  	[tilespmem:$0x1F980] =	vst v12;
	v12 =	vld [tilespmem:$0x8A0]  }
0x52: {  	[tilespmem:$0x1F9C0] =	vst v15;
	v15 =	vld [tilespmem:$0x920]  }
0x53: {  	[tilespmem:$0x1FA10] =	vst v19;
	v19 =	vld [tilespmem:$0x9A0]  }
0x54: {  	[tilespmem:$0x1F910] =	vst v5;
	v5 =	vld [tilespmem:$0x830]  }
0x55: {  	[tilespmem:$0x1F970] =	vst v3;
	v3 =	vld [tilespmem:$0x8B0]  }
0x56: {  	[tilespmem:$0x1F930] =	vst v7;
	v7 =	vld [tilespmem:$0xB0]  }
0x57: {  	[tilespmem:$0x1F9D0] =	vst v10;
	v10 =	vld [tilespmem:$0x130]  }
0x58: {  	[tilespmem:$0x1F9A0] =	vst v14;
	v14 =	vld [tilespmem:$0x1B0]  }
0x59: {  	[tilespmem:$0x1F9E0] =	vst v16;
	v16 =	vld [tilespmem:$0x230]  }
0x5a: {  	[tilespmem:$0x1F9F0] =	vst v17;
	v17 =	vld [tilespmem:$0xAB0]  }
0x5b: {  	[tilespmem:$0x1FA30] =	vst v21;
	v21 =	vld [tilespmem:$0xB30]  }
0x5c: {  	[tilespmem:$0x1F9B0] =	vst v25;
	v25 =	vld [tilespmem:$0x840]  }
0x5d: {  	[tilespmem:$0x1FA50] =	vst v24;
	v24 =	vld [tilespmem:$0x8C0]  }
0x5e: {  	[tilespmem:$0x1FA70] =	vst v28;
	v28 =	vld [tilespmem:$0x940]  }
0x5f: {  	[tilespmem:$0x1FB40] =	vst v33;
	v33 =	vld [tilespmem:$0x9C0]  }
0x60: {  	[tilespmem:$0x1FB60] =	vst v35;
	v35 =	vld [tilespmem:$0xA40]  }
0x61: {  	[tilespmem:$0x1FA00] =	vst v18;
	v18 =	vld [tilespmem:$0x850]  }
0x62: {  	[tilespmem:$0x1FA20] =	vst v20;
	v20 =	vld [tilespmem:$0xD0]  }
0x63: {  	[tilespmem:$0x1FA40] =	vst v23;
	v23 =	vld [tilespmem:$0x150]  }
0x64: {  	[tilespmem:$0x1FA60] =	vst v27;
	v27 =	vld [tilespmem:$0x1D0]  }
0x65: {  	[tilespmem:$0x1FAF0] =	vst v29;
	v29 =	vld [tilespmem:$0x250]  }
0x66: {  	[tilespmem:$0x1FB20] =	vst v32;
	v32 =	vld [tilespmem:$0xAD0]  }
0x67: {  	[tilespmem:$0x1FB70] =	vst v36;
	v36 =	vld [tilespmem:$0xB50]  }
0x68: {  	[tilespmem:$0x1FBA0] =	vst v39;
	v39 =	vld [tilespmem:$0x860]  }
0x69: {  	[tilespmem:$0x1FB80] =	vst v37;
	v37 =	vld [tilespmem:$0x8E0]  }
0x6a: {  	[tilespmem:$0x1FAE0] =	vst v46;
	v46 =	vld [tilespmem:$0x960]  }
0x6b: {  	[tilespmem:$0x1FB00] =	vst v54;
	v54 =	vld [tilespmem:$0x9E0]  }
0x6c: {  	[tilespmem:$0x1FCB0] =	vst v57;
	v57 =	vld [tilespmem:$0xA60]  }
0x6d: {  	[tilespmem:$0x1FB50] =	vst v34;
	v34 =	vld [tilespmem:$0x260]  }
0x6e: {  	[tilespmem:$0x1FCF0] =	vst v62;
	v62 =	vld [tilespmem:$0xAE0]  }
0x6f: {  	[tilespmem:$0x1FB90] =	vst v38;
	v38 =	vld [tilespmem:$0x2E0]  }
0x70: {  	[tilespmem:$0x1FC40] =	vst v48;
	v48 =	vld [tilespmem:$0xB60]  }
0x71: {  	[tilespmem:$0x1FBB0] =	vst v49;
	v49 =	vld [tilespmem:$0x360]  }
0x72: {  	[tilespmem:$0x1FC20] =	vst v51;
	v51 =	vld [tilespmem:$0xBE0]  }
0x73: {  	[tilespmem:$0x1FC70] =	vst v53;
	v53 =	vld [tilespmem:$0x3E0]  }
0x74: {  	[tilespmem:$0x1FB10] =	vst v30;
	v30 =	vld [tilespmem:$0x870]  }
0x75: {  	[tilespmem:$0x1FC80] =	vst v55;
	v55 =	vld [tilespmem:$0x70]  }
0x76: {  	[tilespmem:$0x1FCC0] =	vst v60;
	v60 =	vld [tilespmem:$0x2F0];
	vm0 =	vgt.f32 v8, v40  }
0x77: {  	[tilespmem:$0x1FCD0] =	vst v61;
	v61 =	vld [tilespmem:$0x370];
	v8 =	vsel vm0, v8, v40  }
0x78: {  	v40 =	vld [tilespmem:$0xD90];
	vm3 =	vgt.f32 v47, v8  }
0x79: {  	v8 =	vsel vm3, v47, v8;
	v47 =	vld [tilespmem:$0xE10]  }
0x7a: {  	[tilespmem:$0x1FA80] =	vst v7;
	v7 =	vld [tilespmem:$0x930]  }
0x7b: {  	[tilespmem:$0x1FAA0] =	vst v10;
	v10 =	vld [tilespmem:$0x9B0]  }
0x7c: {  	[tilespmem:$0x1FAC0] =	vst v14;
	v14 =	vld [tilespmem:$0xA30]  }
0x7d: {  	[tilespmem:$0x1FAD0] =	vst v16;
	v16 =	vld [tilespmem:$0x8D0]  }
0x7e: {  	[tilespmem:$0x1FBC0] =	vst v20;
	v20 =	vld [tilespmem:$0x950]  }
0x7f: {  	[tilespmem:$0x1FBE0] =	vst v23;
	v23 =	vld [tilespmem:$0x9D0]  }
0x80: {  	[tilespmem:$0x1FBF0] =	vst v27;
	v27 =	vld [tilespmem:$0xA50]  }
0x81: {  	[tilespmem:$0x1FC10] =	vst v29;
	v29 =	vld [tilespmem:$0x8F0]  }
0x82: {  	[tilespmem:$0x1FD00] =	vst v34;
	v34 =	vld [tilespmem:$0xF0]  }
0x83: {  	[tilespmem:$0x1FD20] =	vst v38;
	v38 =	vld [tilespmem:$0x170]  }
0x84: {  	[tilespmem:$0x1FC00] =	vst v48;
	v48 =	vld [tilespmem:$0x1F0]  }
0x85: {  	[tilespmem:$0x1FD30] =	vst v49;
	v49 =	vld [tilespmem:$0x270]  }
0x86: {  	[tilespmem:$0x1FE40] =	vst v61;
	v61 =	vld [tilespmem:$0x3F0]  }
0x87: {  	[tilespmem:$0x1FE30] =	vst v53;
	v53 =	vld [tilespmem:$0xAF0]  }
0x88: {  	[tilespmem:$0x1FDE0] =	vst v60;
	v60 =	vld [tilespmem:$0xB70]  }
0x89: {  	[tilespmem:$0x1FD50] =	vst v55;
	v55 =	vld [tilespmem:$0xBF0]  }
0x8a: {  	[tilespmem:$0x1FC30] =	vst v51;
	v51 =	vld [tilespmem:$0xC10]  }
0x8b: {  	vm5 =	vgt.f32 v43, v8;
	vm2 =	vgt.f32 v0, v1;
	[tilespmem:$0x1FE60] =	vst v61;
	v61 =	vld [tilespmem:$0x400]  }
0x8c: {  	v0 =	vsel vm2, v0, v1;
	v1 =	vsel vm5, v43, v8;
	v43 =	vld [tilespmem:$0xE90]  }
0x8d: {  	v8 =	vld [tilespmem:$0x710];
	vm6 =	vgt.f32 v45, v1  }
0x8e: {  	v1 =	vsel vm6, v45, v1;
	v45 =	vld [tilespmem:$0xF10]  }
0x8f: {  	[tilespmem:$0x1FD60] =	vst v34;
	v34 =	vld [tilespmem:$0x970]  }
0x90: {  	[tilespmem:$0x1FE00] =	vst v61;
	v61 =	vld [tilespmem:$0x480]  }
0x91: {  	[tilespmem:$0x1FD80] =	vst v38;
	v38 =	vld [tilespmem:$0x9F0]  }
0x92: {  	[tilespmem:$0x1FDB0] =	vst v48;
	v48 =	vld [tilespmem:$0xA70]  }
0x93: {  	vm4 =	vgt.f32 v2, v0;
	[tilespmem:$0x1FC60] =	vst v55;
	v55 =	vld [tilespmem:$0xC00]  }
0x94: {  	v0 =	vsel vm4, v2, v0;
	[tilespmem:$0x1FDC0] =	vst v49;
	v49 =	vld [tilespmem:$0xC90]  }
0x95: {  	vm9 =	vgt.f32 v4, v0;
	[tilespmem:$0x1FE10] =	vst v61;
	v61 =	vld [tilespmem:$0x500]  }
0x96: {  	vm7 =	vgt.f32 v42, v1;
	v0 =	vsel vm9, v4, v0;
	v4 =	vld [tilespmem:$0x690]  }
0x97: {  	v1 =	vsel vm7, v42, v1;
	v42 =	vld [tilespmem:$0xF90]  }
0x98: {  	[tilespmem:$0x1FF20] =	vst v8;
	v8 =	vsel vm0, v59, v63;
	v59 =	vld [tilespmem:$0x1F920]  }
0x99: {  	v63 =	vld [tilespmem:$0xDA0]  }
0x9a: {  	vm8 =	vgt.f32 v6, v0;
	vm10 =	vgt.f32 v44, v1;
	[tilespmem:$0x1FE50] =	vst v61;
	v61 =	vld [tilespmem:$0x580]  }
0x9b: {  	v0 =	vsel vm8, v6, v0;
	v1 =	vsel vm10, v44, v1;
	v44 =	vld [tilespmem:$0xC20]  }
0x9c: {  	vm14 =	vgt.f32 v12, v13;
	vm11 =	vgt.f32 v9, v0;
	vm13 =	vgt.f32 v56, v1;
	v56 =	vld [tilespmem:$0x520]  }
0x9d: {  	v0 =	vsel vm11, v9, v0;
	v9 =	vsel vm14, v12, v13;
	v12 =	vld [tilespmem:$0x1F900]  }
0x9e: {  	[tilespmem:$0x1FC90] =	vst v55;
	v55 =	vld [tilespmem:$0xC80]  }
0x9f: {  	[tilespmem:$0x1FE70] =	vst v61;
	v61 =	vld [tilespmem:$0x600]  }
0xa0: {  	[tilespmem:$0x1FF10] =	vst v4;
	v4 =	vld [tilespmem:$0x420]  }
0xa1: {  	[tilespmem:$0x1FE20] =	vst v42;
	vm12 =	vgt.f32 v11, v0;
	v42 =	vld [tilespmem:$0xCA0]  }
0xa2: {  	v0 =	vsel vm12, v11, v0;
	v11 =	vld [tilespmem:$0x4A0]  }
0xa3: {  	vm15 =	vgt.f32 v3, v5;
	[tilespmem:$0x1FCA0] =	vst v55;
	v55 =	vld [tilespmem:$0xD00]  }
0xa4: {  	v3 =	vsel vm15, v3, v5;
	v6 =	vimm.s32 $0x0;
	v13 =	vimm.s32 $0x0;
	[tilespmem:$0x1FE80] =	vst v61;
	v61 =	vld [tilespmem:$0x680]  }
0xa5: {  	vm1 =	vgt.f32 v52, v0;
	v0 =	vsel vm15, $0xFFFFFFFF, v6;
	vm15 =	vgt.f32 v7, v3;
	v52 =	vld [tilespmem:$0x1F910]  }
0xa6: {  	v2 =	vsel vm15, $0xFFFFFFFF, v13;
	v13 =	vld [tilespmem:$0x1F970]  }
0xa7: {  	[tilespmem:$0x1FF50] =	vst v56;
	v56 =	vld [tilespmem:$0x1F9B0]  }
0xa8: {  	[tilespmem:$0x1FCE0] =	vst v55;
	v55 =	vld [tilespmem:$0xD80]  }
0xa9: {  	[tilespmem:$0x1FEB0] =	vst v61;
	v61 =	vld [tilespmem:$0x700]  }
0xaa: {  	[tilespmem:$0x1FAB0] =	vst v2;
	v2 =	vld [tilespmem:$0xD20]  }
0xab: {  	[tilespmem:$0x1FA90] =	vst v0;
	v0 =	vsel vm3, v12, v8;
	v8 =	vld [tilespmem:$0x5A0]  }
0xac: {  	v12 =	vld [tilespmem:$0x620]  }
0xad: {  	[tilespmem:$0x1FD10] =	vst v55;
	v55 =	vld [tilespmem:$0xE00]  }
0xae: {  	v3 =	vsel vm15, v7, v3;
	vm3 =	vgt.f32 v15, v9;
	[tilespmem:$0x1FED0] =	vst v61;
	v61 =	vld [tilespmem:$0x780]  }
0xaf: {  	vm15 =	vgt.f32 v10, v3;
	v1 =	vsel vm3, v15, v9;
	v9 =	vld [tilespmem:$0x1F940]  }
0xb0: {  	v3 =	vsel vm15, v10, v3;
	v10 =	vld [tilespmem:$0x1F950]  }
0xb1: {  	[tilespmem:$0x1FF40] =	vst v11;
	v11 =	vld [tilespmem:$0x1F960]  }
0xb2: {  	[tilespmem:$0x1FD40] =	vst v55;
	v55 =	vld [tilespmem:$0xE80]  }
0xb3: {  	vm0 =	vgt.f32 v19, v1;
	[tilespmem:$0x1FEF0] =	vst v61;
	v61 =	vld [tilespmem:$0x510]  }
0xb4: {  	v1 =	vsel vm0, v19, v1;
	v19 =	vld [tilespmem:$0x6A0]  }
0xb5: {  	v0 =	vsel vm5, v52, v0;
	vm5 =	vgt.f32 v14, v3;
	v52 =	vld [tilespmem:$0x720]  }
0xb6: {  	v3 =	vsel vm5, v14, v3;
	v14 =	vld [tilespmem:$0x1F980]  }
0xb7: {  	[tilespmem:$0x1FDA0] =	vst v55;
	v55 =	vld [tilespmem:$0xF00]  }
0xb8: {  	[tilespmem:$0x1FEC0] =	vst v61;
	v61 =	vld [tilespmem:$0x590]  }
0xb9: {  	v0 =	vsel vm6, v59, v0;
	vm6 =	vgt.f32 v22, v1;
	v59 =	vld [tilespmem:$0x1F9C0]  }
0xba: {  	v1 =	vsel vm6, v22, v1;
	v22 =	vld [tilespmem:$0x1F990]  }
0xbb: {  	[tilespmem:$0x1FF60] =	vst v8;
	v8 =	vld [tilespmem:$0xFA0]  }
0xbc: {  	[tilespmem:$0x1FDD0] =	vst v55;
	v55 =	vld [tilespmem:$0xF80]  }
0xbd: {  	[tilespmem:$0x1FEE0] =	vst v61;
	v61 =	vld [tilespmem:$0x610]  }
0xbe: {  	[tilespmem:$0x1FF70] =	vst v12;
	v12 =	vld [tilespmem:$0x1F9F0]  }
0xbf: {  	v5 =	vsel vm2, v11, v10;
	v10 =	vld [tilespmem:$0x1F9E0]  }
0xc0: {  	v11 =	vld [tilespmem:$0x7A0]  }
0xc1: {  	[tilespmem:$0x1FDF0] =	vst v55;
	v55 =	vld [tilespmem:$0x410]  }
0xc2: {  	[tilespmem:$0x1FF00] =	vst v61;
	v61 =	vld [tilespmem:$0x790]  }
0xc3: {  	v5 =	vsel vm4, v13, v5;
	v13 =	vld [tilespmem:$0x1FA00]  }
0xc4: {  	[tilespmem:$0x1FF90] =	vst v52;
	v52 =	vld [tilespmem:$0xC30]  }
0xc5: {  	[tilespmem:$0x1FF80] =	vst v19;
	v19 =	vld [tilespmem:$0x1FA20]  }
0xc6: {  	[tilespmem:$0x1FE90] =	vst v55;
	v55 =	vld [tilespmem:$0x490]  }
0xc7: {  	vm4 =	vgt.f32 v16, v18;
	[tilespmem:$0x1FFB0] =	vst v61;
	v61 =	vld [tilespmem:$0x1F930]  }
0xc8: {  	v5 =	vsel vm9, v14, v5;
	v18 =	vsel vm4, v16, v18;
	v16 =	vld [tilespmem:$0x1FAD0]  }
0xc9: {  	v5 =	vsel vm8, v22, v5;
	v22 =	vld [tilespmem:$0x1FA40]  }
0xca: {  	[tilespmem:$0x1FFC0] =	vst v11;
	v11 =	vld [tilespmem:$0xEB0]  }
0xcb: {  	[tilespmem:$0x1FEA0] =	vst v55;
	v55 =	vld [tilespmem:$0xD10]  }
0xcc: {  	v0 =	vsel vm7, v61, v0;
	v61 =	vld [tilespmem:$0xEA0]  }
0xcd: {  	[tilespmem:$0x1FF30] =	vst v4;
	v4 =	vsel vm10, v9, v0;
	v0 =	vld [tilespmem:$0xE20]  }
0xce: {  	vm7 =	vgt.f32 v17, v3;
	v9 =	vld [tilespmem:$0x1F9D0]  }
0xcf: {  	vm10 =	vgt.f32 v26, v1;
	v3 =	vsel vm7, v17, v3;
	v17 =	vld [tilespmem:$0x1FA10]  }
0xd0: {  	v15 =	vsel vm10, v26, v1;
	v26 =	vld [tilespmem:$0x1F9A0]  }
0xd1: {  	vm9 =	vgt.f32 v21, v3;
	v1 =	vld [tilespmem:$0xF20]  }
0xd2: {  	vm2 =	vgt.f32 v31, v15;
	v3 =	vsel vm9, v21, v3;
	v21 =	vld [tilespmem:$0x1FA30]  }
0xd3: {  	v6 =	vsel vm2, v31, v15;
	v31 =	vld [tilespmem:$0x1FA90]  }
0xd4: {  	vm8 =	vgt.f32 v56, v6;
	v56 =	vld [tilespmem:$0xCB0]  }
0xd5: {  	v5 =	vsel vm11, v26, v5;
	v26 =	vld [tilespmem:$0x1FA70]  }
0xd6: {  	v7 =	vimm.s32 $0x0;
	v5 =	vsel vm12, v59, v5;
	vm12 =	vgt.f32 v58, v3;
	v58 =	vld [tilespmem:$0xD30]  }
0xd7: {  	v59 =	vld [tilespmem:$0xDB0];
	v3 =	vsel vm12, $0xFFFFFFFF, v7  }
0xd8: {  	[tilespmem:$0x1FB30] =	vst v3;
	v3 =	vsel vm13, v9, v4;
	vm13 =	vgt.f32 v24, v25;
	v9 =	vld [tilespmem:$0x430]  }
0xd9: {  	v14 =	vsel vm13, v24, v25;
	v24 =	vld [tilespmem:$0x1FA50]  }
0xda: {  	v15 =	vimm.s32 $0x0;
	v25 =	vld [tilespmem:$0x1FA60]  }
0xdb: {  	[tilespmem:$0x1FFD0] =	vst v3;
	v3 =	vsel vm1, v10, v5;
	v5 =	vsel vm4, $0xFFFFFFFF, v15;
	v15 =	vld [tilespmem:$0x1FAC0]  }
0xdc: {  	v10 =	vld [tilespmem:$0xFB0]  }
0xdd: {  	[tilespmem:$0x1FFE0] =	vst v3;
	v3 =	vsel vm14, v13, v12;
	v12 =	vld [tilespmem:$0x530]  }
0xde: {  	vm4 =	vgt.f32 v28, v14;
	v13 =	vld [tilespmem:$0xE30]  }
0xdf: {  	v4 =	vsel vm4, v28, v14;
	v28 =	vld [tilespmem:$0x1FA80]  }
0xe0: {  	vm14 =	vgt.f32 v20, v18;
	v3 =	vsel vm3, v17, v3;
	v17 =	vld [tilespmem:$0x1FAE0]  }
0xe1: {  	[tilespmem:$0x1FBD0] =	vst v5;
	v5 =	vsel vm14, v20, v18;
	v20 =	vld [tilespmem:$0x1FB00]  }
0xe2: {  	v14 =	vld [tilespmem:$0xF30]  }
0xe3: {  	v3 =	vsel vm0, v19, v3;
	v19 =	vld [tilespmem:$0x1FAF0]  }
0xe4: {  	v6 =	vsel vm6, v21, v3;
	v3 =	vld [tilespmem:$0x4B0]  }
0xe5: {  	vm3 =	vgt.f32 v33, v4;
	v21 =	vld [tilespmem:$0x5B0]  }
0xe6: {  	vm12 =	vgt.f32 v23, v5;
	v4 =	vsel vm3, v33, v4;
	v33 =	vld [tilespmem:$0x1FAA0]  }
0xe7: {  	v5 =	vsel vm12, v23, v5;
	v23 =	vld [tilespmem:$0x1FB20]  }
0xe8: {  	v6 =	vsel vm10, v22, v6;
	v22 =	vld [tilespmem:$0x1FB10]  }
0xe9: {  	v6 =	vsel vm2, v24, v6;
	vm2 =	vgt.f32 v35, v4;
	v24 =	vld [tilespmem:$0x1FB30]  }
0xea: {  	v6 =	vsel vm8, v25, v6;
	v4 =	vsel vm2, v35, v4;
	vm8 =	vgt.f32 v27, v5;
	v35 =	vld [tilespmem:$0x1FAB0]  }
0xeb: {  	vm10 =	vnez.u8 v31;
	v5 =	vsel vm8, v27, v5;
	v27 =	vld [tilespmem:$0x1FB40]  }
0xec: {  	[tilespmem:$0x1FFF0] =	vst v6;
	v6 =	vsel vm10, v28, v26;
	vm1 =	vgt.f32 v41, v4;
	v28 =	vld [tilespmem:$0x1FB50]  }
0xed: {  	v41 =	vsel vm1, v41, v4;
	vm10 =	vgt.f32 v32, v5;
	v4 =	vld [tilespmem:$0x630]  }
0xee: {  	v5 =	vsel vm10, v32, v5;
	vm0 =	vgt.f32 v50, v41;
	v32 =	vld [tilespmem:$0x1FB60]  }
0xef: {  	v7 =	vsel vm0, v50, v41;
	v41 =	vld [tilespmem:$0x1FB90]  }
0xf0: {  	v50 =	vld [tilespmem:$0x1FBA0];
	vm11 =	vnez.u8 v35  }
0xf1: {  	[tilespmem:$0x1FFA0] =	vst v8;
	v6 =	vsel vm11, v33, v6;
	v8 =	vsel vm13, v28, v27;
	v27 =	vld [tilespmem:$0xCC0]  }
0xf2: {  	v18 =	vimm.s32 $0x0;
	vm11 =	vgt.f32 v36, v5;
	v28 =	vld [tilespmem:$0xD40];
	v6 =	vsel vm15, v15, v6  }
0xf3: {  	vm15 =	vgt.f32 v17, v7;
	v6 =	vsel vm5, v16, v6;
	v8 =	vsel vm4, v32, v8;
	v32 =	vld [tilespmem:$0x1FBB0]  }
0xf4: {  	v5 =	vsel vm11, v36, v5;
	v7 =	vsel vm15, $0xFFFFFFFF, v18;
	v18 =	vld [tilespmem:$0x540];
	v6 =	vsel vm7, v19, v6  }
0xf5: {  	vm15 =	vgt.f32 v20, v5;
	[tilespmem:$0x1FC50] =	vst v7;
	v7 =	vld [tilespmem:$0x6B0];
	v5 =	vsel vm9, v22, v6;
	vm9 =	vgt.f32 v37, v39  }
0xf6: {  	vm5 =	vnez.u8 v24;
	v25 =	vsel vm9, v37, v39;
	v37 =	vld [tilespmem:$0x1FB70]  }
0xf7: {  	v35 =	vsel vm5, v23, v5;
	v23 =	vld [tilespmem:$0xC40]  }
0xf8: {  	vm5 =	vgt.f32 v29, v30;
	v39 =	vld [tilespmem:$0x1FB80]  }
0xf9: {  	v31 =	vsel vm5, v29, v30;
	v29 =	vld [tilespmem:$0xDC0]  }
0xfa: {  	v26 =	vimm.s32 $0x0;
	v30 =	vld [tilespmem:$0xE40]  }
0xfb: {  	v6 =	vsel vm5, $0xFFFFFFFF, v26;
	v26 =	vld [tilespmem:$0xFC0]  }
0xfc: {  	vm13 =	vgt.f32 v46, v25;
	[tilespmem:$0x1FD70] =	vst v6;
	v6 =	vld [tilespmem:$0x730]  }
0xfd: {  	v33 =	vsel vm13, v46, v25;
	vm4 =	vgt.f32 v34, v31;
	v25 =	vld [tilespmem:$0x640]  }
0xfe: {  	v36 =	vimm.s32 $0x0;
	v15 =	vsel vm4, v34, v31;
	v34 =	vld [tilespmem:$0x1FBD0]  }
0xff: {  	v5 =	vsel vm4, $0xFFFFFFFF, v36;
	v31 =	vld [tilespmem:$0xEC0]  }
0x100: {  	[tilespmem:$0x1FD90] =	vst v5;
	v5 =	vld [tilespmem:$0x7B0];
	vm7 =	vgt.f32 v38, v15  }
0x101: {  	v46 =	vsel vm7, v38, v15;
	v15 =	vld [tilespmem:$0x4C0]  }
0x102: {  	v8 =	vsel vm3, v37, v8;
	v37 =	vld [tilespmem:$0x1FBE0]  }
0x103: {  	v38 =	vld [tilespmem:$0x1FBF0]  }
0x104: {  	vm3 =	vgt.f32 v54, v33;
	v17 =	vsel vm2, v39, v8;
	v8 =	vld [tilespmem:$0x440]  }
0x105: {  	v16 =	vsel vm3, v54, v33;
	v33 =	vld [tilespmem:$0x1FBC0]  }
0x106: {  	v39 =	vld [tilespmem:$0x1FC00]  }
0x107: {  	vm6 =	vgt.f32 v48, v46;
	v17 =	vsel vm1, v41, v17;
	v41 =	vld [tilespmem:$0x1FC10]  }
0x108: {  	v36 =	vsel vm6, v48, v46;
	v46 =	vld [tilespmem:$0x1FC20]  }
0x109: {  	v48 =	vld [tilespmem:$0x1FC30]  }
0x10a: {  	vm2 =	vgt.f32 v57, v16;
	v54 =	vsel vm0, v50, v17;
	v50 =	vld [tilespmem:$0x1FC40]  }
0x10b: {  	v16 =	vsel vm2, v57, v16;
	v57 =	vld [tilespmem:$0x1FC70]  }
0x10c: {  	vm5 =	vnez.u8 v34;
	vm4 =	vgt.f32 v53, v36;
	v34 =	vld [tilespmem:$0x1FCB0]  }
0x10d: {  	v20 =	vsel vm4, v53, v36;
	v53 =	vld [tilespmem:$0x1FC50]  }
0x10e: {  	vm1 =	vgt.f32 v62, v16;
	v36 =	vld [tilespmem:$0x1FCC0]  }
0x10f: {  	v16 =	vsel vm1, v62, v16;
	v62 =	vld [tilespmem:$0x1FC90]  }
0x110: {  	v17 =	vsel vm5, v33, v32;
	v33 =	vld [tilespmem:$0x1FCA0]  }
0x111: {  	vm5 =	vgt.f32 v60, v20;
	v32 =	vld [tilespmem:$0xF40]  }
0x112: {  	vm0 =	vgt.f32 v39, v16;
	v20 =	vsel vm5, v60, v20;
	v60 =	vld [tilespmem:$0x1FC80]  }
0x113: {  	v17 =	vsel vm14, v37, v17;
	v16 =	vsel vm0, v39, v16;
	v39 =	vld [tilespmem:$0x1FCE0]  }
0x114: {  	v17 =	vsel vm12, v38, v17;
	v38 =	vld [tilespmem:$0x1FCD0]  }
0x115: {  	vm12 =	vgt.f32 v48, v16;
	v48 =	vld [tilespmem:$0x1FD00]  }
0x116: {  	v22 =	vsel vm8, v41, v17;
	v17 =	vld [tilespmem:$0x5C0]  }
0x117: {  	v41 =	vld [tilespmem:$0x1FCF0]  }
0x118: {  	vm14 =	vnez.u8 v53;
	v53 =	vld [tilespmem:$0x1FD30]  }
0x119: {  	vm8 =	vgt.f32 v49, v51;
	v16 =	vsel vm14, v50, v54;
	v54 =	vld [tilespmem:$0x1FC60]  }
0x11a: {  	v37 =	vsel vm8, v49, v51;
	v49 =	vld [tilespmem:$0x1FD10]  }
0x11b: {  	v22 =	vsel vm10, v46, v22;
	v50 =	vld [tilespmem:$0x1FD20]  }
0x11c: {  	v19 =	vsel vm11, v57, v22;
	v22 =	vld [tilespmem:$0x6C0]  }
0x11d: {  	vm11 =	vgt.f32 v33, v62;
	v57 =	vld [tilespmem:$0x1FD60]  }
0x11e: {  	v24 =	vsel vm11, v33, v62;
	v33 =	vld [tilespmem:$0x740]  }
0x11f: {  	v19 =	vsel vm15, v60, v19;
	v60 =	vld [tilespmem:$0x1FD70]  }
0x120: {  	vm14 =	vgt.f32 v54, v20;
	v20 =	vsel vm9, v36, v34;
	v34 =	vld [tilespmem:$0x7C0]  }
0x121: {  	v54 =	vld [tilespmem:$0x1FD40]  }
0x122: {  	vm9 =	vgt.f32 v55, v37;
	v36 =	vld [tilespmem:$0x450]  }
0x123: {  	v46 =	vsel vm9, v55, v37;
	v37 =	vld [tilespmem:$0xC50]  }
0x124: {  	vm15 =	vgt.f32 v39, v24;
	v20 =	vsel vm13, v38, v20;
	v55 =	vld [tilespmem:$0x1FD50]  }
0x125: {  	v24 =	vsel vm15, v39, v24;
	v20 =	vsel vm3, v41, v20;
	v41 =	vld [tilespmem:$0x4D0]  }
0x126: {  	vm3 =	vgt.f32 v49, v24;
	v20 =	vsel vm2, v48, v20;
	v48 =	vld [tilespmem:$0x1FD90]  }
0x127: {  	vm10 =	vgt.f32 v40, v46;
	v24 =	vsel vm3, v49, v24;
	v49 =	vld [tilespmem:$0x1FDA0]  }
0x128: {  	v51 =	vsel vm10, v40, v46;
	v40 =	vld [tilespmem:$0xCD0]  }
0x129: {  	v20 =	vsel vm1, v50, v20;
	v50 =	vld [tilespmem:$0x1FDB0]  }
0x12a: {  	vm13 =	vgt.f32 v47, v51;
	vm1 =	vnez.u8 v60;
	v60 =	vld [tilespmem:$0x1FE10]  }
0x12b: {  	v62 =	vsel vm13, v47, v51;
	v47 =	vld [tilespmem:$0x1FD80]  }
0x12c: {  	v51 =	vld [tilespmem:$0x1FDC0]  }
0x12d: {  	v20 =	vsel vm0, v53, v20;
	vm0 =	vgt.f32 v54, v24;
	v53 =	vld [tilespmem:$0x1FDD0]  }
0x12e: {  	v24 =	vsel vm0, v54, v24;
	v54 =	vld [tilespmem:$0x1FDE0]  }
0x12f: {  	v38 =	vsel vm1, v57, v55;
	v55 =	vld [tilespmem:$0x1FDF0]  }
0x130: {  	v57 =	vld [tilespmem:$0x1FE00]  }
0x131: {  	vm1 =	vnez.u8 v48;
	vm2 =	vgt.f32 v49, v24;
	v48 =	vld [tilespmem:$0x1FE40]  }
0x132: {  	v24 =	vsel vm2, v49, v24;
	v49 =	vld [tilespmem:$0x1FE50]  }
0x133: {  	v38 =	vsel vm1, v47, v38;
	vm1 =	vgt.f32 v43, v62;
	v47 =	vld [tilespmem:$0x1FE30]  }
0x134: {  	v39 =	vsel vm1, v43, v62;
	v43 =	vld [tilespmem:$0xD50]  }
0x135: {  	v62 =	vld [tilespmem:$0x1FE20]  }
0x136: {  	v38 =	vsel vm7, v50, v38;
	v50 =	vld [tilespmem:$0x1FE60]  }
0x137: {  	v46 =	vsel vm11, v60, v57;
	v57 =	vld [tilespmem:$0x1FEB0]  }
0x138: {  	v60 =	vld [tilespmem:$0x1FEC0]  }
0x139: {  	vm7 =	vgt.f32 v53, v24;
	v38 =	vsel vm6, v51, v38;
	v51 =	vld [tilespmem:$0x1FE70]  }
0x13a: {  	vm6 =	vgt.f32 v45, v39;
	v24 =	vsel vm7, v53, v24;
	v53 =	vld [tilespmem:$0x1FE80]  }
0x13b: {  	v39 =	vsel vm6, v45, v39;
	v45 =	vld [tilespmem:$0x550]  }
0x13c: {  	v38 =	vsel vm4, v54, v38;
	v54 =	vld [tilespmem:$0x1FE90]  }
0x13d: {  	vm4 =	vgt.f32 v55, v24;
	v55 =	vld [tilespmem:$0x1FEA0]  }
0x13e: {  	v24 =	vsel vm12, v47, v20;
	v20 =	vsel vm5, v48, v38;
	v38 =	vsel vm15, v49, v46;
	v46 =	vld [tilespmem:$0x5D0]  }
0x13f: {  	v47 =	vld [tilespmem:$0xE50]  }
0x140: {  	v49 =	vld [tilespmem:$0xED0]  }
0x141: {  	vm15 =	vgt.f32 v42, v44;
	vm11 =	vgt.f32 v62, v39;
	v39 =	vld [tilespmem:$0xDD0]  }
0x142: {  	v42 =	vsel vm15, v42, v44;
	v44 =	vld [tilespmem:$0x650]  }
0x143: {  	v62 =	vld [tilespmem:$0x1FED0]  }
0x144: {  	v20 =	vsel vm14, v50, v20;
	v50 =	vld [tilespmem:$0x6D0]  }
0x145: {  	v38 =	vsel vm3, v51, v38;
	v51 =	vld [tilespmem:$0x750]  }
0x146: {  	v38 =	vsel vm0, v53, v38;
	v53 =	vld [tilespmem:$0x1FEE0]  }
0x147: {  	v48 =	vsel vm8, v55, v54;
	v54 =	vld [tilespmem:$0x1FEF0]  }
0x148: {  	v55 =	vld [tilespmem:$0x1FF00]  }
0x149: {  	v38 =	vsel vm2, v57, v38;
	v57 =	vld [tilespmem:$0x1FF10]  }
0x14a: {  	vm0 =	vgt.f32 v56, v52;
	v48 =	vsel vm9, v60, v48;
	v60 =	vld [tilespmem:$0x1FF20]  }
0x14b: {  	v52 =	vsel vm0, v56, v52;
	v56 =	vld [tilespmem:$0x460]  }
0x14c: {  	v3 =	vsel vm0, v3, v9;
	v9 =	vld [tilespmem:$0xDE0]  }
0x14d: {  	vm9 =	vgt.f32 v2, v42;
	v38 =	vsel vm7, v62, v38;
	v62 =	vld [tilespmem:$0x1FF30]  }
0x14e: {  	v42 =	vsel vm9, v2, v42;
	v48 =	vsel vm10, v53, v48;
	v53 =	vld [tilespmem:$0xFD0]  }
0x14f: {  	v2 =	vsel vm4, v54, v38;
	vm10 =	vgt.f32 v63, v42;
	v38 =	vsel vm13, v55, v48;
	v48 =	vld [tilespmem:$0xF50]  }
0x150: {  	v42 =	vsel vm10, v63, v42;
	v63 =	vld [tilespmem:$0x1FF40]  }
0x151: {  	v55 =	vld [tilespmem:$0xC60]  }
0x152: {  	vm13 =	vgt.f32 v58, v52;
	v38 =	vsel vm1, v57, v38;
	v57 =	vld [tilespmem:$0x1FF50]  }
0x153: {  	v3 =	vsel vm13, v12, v3;
	v12 =	vld [tilespmem:$0x5E0]  }
0x154: {  	vm12 =	vgt.f32 v0, v42;
	v52 =	vsel vm13, v58, v52;
	v58 =	vld [tilespmem:$0x660]  }
0x155: {  	v0 =	vsel vm12, v0, v42;
	v42 =	vld [tilespmem:$0x7D0]  }
0x156: {  	v38 =	vsel vm6, v60, v38;
	v60 =	vld [tilespmem:$0x1FF60];
	vm14 =	vgt.f32 v61, v0  }
0x157: {  	v0 =	vsel vm14, v61, v0;
	v61 =	vld [tilespmem:$0x1FF70]  }
0x158: {  	v54 =	vsel vm15, v63, v62;
	v62 =	vld [tilespmem:$0x1FF80]  }
0x159: {  	v63 =	vld [tilespmem:$0x1FF90]  }
0x15a: {  	vm8 =	vgt.f32 v1, v0;
	v54 =	vsel vm9, v57, v54;
	v57 =	vld [tilespmem:$0xCE0]  }
0x15b: {  	vm15 =	vgt.f32 v59, v52;
	v0 =	vsel vm8, v1, v0;
	v1 =	vld [tilespmem:$0x4E0]  }
0x15c: {  	v52 =	vsel vm15, v59, v52;
	v54 =	vsel vm10, v60, v54;
	v60 =	vld [tilespmem:$0x1FFA0]  }
0x15d: {  	v59 =	vld [tilespmem:$0xEE0];
	vm9 =	vgt.f32 v13, v52  }
0x15e: {  	v54 =	vsel vm12, v61, v54;
	v61 =	vsel vm9, v13, v52;
	v13 =	vld [tilespmem:$0xD60];
	vm12 =	vgt.f32 v27, v23  }
0x15f: {  	v54 =	vsel vm14, v62, v54;
	v62 =	vld [tilespmem:$0x1FFB0];
	v23 =	vsel vm12, v27, v23  }
0x160: {  	vm0 =	vgt.f32 v40, v37;
	v54 =	vsel vm8, v63, v54;
	v63 =	vld [tilespmem:$0x1FFC0];
	vm14 =	vgt.f32 v28, v23  }
0x161: {  	v8 =	vsel vm12, v15, v8;
	v15 =	vld [tilespmem:$0xFE0];
	vm10 =	vgt.f32 v60, v0;
	v28 =	vsel vm14, v28, v23  }
0x162: {  	v60 =	vsel vm0, v40, v37;
	v8 =	vsel vm14, v18, v8;
	v40 =	vld [tilespmem:$0xD70];
	vm8 =	vgt.f32 v29, v28  }
0x163: {  	v3 =	vsel vm15, v21, v3;
	v8 =	vsel vm8, v17, v8;
	v17 =	vld [tilespmem:$0x7E0]  }
0x164: {  	v27 =	vsel vm9, v4, v3;
	v38 =	vsel vm11, v62, v38;
	vm11 =	vgt.f32 v11, v61;
	v62 =	vld [tilespmem:$0xC70]  }
0x165: {  	v3 =	vsel vm8, v29, v28;
	v52 =	vsel vm10, v63, v54;
	v54 =	vld [tilespmem:$0x560];
	v0 =	vsel vm11, v11, v61  }
0x166: {  	v37 =	vsel vm0, v41, v36;
	vm9 =	vgt.f32 v30, v3;
	v61 =	vld [tilespmem:$0x6E0];
	vm13 =	vgt.f32 v14, v0  }
0x167: {  	vm10 =	vgt.f32 v43, v60;
	v3 =	vsel vm9, v30, v3;
	v11 =	vld [tilespmem:$0x760];
	v0 =	vsel vm13, v14, v0  }
0x168: {  	v8 =	vsel vm9, v25, v8;
	v63 =	vld [tilespmem:$0x470];
	vm15 =	vgt.f32 v10, v0;
	v0 =	vsel vm11, v7, v27  }
0x169: {  	v14 =	vld [tilespmem:$0xE60];
	vm11 =	vgt.f32 v31, v3;
	v0 =	vsel vm13, v6, v0;
	v6 =	vsel vm10, v43, v60  }
0x16a: {  	v3 =	vsel vm11, v31, v3;
	v8 =	vsel vm11, v22, v8;
	v43 =	vld [tilespmem:$0x570];
	vm12 =	vgt.f32 v39, v6  }
0x16b: {  	v22 =	vsel vm10, v45, v37;
	vm10 =	vgt.f32 v57, v55;
	v45 =	vld [tilespmem:$0x1FFD0];
	v6 =	vsel vm12, v39, v6  }
0x16c: {  	v60 =	vld [tilespmem:$0xFF0];
	v0 =	vsel vm15, v5, v0;
	vm13 =	vgt.f32 v32, v3;
	vm14 =	vgt.f32 v47, v6  }
0x16d: {  	v3 =	vsel vm13, v32, v3;
	v32 =	vsel vm13, v33, v8;
	v33 =	vld [tilespmem:$0xCF0];
	v6 =	vsel vm14, v47, v6  }
0x16e: {  	v5 =	vld [tilespmem:$0xF60];
	v41 =	vsel vm10, v57, v55;
	v1 =	vsel vm10, v1, v56;
	vm8 =	vgt.f32 v49, v6  }
0x16f: {  	v55 =	vld [tilespmem:$0x6F0];
	v22 =	vsel vm12, v46, v22;
	vm12 =	vgt.f32 v13, v41;
	v6 =	vsel vm8, v49, v6  }
0x170: {  	v57 =	vld [tilespmem:$0xF70];
	vm15 =	vgt.f32 v26, v3;
	v13 =	vsel vm12, v13, v41;
	vm9 =	vgt.f32 v48, v6  }
0x171: {  	[tilespmem:$0x1030] =	vst v35;
	v1 =	vsel vm12, v54, v1;
	v46 =	vsel vm14, v44, v22;
	v47 =	vld [tilespmem:$0xDF0];
	v6 =	vsel vm9, v48, v6  }
0x172: {  	[tilespmem:$0x1040] =	vst v16;
	v39 =	vld [tilespmem:$0x4F0];
	vm13 =	vgt.f32 v33, v62;
	vm11 =	vgt.f32 v53, v6;
	v6 =	vsel vm8, v50, v46  }
0x173: {  	[tilespmem:$0x1050] =	vst v19;
	vm14 =	vgt.f32 v9, v13;
	v8 =	vsel vm13, v33, v62;
	v6 =	vsel vm9, v51, v6;
	v51 =	vld [tilespmem:$0xE70]  }
0x174: {  	[tilespmem:$0x1060] =	vst v24;
	v54 =	vld [tilespmem:$0xEF0];
	v3 =	vsel vm15, v34, v32;
	v9 =	vsel vm14, v9, v13;
	vm15 =	vgt.f32 v40, v8  }
0x175: {  	[tilespmem:$0x1070] =	vst v20;
	v49 =	vld [tilespmem:$0x5F0];
	vm8 =	vgt.f32 v14, v9;
	v8 =	vsel vm15, v40, v8  }
0x176: {  	[tilespmem:$0x1080] =	vst v2;
	v1 =	vsel vm14, v12, v1;
	v48 =	vld [tilespmem:$0x1FFE0];
	v9 =	vsel vm8, v14, v9;
	vm9 =	vgt.f32 v47, v8  }
0x177: {  	[tilespmem:$0x1090] =	vst v38;
	v53 =	vld [tilespmem:$0x670];
	v1 =	vsel vm8, v58, v1;
	vm10 =	vgt.f32 v59, v9;
	v56 =	vsel vm9, v47, v8  }
0x178: {  	[tilespmem:$0x10A0] =	vst v52;
	v50 =	vld [tilespmem:$0x1FFF0];
	v6 =	vsel vm11, v42, v6;
	v1 =	vsel vm10, v61, v1;
	vm11 =	vgt.f32 v51, v56  }
0x179: {  	[tilespmem:$0x10B0] =	vst v0;
	v58 =	vld [tilespmem:$0x770];
	v7 =	vsel vm10, v59, v9;
	v59 =	vsel vm13, v39, v63;
	v4 =	vsel vm11, v51, v56  }
0x17a: {  	[tilespmem:$0x1000] =	vst v45;
	v61 =	vld [tilespmem:$0x7F0];
	vm12 =	vgt.f32 v5, v7;
	v2 =	vsel vm15, v43, v59;
	vm13 =	vgt.f32 v54, v4  }
0x17b: {  	[tilespmem:$0x10C0] =	vst v3;
	v2 =	vsel vm9, v49, v2;
	v1 =	vsel vm12, v11, v1;
	v4 =	vsel vm13, v54, v4  }
0x17c: {  	[tilespmem:$0x10D0] =	vst v6;
	v5 =	vsel vm12, v5, v7;
	v62 =	vsel vm11, v53, v2;
	vm14 =	vgt.f32 v57, v4  }
0x17d: {  	[tilespmem:$0x1010] =	vst v48;
	vm1 =	vgt.f32 v15, v5;
	v0 =	vsel vm13, v55, v62;
	v63 =	vsel vm14, v57, v4  }
0x17e: {  	[tilespmem:$0x1020] =	vst v50;
	v1 =	vsel vm1, v17, v1;
	v0 =	vsel vm14, v58, v0;
	vm15 =	vgt.f32 v60, v63  }
0x17f: {  	s30 =	sshll.u32 s1, $0x5;
	[tilespmem:$0x10E0] =	vst v1;
	v0 =	vsel vm15, v61, v0  }
0x180: {  	s31 =	simm.s32 $0x1000;
	s3 =	sadd.s32 s3, s30;
	[tilespmem:$0x10F0] =	vst v0  }
0x181: {  	[hbm4b:s3+s2] =	stream.linear.scatter [tilespmem:s31], [sflag:$0x1], $0x100, $0x38;
	[tilespmem:$0x1100] =	vst v63  }
0x182: {  	_ =	swait.ge [sflag:s29], $0x100  }
0x183: {  	[sflag:s29] =	ssyncset.done $0x0  }
0x184: {  	[sflag:s29] =	ssyncadd.s32 $0xFFFFFF00  }
0x185: {  	_ =	sfence.sel $0x180000  }
0x186: {  	[bflag:$0x0] =	sbarrier.arrive $0xFFFF  }
0x187: {  	p0 =	sne.s32 s1, $0x0;
	_ =	strace $0x90000047  }
0x188: {  	s0 =	sadd.s32 @!p0 $0x100000, s0;
	[bflag:$0x2] =	sbarrier.arrive $0xFFFF  }
0x189: {  	[sflag:s0] =	ssyncadd.tile.s32 @!p0 $0x1;
	_ =	shalt  }
.Lfunc_end2:
_tile_overlayer_lowered:
.L_overlay_start_2:
0x18a: {  	(tag) =	ssettag $0x2  }
0x18b: {  	s0 =	rddreg [dreg:$0x0];
	s2 =	stileid.u32  }
0x18c: {  	s1 =	rddreg [dreg:$0x1];
	p0 =	sne.s32 s2, $0x0  }
0x18d: {  	s3 =	rddreg [dreg:$0x2];
	[bflag:$0x3] =	sbarrier.arrive $0xFFFF;
	s2 =	simm.s32 @!p0 $0x1C01  }
0x18e: {  	[timem:s3], [sflag:s2] =	dma.local @!p0 [hbm:s0], s1  }
0x18f: {  	s0 =	simm.s32 @!p0 $0x1  }
0x190: {  	_ =	swait.ge @!p0 [sflag:s0], s1  }
0x191: {  	s1 =	ssub.s32 @!p0 $0x0, s1;
	[sflag:s0] =	ssyncset.done @!p0 $0x0  }
0x192: {  	[sflag:s0] =	ssyncadd.s32 @!p0 s1  }
0x193: {  	[bflag:$0x3] =	sbarrier.arrive $0xFFFF  }
0x194: {  	_ =	shalt  }

</sc_bundles>
